<compile_context>
chip_gen: v7x
topology: tpu7x:2x2x1
jax: 0.10.2.dev20260603
libtpu: 0.0.44.dev20260713+nightly
codegen_flags: <defaults>
</compile_context>

<pallas_src>
import functools
import numpy as np
import jax
import jax.numpy as jnp
from jax import lax
from jax.experimental import pallas as pl
from jax.experimental.pallas import tpu as pltpu
from jax.experimental.pallas import tpu_sc as plsc

N = 64
LANES = 16
NUM_WORKERS = 32
HALF = N // 2


def _build_mask():
    mask = np.zeros((N, N), dtype=bool)
    bands = [(0, 1)] + [(d, 1) for d in range(1, 16)]
    bands += [(17 + 2 * k, 2) for k in range(8)]
    bands += [(35 + 4 * k, 4) for k in range(8)]
    for d, s in bands:
        i = np.arange(0, N - d, s)
        mask[i, i + d] = True
    return mask


_MASK2D = _build_mask()
_MASKF = np.zeros(N * N + LANES, dtype=np.float32)
_MASKF[:N * N] = _MASK2D.astype(np.float32).reshape(-1)


def _sc_body(xt_hbm, maskf_hbm, outc_hbm, xtv, maskv, bufs, sems):
    ndc = xt_hbm.shape[2] // LANES
    wid = lax.axis_index("s") * 2 + lax.axis_index("c")
    b = wid // 4
    r = wid % 4

    pltpu.sync_copy(xt_hbm.at[b], xtv)
    pltpu.sync_copy(maskf_hbm, maskv)

    zero = jnp.zeros((LANES,), jnp.float32)

    def zbody(j, c):
        for buf in bufs:
            for ch in range(ndc):
                buf[j, pl.ds(ch * LANES, LANES)] = zero
        return c

    lax.fori_loop(0, HALF, zbody, 0)

    cl, ch_ = bufs

    def make_jbody(buf_c, j0, i):
        def jbody(j, R):
            m = maskv[pl.ds(i * N + j, LANES)][0]
            Rn = []
            for c in range(ndc):
                xj = xtv[j, pl.ds(c * LANES, LANES)]
                rc = jnp.maximum(R[c], xj)
                Rn.append(rc)
                buf_c[j - j0, pl.ds(c * LANES, LANES)] = rc * m
            return tuple(Rn)
        return jbody

    def slab(k, carry):
        i = r + 4 * (15 - k)

        @pl.when(k > 0)
        def _wait_low():
            pltpu.make_async_copy(cl, outc_hbm.at[b, i, pl.ds(0, HALF), :],
                                  sems.at[0]).wait()

        R0 = tuple(xtv[i, pl.ds(c * LANES, LANES)] for c in range(ndc))
        R1 = lax.fori_loop(jnp.minimum(i, HALF), HALF,
                           make_jbody(cl, 0, i), R0)
        pltpu.async_copy(cl, outc_hbm.at[b, i, pl.ds(0, HALF), :], sems.at[0])

        @pl.when(k > 0)
        def _wait_high():
            pltpu.make_async_copy(ch_, outc_hbm.at[b, i, pl.ds(HALF, HALF), :],
                                  sems.at[1]).wait()

        lax.fori_loop(jnp.maximum(i, HALF), N,
                      make_jbody(ch_, HALF, i), R1)
        pltpu.async_copy(ch_, outc_hbm.at[b, i, pl.ds(HALF, HALF), :],
                         sems.at[1])
        return carry

    lax.fori_loop(0, 16, slab, 0)

    i_last = r
    pltpu.make_async_copy(cl, outc_hbm.at[b, i_last, pl.ds(0, HALF), :],
                          sems.at[0]).wait()
    pltpu.make_async_copy(ch_, outc_hbm.at[b, i_last, pl.ds(HALF, HALF), :],
                          sems.at[1]).wait()


IBLK = 16


def _tc_boundary_body(xb_ref, xi_ref, mh_ref, out_ref):
    m = mh_ref[...][:, :, None]
    out_ref[0] = (xi_ref[0][:, None, :] + xb_ref[0][None, :, :]) * m


def kernel(x):
    B, D, n = x.shape
    xt = jnp.transpose(x, (0, 2, 1))
    maskf = jnp.asarray(_MASKF)

    sc_call = functools.partial(
        pl.kernel,
        mesh=plsc.VectorSubcoreMesh(core_axis_name="c", subcore_axis_name="s"),
        out_type=[
            jax.ShapeDtypeStruct((B, n, n, D), jnp.float32),
        ],
        scratch_types=[
            pltpu.VMEM((n, D), jnp.float32),
            pltpu.VMEM((_MASKF.shape[0],), jnp.float32),
            [pltpu.VMEM((HALF, D), jnp.float32) for _ in range(2)],
            pltpu.SemaphoreType.DMA((2,)),
        ],
        compiler_params=pltpu.CompilerParams(needs_layout_passes=False),
    )
    (outc,) = sc_call(_sc_body)(xt, maskf)

    maskh = jnp.asarray(_MASK2D.astype(np.float32) * 0.5)
    outb = pl.pallas_call(
        _tc_boundary_body,
        grid=(B, n // IBLK),
        in_specs=[
            pl.BlockSpec((1, n, D), lambda b, i: (b, 0, 0)),
            pl.BlockSpec((1, IBLK, D), lambda b, i: (b, i, 0)),
            pl.BlockSpec((IBLK, n), lambda b, i: (i, 0)),
        ],
        out_specs=pl.BlockSpec((1, IBLK, n, D), lambda b, i: (b, i, 0, 0)),
        out_shape=jax.ShapeDtypeStruct((B, n, n, D), jnp.float32),
    )(xt, xt, maskh)

    boundary = jnp.transpose(outb, (0, 3, 1, 2))
    content = jnp.transpose(outc, (0, 3, 1, 2))
    mask2d = jnp.broadcast_to(jnp.asarray(_MASK2D)[None, None], (B, 1, n, n))
    return (boundary, content, mask2d)

# --- scband reference (transcript-rebuilt; emitter-appended) ---
"""Pipeline reference for scband-sparse-boundary-content-8237747274016 (READ-ONLY COPY).

The authoritative reference and input builder live on the scoring server;
editing this copy changes nothing except your own understanding.
"""

import jax, jax.numpy as jnp
import numpy as np

POOLING_COUNTS = [15, 8, 8]
N = 64


def build():
    mask2d = np.zeros((N, N), dtype=bool)
    mask2d[np.arange(N), np.arange(N)] = True
    stride, offset = 1, 0
    maskij = []
    for c in POOLING_COUNTS:
        for _ in range(c):
            offset += stride
            i = np.arange(0, N - offset, stride)
            j = np.arange(offset, N, stride)
            mask2d[i, j] = True
            maskij.append((i, j))
        stride *= 2
    pool_specs = [(2, 1)] * POOLING_COUNTS[0]
    for c in POOLING_COUNTS[1:]:
        pool_specs += [(3, 2)] + [(2, 1)] * (c - 1)
    return mask2d, maskij, pool_specs


def maxpool1d(x, kernel, stride):
    # x: [B, D, L]; emulates torch.nn.MaxPool1d(kernel, stride)
    L = x.shape[-1]
    out_len = (L - kernel) // stride + 1
    base = np.arange(out_len) * stride
    cols = [x[..., base + k] for k in range(kernel)]
    return jnp.max(jnp.stack(cols, axis=0), axis=0)


def setup_inputs(seed: int = 0) -> dict:
    key = jax.random.key(seed)
    x = jax.random.normal(key, (8, 512, 64), dtype=jnp.float32)
    return {"x": x}


def reference(x):
    mask2d_np, maskij, pool_specs = build()
    B, D, Nn = x.shape
    diag = jnp.arange(Nn)
    boundary = jnp.zeros((B, D, Nn, Nn), dtype=x.dtype)
    content = jnp.zeros((B, D, Nn, Nn), dtype=x.dtype)
    # diagonal scatter-overwrite
    boundary = boundary.at[:, :, diag, diag].set(x)
    content = content.at[:, :, diag, diag].set(x)
    # boundary map: uses the ORIGINAL x for every (i, j) band
    x0 = x
    for (i, j) in maskij:
        ii = jnp.asarray(i)
        jj = jnp.asarray(j)
        boundary = boundary.at[:, :, ii, jj].set((x0[:, :, ii] + x0[:, :, jj]) / 2.0)
    # content map: progressively max-pooled x scattered into bands
    xc = x0
    for (ks, st), (i, j) in zip(pool_specs, maskij):
        xc = maxpool1d(xc, ks, st)
        content = content.at[:, :, jnp.asarray(i), jnp.asarray(j)].set(xc)
    mask2d = jnp.broadcast_to(jnp.asarray(mask2d_np)[None, None, :, :], (B, 1, Nn, Nn))
    return (boundary, content, mask2d)

if __name__ == "__main__":
    import jax
    _d = setup_inputs()
    print(jax.jit(kernel)(*tuple(_d.values())))

</pallas_src>

<mosaic_0001>
#map = affine_map<(d0, d1) -> (0, 0, 0)>
#map1 = affine_map<(d0, d1) -> (0)>
#map2 = affine_map<(d0, d1) -> (0, 0, 0, 0)>
module attributes {stable_mosaic.version = 14 : i64} {
  func.func @_sc_body(%arg0: i32, %arg1: i32, %arg2: memref<8x64x512xf32, #tpu.memory_space<hbm>>, %arg3: memref<4112xf32, #tpu.memory_space<hbm>>, %arg4: memref<8x64x64x512xf32, #tpu.memory_space<hbm>>, %arg5: memref<64x512xf32, #tpu.memory_space<vmem>>, %arg6: memref<4112xf32, #tpu.memory_space<vmem>>, %arg7: memref<32x512xf32, #tpu.memory_space<vmem>>, %arg8: memref<32x512xf32, #tpu.memory_space<vmem>>, %arg9: memref<2x!tpu.dma_semaphore, #tpu.memory_space<semaphore_mem>>) attributes {dimension_semantics = [#tpu.dimension_semantics<core_parallel>, #tpu.dimension_semantics<subcore_parallel>], iteration_bounds = array<i64: 2, 16>, scalar_prefetch = 0 : i64, scratch_operands = 5 : i64, tpu.core_type = #tpu.core_type<sc_vector_subcore>, window_params = [{transform_indices = #map}, {transform_indices = #map1}, {transform_indices = #map2}]} {
    %mul3A = arith.constant 2 : i32
    %mul3A_0 = arith.muli %arg1, %mul3A : i32
    %add3A = arith.addi %mul3A_0, %arg0 : i32
    %jit3A = arith.constant 4 : i32
    %div3A = arith.divsi %add3A, %jit3A : i32
    %sign3A = arith.constant 0 : i32
    %sign3A_1 = arith.cmpi sgt, %add3A, %sign3A : i32
    %sign3A_2 = arith.extui %sign3A_1 : i1 to i32
    %sign3A_3 = arith.constant 0 : i32
    %sign3A_4 = arith.cmpi slt, %add3A, %sign3A_3 : i32
    %sign3A_5 = arith.extui %sign3A_4 : i1 to i32
    %sign3A_6 = arith.subi %sign3A_2, %sign3A_5 : i32
    %sign3A_7 = arith.constant 0 : i32
    %sign3A_8 = arith.cmpi sgt, %jit3A, %sign3A_7 : i32
    %sign3A_9 = arith.extui %sign3A_8 : i1 to i32
    %sign3A_10 = arith.constant 0 : i32
    %sign3A_11 = arith.cmpi slt, %jit3A, %sign3A_10 : i32
    %sign3A_12 = arith.extui %sign3A_11 : i1 to i32
    %sign3A_13 = arith.subi %sign3A_9, %sign3A_12 : i32
    %ne3A = arith.cmpi ne, %sign3A_6, %sign3A_13 : i32
    %rem3A = arith.remsi %add3A, %jit3A : i32
    %ne3A_14 = arith.constant 0 : i32
    %ne3A_15 = arith.cmpi ne, %rem3A, %ne3A_14 : i32
    %and3A = arith.andi %ne3A, %ne3A_15 : i1
    %sub3A = arith.constant 1 : i32
    %sub3A_16 = arith.subi %div3A, %sub3A : i32
    %select_n3A = arith.select %and3A, %sub3A_16, %div3A : i32
    %jit3A_17 = arith.constant 4 : i32
    %eq3A = arith.constant 0 : i32
    %eq3A_18 = arith.cmpi eq, %jit3A_17, %eq3A : i32
    %jit3A_19 = arith.constant 1 : i32
    %select_n3A_20 = arith.select %eq3A_18, %jit3A_19, %jit3A_17 : i32
    %rem3A_21 = arith.remsi %add3A, %select_n3A_20 : i32
    %ne3A_22 = arith.constant 0 : i32
    %ne3A_23 = arith.cmpi ne, %rem3A_21, %ne3A_22 : i32
    %lt3A = arith.constant 0 : i32
    %lt3A_24 = arith.cmpi slt, %rem3A_21, %lt3A : i32
    %lt3A_25 = arith.constant 0 : i32
    %lt3A_26 = arith.cmpi slt, %select_n3A_20, %lt3A_25 : i32
    %ne3A_27 = arith.xori %lt3A_24, %lt3A_26 : i1
    %and3A_28 = arith.andi %ne3A_27, %ne3A_23 : i1
    %add3A_29 = arith.addi %rem3A_21, %select_n3A_20 : i32
    %select_n3A_30 = arith.select %and3A_28, %add3A_29, %rem3A_21 : i32
    "tpu.region"() ({
      %run_scoped3A = tpu.sem_alloc : memref<!tpu.dma_semaphore, #tpu.memory_space<semaphore_mem>>
      %dma_start3A = arith.constant 0 : i32
      %dma_start3A_64 = arith.constant 0 : i32
      %dma_start3A_65 = tpu.memref_slice %arg2[%select_n3A, %dma_start3A, %dma_start3A_64] : memref<8x64x512xf32, #tpu.memory_space<hbm>> -> memref<1x64x512xf32, #tpu.memory_space<hbm>>
      %dma_start3A_66 = tpu.memref_squeeze %dma_start3A_65 : memref<1x64x512xf32, #tpu.memory_space<hbm>> -> memref<64x512xf32, #tpu.memory_space<hbm>>
      %dma_start3A_67 = arith.constant 0 : i32
      %dma_start3A_68 = arith.constant 0 : i32
      %dma_start3A_69 = tpu.memref_slice %arg2[%select_n3A, %dma_start3A_67, %dma_start3A_68] : memref<8x64x512xf32, #tpu.memory_space<hbm>> -> memref<1x64x512xf32, #tpu.memory_space<hbm>>
      %dma_start3A_70 = tpu.memref_squeeze %dma_start3A_69 : memref<1x64x512xf32, #tpu.memory_space<hbm>> -> memref<64x512xf32, #tpu.memory_space<hbm>>
      tpu.enqueue_dma source(%dma_start3A_70 : memref<64x512xf32, #tpu.memory_space<hbm>>) target(%arg5 : memref<64x512xf32, #tpu.memory_space<vmem>>) target_semaphore(%run_scoped3A : memref<!tpu.dma_semaphore, #tpu.memory_space<semaphore_mem>>)
      %dma_wait3A_71 = arith.constant 0 : i32
      %dma_wait3A_72 = arith.constant 0 : i32
      %dma_wait3A_73 = tpu.memref_slice %arg2[%select_n3A, %dma_wait3A_71, %dma_wait3A_72] : memref<8x64x512xf32, #tpu.memory_space<hbm>> -> memref<1x64x512xf32, #tpu.memory_space<hbm>>
      %dma_wait3A_74 = tpu.memref_squeeze %dma_wait3A_73 : memref<1x64x512xf32, #tpu.memory_space<hbm>> -> memref<64x512xf32, #tpu.memory_space<hbm>>
      %dma_wait3A_75 = arith.constant 0 : i32
      %dma_wait3A_76 = arith.constant 0 : i32
      %dma_wait3A_77 = tpu.memref_slice %arg2[%select_n3A, %dma_wait3A_75, %dma_wait3A_76] : memref<8x64x512xf32, #tpu.memory_space<hbm>> -> memref<1x64x512xf32, #tpu.memory_space<hbm>>
      %dma_wait3A_78 = tpu.memref_squeeze %dma_wait3A_77 : memref<1x64x512xf32, #tpu.memory_space<hbm>> -> memref<64x512xf32, #tpu.memory_space<hbm>>
      tpu.wait_dma2 semaphore(%run_scoped3A : memref<!tpu.dma_semaphore, #tpu.memory_space<semaphore_mem>>) src(%dma_wait3A_78 : memref<64x512xf32, #tpu.memory_space<hbm>>) dst(%arg5 : memref<64x512xf32, #tpu.memory_space<vmem>>)
      tpu.yield
    }) : () -> ()
    "tpu.region"() ({
      %run_scoped3A = tpu.sem_alloc : memref<!tpu.dma_semaphore, #tpu.memory_space<semaphore_mem>>
      tpu.enqueue_dma source(%arg3 : memref<4112xf32, #tpu.memory_space<hbm>>) target(%arg6 : memref<4112xf32, #tpu.memory_space<vmem>>) target_semaphore(%run_scoped3A : memref<!tpu.dma_semaphore, #tpu.memory_space<semaphore_mem>>)
      tpu.wait_dma2 semaphore(%run_scoped3A : memref<!tpu.dma_semaphore, #tpu.memory_space<semaphore_mem>>) src(%arg3 : memref<4112xf32, #tpu.memory_space<hbm>>) dst(%arg6 : memref<4112xf32, #tpu.memory_space<vmem>>)
      tpu.yield
    }) : () -> ()
    %broadcast_in_dim3A = arith.constant 0.000000e+00 : f32
    %broadcast_in_dim3A_31 = vector.broadcast %broadcast_in_dim3A : f32 to vector<16xf32>
    %scan3A = arith.constant 0 : i32
    %scan3A_32 = arith.constant 0 : i32
    %scan3A_33 = arith.constant 32 : i32
    %scan3A_34 = arith.addi %scan3A_32, %scan3A_33 : i32
    %scan3A_35 = arith.constant 1 : i32
    scf.for %scan3A_64 = %scan3A_32 to %scan3A_34 step %scan3A_35  : i32 {
      %swap3A = arith.index_cast %scan3A_64 : i32 to index
      %swap3A_65 = arith.constant 0 : index
      %swap3A_66 = tpu.vector_load %arg7[%swap3A, %swap3A_65] {strides = array<i32>} : memref<32x512xf32, #tpu.memory_space<vmem>>, vector<16xf32>,
      tpu.vector_store %arg7[%swap3A, %swap3A_65], %broadcast_in_dim3A_31 {strides = array<i32>} : memref<32x512xf32, #tpu.memory_space<vmem>>, vector<16xf32>,
      %swap3A_67 = arith.index_cast %scan3A_64 : i32 to index
      %swap3A_68 = arith.constant 16 : index
      %swap3A_69 = tpu.vector_load %arg7[%swap3A_67, %swap3A_68] {strides = array<i32>} : memref<32x512xf32, #tpu.memory_space<vmem>>, vector<16xf32>,
      tpu.vector_store %arg7[%swap3A_67, %swap3A_68], %broadcast_in_dim3A_31 {strides = array<i32>} : memref<32x512xf32, #tpu.memory_space<vmem>>, vector<16xf32>,
      %swap3A_70 = arith.index_cast %scan3A_64 : i32 to index
      %swap3A_71 = arith.constant 32 : index
      %swap3A_72 = tpu.vector_load %arg7[%swap3A_70, %swap3A_71] {strides = array<i32>} : memref<32x512xf32, #tpu.memory_space<vmem>>, vector<16xf32>,
      tpu.vector_store %arg7[%swap3A_70, %swap3A_71], %broadcast_in_dim3A_31 {strides = array<i32>} : memref<32x512xf32, #tpu.memory_space<vmem>>, vector<16xf32>,
      %swap3A_73 = arith.index_cast %scan3A_64 : i32 to index
      %swap3A_74 = arith.constant 48 : index
      %swap3A_75 = tpu.vector_load %arg7[%swap3A_73, %swap3A_74] {strides = array<i32>} : memref<32x512xf32, #tpu.memory_space<vmem>>, vector<16xf32>,
      tpu.vector_store %arg7[%swap3A_73, %swap3A_74], %broadcast_in_dim3A_31 {strides = array<i32>} : memref<32x512xf32, #tpu.memory_space<vmem>>, vector<16xf32>,
      %swap3A_76 = arith.index_cast %scan3A_64 : i32 to index
      %swap3A_77 = arith.constant 64 : index
      %swap3A_78 = tpu.vector_load %arg7[%swap3A_76, %swap3A_77] {strides = array<i32>} : memref<32x512xf32, #tpu.memory_space<vmem>>, vector<16xf32>,
      tpu.vector_store %arg7[%swap3A_76, %swap3A_77], %broadcast_in_dim3A_31 {strides = array<i32>} : memref<32x512xf32, #tpu.memory_space<vmem>>, vector<16xf32>,
      %swap3A_79 = arith.index_cast %scan3A_64 : i32 to index
      %swap3A_80 = arith.constant 80 : index
      %swap3A_81 = tpu.vector_load %arg7[%swap3A_79, %swap3A_80] {strides = array<i32>} : memref<32x512xf32, #tpu.memory_space<vmem>>, vector<16xf32>,
      tpu.vector_store %arg7[%swap3A_79, %swap3A_80], %broadcast_in_dim3A_31 {strides = array<i32>} : memref<32x512xf32, #tpu.memory_space<vmem>>, vector<16xf32>,
      %swap3A_82 = arith.index_cast %scan3A_64 : i32 to index
      %swap3A_83 = arith.constant 96 : index
      %swap3A_84 = tpu.vector_load %arg7[%swap3A_82, %swap3A_83] {strides = array<i32>} : memref<32x512xf32, #tpu.memory_space<vmem>>, vector<16xf32>,
      tpu.vector_store %arg7[%swap3A_82, %swap3A_83], %broadcast_in_dim3A_31 {strides = array<i32>} : memref<32x512xf32, #tpu.memory_space<vmem>>, vector<16xf32>,
      %swap3A_85 = arith.index_cast %scan3A_64 : i32 to index
      %swap3A_86 = arith.constant 112 : index
      %swap3A_87 = tpu.vector_load %arg7[%swap3A_85, %swap3A_86] {strides = array<i32>} : memref<32x512xf32, #tpu.memory_space<vmem>>, vector<16xf32>,
      tpu.vector_store %arg7[%swap3A_85, %swap3A_86], %broadcast_in_dim3A_31 {strides = array<i32>} : memref<32x512xf32, #tpu.memory_space<vmem>>, vector<16xf32>,
      %swap3A_88 = arith.index_cast %scan3A_64 : i32 to index
      %swap3A_89 = arith.constant 128 : index
      %swap3A_90 = tpu.vector_load %arg7[%swap3A_88, %swap3A_89] {strides = array<i32>} : memref<32x512xf32, #tpu.memory_space<vmem>>, vector<16xf32>,
      tpu.vector_store %arg7[%swap3A_88, %swap3A_89], %broadcast_in_dim3A_31 {strides = array<i32>} : memref<32x512xf32, #tpu.memory_space<vmem>>, vector<16xf32>,
      %swap3A_91 = arith.index_cast %scan3A_64 : i32 to index
      %swap3A_92 = arith.constant 144 : index
      %swap3A_93 = tpu.vector_load %arg7[%swap3A_91, %swap3A_92] {strides = array<i32>} : memref<32x512xf32, #tpu.memory_space<vmem>>, vector<16xf32>,
      tpu.vector_store %arg7[%swap3A_91, %swap3A_92], %broadcast_in_dim3A_31 {strides = array<i32>} : memref<32x512xf32, #tpu.memory_space<vmem>>, vector<16xf32>,
      %swap3A_94 = arith.index_cast %scan3A_64 : i32 to index
      %swap3A_95 = arith.constant 160 : index
      %swap3A_96 = tpu.vector_load %arg7[%swap3A_94, %swap3A_95] {strides = array<i32>} : memref<32x512xf32, #tpu.memory_space<vmem>>, vector<16xf32>,
      tpu.vector_store %arg7[%swap3A_94, %swap3A_95], %broadcast_in_dim3A_31 {strides = array<i32>} : memref<32x512xf32, #tpu.memory_space<vmem>>, vector<16xf32>,
      %swap3A_97 = arith.index_cast %scan3A_64 : i32 to index
      %swap3A_98 = arith.constant 176 : index
      %swap3A_99 = tpu.vector_load %arg7[%swap3A_97, %swap3A_98] {strides = array<i32>} : memref<32x512xf32, #tpu.memory_space<vmem>>, vector<16xf32>,
      tpu.vector_store %arg7[%swap3A_97, %swap3A_98], %broadcast_in_dim3A_31 {strides = array<i32>} : memref<32x512xf32, #tpu.memory_space<vmem>>, vector<16xf32>,
      %swap3A_100 = arith.index_cast %scan3A_64 : i32 to index
      %swap3A_101 = arith.constant 192 : index
      %swap3A_102 = tpu.vector_load %arg7[%swap3A_100, %swap3A_101] {strides = array<i32>} : memref<32x512xf32, #tpu.memory_space<vmem>>, vector<16xf32>,
      tpu.vector_store %arg7[%swap3A_100, %swap3A_101], %broadcast_in_dim3A_31 {strides = array<i32>} : memref<32x512xf32, #tpu.memory_space<vmem>>, vector<16xf32>,
      %swap3A_103 = arith.index_cast %scan3A_64 : i32 to index
      %swap3A_104 = arith.constant 208 : index
      %swap3A_105 = tpu.vector_load %arg7[%swap3A_103, %swap3A_104] {strides = array<i32>} : memref<32x512xf32, #tpu.memory_space<vmem>>, vector<16xf32>,
      tpu.vector_store %arg7[%swap3A_103, %swap3A_104], %broadcast_in_dim3A_31 {strides = array<i32>} : memref<32x512xf32, #tpu.memory_space<vmem>>, vector<16xf32>,
      %swap3A_106 = arith.index_cast %scan3A_64 : i32 to index
      %swap3A_107 = arith.constant 224 : index
      %swap3A_108 = tpu.vector_load %arg7[%swap3A_106, %swap3A_107] {strides = array<i32>} : memref<32x512xf32, #tpu.memory_space<vmem>>, vector<16xf32>,
      tpu.vector_store %arg7[%swap3A_106, %swap3A_107], %broadcast_in_dim3A_31 {strides = array<i32>} : memref<32x512xf32, #tpu.memory_space<vmem>>, vector<16xf32>,
      %swap3A_109 = arith.index_cast %scan3A_64 : i32 to index
      %swap3A_110 = arith.constant 240 : index
      %swap3A_111 = tpu.vector_load %arg7[%swap3A_109, %swap3A_110] {strides = array<i32>} : memref<32x512xf32, #tpu.memory_space<vmem>>, vector<16xf32>,
      tpu.vector_store %arg7[%swap3A_109, %swap3A_110], %broadcast_in_dim3A_31 {strides = array<i32>} : memref<32x512xf32, #tpu.memory_space<vmem>>, vector<16xf32>,
      %swap3A_112 = arith.index_cast %scan3A_64 : i32 to index
      %swap3A_113 = arith.constant 256 : index
      %swap3A_114 = tpu.vector_load %arg7[%swap3A_112, %swap3A_113] {strides = array<i32>} : memref<32x512xf32, #tpu.memory_space<vmem>>, vector<16xf32>,
      tpu.vector_store %arg7[%swap3A_112, %swap3A_113], %broadcast_in_dim3A_31 {strides = array<i32>} : memref<32x512xf32, #tpu.memory_space<vmem>>, vector<16xf32>,
      %swap3A_115 = arith.index_cast %scan3A_64 : i32 to index
      %swap3A_116 = arith.constant 272 : index
      %swap3A_117 = tpu.vector_load %arg7[%swap3A_115, %swap3A_116] {strides = array<i32>} : memref<32x512xf32, #tpu.memory_space<vmem>>, vector<16xf32>,
      tpu.vector_store %arg7[%swap3A_115, %swap3A_116], %broadcast_in_dim3A_31 {strides = array<i32>} : memref<32x512xf32, #tpu.memory_space<vmem>>, vector<16xf32>,
      %swap3A_118 = arith.index_cast %scan3A_64 : i32 to index
      %swap3A_119 = arith.constant 288 : index
      %swap3A_120 = tpu.vector_load %arg7[%swap3A_118, %swap3A_119] {strides = array<i32>} : memref<32x512xf32, #tpu.memory_space<vmem>>, vector<16xf32>,
      tpu.vector_store %arg7[%swap3A_118, %swap3A_119], %broadcast_in_dim3A_31 {strides = array<i32>} : memref<32x512xf32, #tpu.memory_space<vmem>>, vector<16xf32>,
      %swap3A_121 = arith.index_cast %scan3A_64 : i32 to index
      %swap3A_122 = arith.constant 304 : index
      %swap3A_123 = tpu.vector_load %arg7[%swap3A_121, %swap3A_122] {strides = array<i32>} : memref<32x512xf32, #tpu.memory_space<vmem>>, vector<16xf32>,
      tpu.vector_store %arg7[%swap3A_121, %swap3A_122], %broadcast_in_dim3A_31 {strides = array<i32>} : memref<32x512xf32, #tpu.memory_space<vmem>>, vector<16xf32>,
      %swap3A_124 = arith.index_cast %scan3A_64 : i32 to index
      %swap3A_125 = arith.constant 320 : index
      %swap3A_126 = tpu.vector_load %arg7[%swap3A_124, %swap3A_125] {strides = array<i32>} : memref<32x512xf32, #tpu.memory_space<vmem>>, vector<16xf32>,
      tpu.vector_store %arg7[%swap3A_124, %swap3A_125], %broadcast_in_dim3A_31 {strides = array<i32>} : memref<32x512xf32, #tpu.memory_space<vmem>>, vector<16xf32>,
      %swap3A_127 = arith.index_cast %scan3A_64 : i32 to index
      %swap3A_128 = arith.constant 336 : index
      %swap3A_129 = tpu.vector_load %arg7[%swap3A_127, %swap3A_128] {strides = array<i32>} : memref<32x512xf32, #tpu.memory_space<vmem>>, vector<16xf32>,
      tpu.vector_store %arg7[%swap3A_127, %swap3A_128], %broadcast_in_dim3A_31 {strides = array<i32>} : memref<32x512xf32, #tpu.memory_space<vmem>>, vector<16xf32>,
      %swap3A_130 = arith.index_cast %scan3A_64 : i32 to index
      %swap3A_131 = arith.constant 352 : index
      %swap3A_132 = tpu.vector_load %arg7[%swap3A_130, %swap3A_131] {strides = array<i32>} : memref<32x512xf32, #tpu.memory_space<vmem>>, vector<16xf32>,
      tpu.vector_store %arg7[%swap3A_130, %swap3A_131], %broadcast_in_dim3A_31 {strides = array<i32>} : memref<32x512xf32, #tpu.memory_space<vmem>>, vector<16xf32>,
      %swap3A_133 = arith.index_cast %scan3A_64 : i32 to index
      %swap3A_134 = arith.constant 368 : index
      %swap3A_135 = tpu.vector_load %arg7[%swap3A_133, %swap3A_134] {strides = array<i32>} : memref<32x512xf32, #tpu.memory_space<vmem>>, vector<16xf32>,
      tpu.vector_store %arg7[%swap3A_133, %swap3A_134], %broadcast_in_dim3A_31 {strides = array<i32>} : memref<32x512xf32, #tpu.memory_space<vmem>>, vector<16xf32>,
      %swap3A_136 = arith.index_cast %scan3A_64 : i32 to index
      %swap3A_137 = arith.constant 384 : index
      %swap3A_138 = tpu.vector_load %arg7[%swap3A_136, %swap3A_137] {strides = array<i32>} : memref<32x512xf32, #tpu.memory_space<vmem>>, vector<16xf32>,
      tpu.vector_store %arg7[%swap3A_136, %swap3A_137], %broadcast_in_dim3A_31 {strides = array<i32>} : memref<32x512xf32, #tpu.memory_space<vmem>>, vector<16xf32>,
      %swap3A_139 = arith.index_cast %scan3A_64 : i32 to index
      %swap3A_140 = arith.constant 400 : index
      %swap3A_141 = tpu.vector_load %arg7[%swap3A_139, %swap3A_140] {strides = array<i32>} : memref<32x512xf32, #tpu.memory_space<vmem>>, vector<16xf32>,
      tpu.vector_store %arg7[%swap3A_139, %swap3A_140], %broadcast_in_dim3A_31 {strides = array<i32>} : memref<32x512xf32, #tpu.memory_space<vmem>>, vector<16xf32>,
      %swap3A_142 = arith.index_cast %scan3A_64 : i32 to index
      %swap3A_143 = arith.constant 416 : index
      %swap3A_144 = tpu.vector_load %arg7[%swap3A_142, %swap3A_143] {strides = array<i32>} : memref<32x512xf32, #tpu.memory_space<vmem>>, vector<16xf32>,
      tpu.vector_store %arg7[%swap3A_142, %swap3A_143], %broadcast_in_dim3A_31 {strides = array<i32>} : memref<32x512xf32, #tpu.memory_space<vmem>>, vector<16xf32>,
      %swap3A_145 = arith.index_cast %scan3A_64 : i32 to index
      %swap3A_146 = arith.constant 432 : index
      %swap3A_147 = tpu.vector_load %arg7[%swap3A_145, %swap3A_146] {strides = array<i32>} : memref<32x512xf32, #tpu.memory_space<vmem>>, vector<16xf32>,
      tpu.vector_store %arg7[%swap3A_145, %swap3A_146], %broadcast_in_dim3A_31 {strides = array<i32>} : memref<32x512xf32, #tpu.memory_space<vmem>>, vector<16xf32>,
      %swap3A_148 = arith.index_cast %scan3A_64 : i32 to index
      %swap3A_149 = arith.constant 448 : index
      %swap3A_150 = tpu.vector_load %arg7[%swap3A_148, %swap3A_149] {strides = array<i32>} : memref<32x512xf32, #tpu.memory_space<vmem>>, vector<16xf32>,
      tpu.vector_store %arg7[%swap3A_148, %swap3A_149], %broadcast_in_dim3A_31 {strides = array<i32>} : memref<32x512xf32, #tpu.memory_space<vmem>>, vector<16xf32>,
      %swap3A_151 = arith.index_cast %scan3A_64 : i32 to index
      %swap3A_152 = arith.constant 464 : index
      %swap3A_153 = tpu.vector_load %arg7[%swap3A_151, %swap3A_152] {strides = array<i32>} : memref<32x512xf32, #tpu.memory_space<vmem>>, vector<16xf32>,
      tpu.vector_store %arg7[%swap3A_151, %swap3A_152], %broadcast_in_dim3A_31 {strides = array<i32>} : memref<32x512xf32, #tpu.memory_space<vmem>>, vector<16xf32>,
      %swap3A_154 = arith.index_cast %scan3A_64 : i32 to index
      %swap3A_155 = arith.constant 480 : index
      %swap3A_156 = tpu.vector_load %arg7[%swap3A_154, %swap3A_155] {strides = array<i32>} : memref<32x512xf32, #tpu.memory_space<vmem>>, vector<16xf32>,
      tpu.vector_store %arg7[%swap3A_154, %swap3A_155], %broadcast_in_dim3A_31 {strides = array<i32>} : memref<32x512xf32, #tpu.memory_space<vmem>>, vector<16xf32>,
      %swap3A_157 = arith.index_cast %scan3A_64 : i32 to index
      %swap3A_158 = arith.constant 496 : index
      %swap3A_159 = tpu.vector_load %arg7[%swap3A_157, %swap3A_158] {strides = array<i32>} : memref<32x512xf32, #tpu.memory_space<vmem>>, vector<16xf32>,
      tpu.vector_store %arg7[%swap3A_157, %swap3A_158], %broadcast_in_dim3A_31 {strides = array<i32>} : memref<32x512xf32, #tpu.memory_space<vmem>>, vector<16xf32>,
      %swap3A_160 = arith.index_cast %scan3A_64 : i32 to index
      %swap3A_161 = arith.constant 0 : index
      %swap3A_162 = tpu.vector_load %arg8[%swap3A_160, %swap3A_161] {strides = array<i32>} : memref<32x512xf32, #tpu.memory_space<vmem>>, vector<16xf32>,
      tpu.vector_store %arg8[%swap3A_160, %swap3A_161], %broadcast_in_dim3A_31 {strides = array<i32>} : memref<32x512xf32, #tpu.memory_space<vmem>>, vector<16xf32>,
      %swap3A_163 = arith.index_cast %scan3A_64 : i32 to index
      %swap3A_164 = arith.constant 16 : index
      %swap3A_165 = tpu.vector_load %arg8[%swap3A_163, %swap3A_164] {strides = array<i32>} : memref<32x512xf32, #tpu.memory_space<vmem>>, vector<16xf32>,
      tpu.vector_store %arg8[%swap3A_163, %swap3A_164], %broadcast_in_dim3A_31 {strides = array<i32>} : memref<32x512xf32, #tpu.memory_space<vmem>>, vector<16xf32>,
      %swap3A_166 = arith.index_cast %scan3A_64 : i32 to index
      %swap3A_167 = arith.constant 32 : index
      %swap3A_168 = tpu.vector_load %arg8[%swap3A_166, %swap3A_167] {strides = array<i32>} : memref<32x512xf32, #tpu.memory_space<vmem>>, vector<16xf32>,
      tpu.vector_store %arg8[%swap3A_166, %swap3A_167], %broadcast_in_dim3A_31 {strides = array<i32>} : memref<32x512xf32, #tpu.memory_space<vmem>>, vector<16xf32>,
      %swap3A_169 = arith.index_cast %scan3A_64 : i32 to index
      %swap3A_170 = arith.constant 48 : index
      %swap3A_171 = tpu.vector_load %arg8[%swap3A_169, %swap3A_170] {strides = array<i32>} : memref<32x512xf32, #tpu.memory_space<vmem>>, vector<16xf32>,
      tpu.vector_store %arg8[%swap3A_169, %swap3A_170], %broadcast_in_dim3A_31 {strides = array<i32>} : memref<32x512xf32, #tpu.memory_space<vmem>>, vector<16xf32>,
      %swap3A_172 = arith.index_cast %scan3A_64 : i32 to index
      %swap3A_173 = arith.constant 64 : index
      %swap3A_174 = tpu.vector_load %arg8[%swap3A_172, %swap3A_173] {strides = array<i32>} : memref<32x512xf32, #tpu.memory_space<vmem>>, vector<16xf32>,
      tpu.vector_store %arg8[%swap3A_172, %swap3A_173], %broadcast_in_dim3A_31 {strides = array<i32>} : memref<32x512xf32, #tpu.memory_space<vmem>>, vector<16xf32>,
      %swap3A_175 = arith.index_cast %scan3A_64 : i32 to index
      %swap3A_176 = arith.constant 80 : index
      %swap3A_177 = tpu.vector_load %arg8[%swap3A_175, %swap3A_176] {strides = array<i32>} : memref<32x512xf32, #tpu.memory_space<vmem>>, vector<16xf32>,
      tpu.vector_store %arg8[%swap3A_175, %swap3A_176], %broadcast_in_dim3A_31 {strides = array<i32>} : memref<32x512xf32, #tpu.memory_space<vmem>>, vector<16xf32>,
      %swap3A_178 = arith.index_cast %scan3A_64 : i32 to index
      %swap3A_179 = arith.constant 96 : index
      %swap3A_180 = tpu.vector_load %arg8[%swap3A_178, %swap3A_179] {strides = array<i32>} : memref<32x512xf32, #tpu.memory_space<vmem>>, vector<16xf32>,
      tpu.vector_store %arg8[%swap3A_178, %swap3A_179], %broadcast_in_dim3A_31 {strides = array<i32>} : memref<32x512xf32, #tpu.memory_space<vmem>>, vector<16xf32>,
      %swap3A_181 = arith.index_cast %scan3A_64 : i32 to index
      %swap3A_182 = arith.constant 112 : index
      %swap3A_183 = tpu.vector_load %arg8[%swap3A_181, %swap3A_182] {strides = array<i32>} : memref<32x512xf32, #tpu.memory_space<vmem>>, vector<16xf32>,
      tpu.vector_store %arg8[%swap3A_181, %swap3A_182], %broadcast_in_dim3A_31 {strides = array<i32>} : memref<32x512xf32, #tpu.memory_space<vmem>>, vector<16xf32>,
      %swap3A_184 = arith.index_cast %scan3A_64 : i32 to index
      %swap3A_185 = arith.constant 128 : index
      %swap3A_186 = tpu.vector_load %arg8[%swap3A_184, %swap3A_185] {strides = array<i32>} : memref<32x512xf32, #tpu.memory_space<vmem>>, vector<16xf32>,
      tpu.vector_store %arg8[%swap3A_184, %swap3A_185], %broadcast_in_dim3A_31 {strides = array<i32>} : memref<32x512xf32, #tpu.memory_space<vmem>>, vector<16xf32>,
      %swap3A_187 = arith.index_cast %scan3A_64 : i32 to index
      %swap3A_188 = arith.constant 144 : index
      %swap3A_189 = tpu.vector_load %arg8[%swap3A_187, %swap3A_188] {strides = array<i32>} : memref<32x512xf32, #tpu.memory_space<vmem>>, vector<16xf32>,
      tpu.vector_store %arg8[%swap3A_187, %swap3A_188], %broadcast_in_dim3A_31 {strides = array<i32>} : memref<32x512xf32, #tpu.memory_space<vmem>>, vector<16xf32>,
      %swap3A_190 = arith.index_cast %scan3A_64 : i32 to index
      %swap3A_191 = arith.constant 160 : index
      %swap3A_192 = tpu.vector_load %arg8[%swap3A_190, %swap3A_191] {strides = array<i32>} : memref<32x512xf32, #tpu.memory_space<vmem>>, vector<16xf32>,
      tpu.vector_store %arg8[%swap3A_190, %swap3A_191], %broadcast_in_dim3A_31 {strides = array<i32>} : memref<32x512xf32, #tpu.memory_space<vmem>>, vector<16xf32>,
      %swap3A_193 = arith.index_cast %scan3A_64 : i32 to index
      %swap3A_194 = arith.constant 176 : index
      %swap3A_195 = tpu.vector_load %arg8[%swap3A_193, %swap3A_194] {strides = array<i32>} : memref<32x512xf32, #tpu.memory_space<vmem>>, vector<16xf32>,
      tpu.vector_store %arg8[%swap3A_193, %swap3A_194], %broadcast_in_dim3A_31 {strides = array<i32>} : memref<32x512xf32, #tpu.memory_space<vmem>>, vector<16xf32>,
      %swap3A_196 = arith.index_cast %scan3A_64 : i32 to index
      %swap3A_197 = arith.constant 192 : index
      %swap3A_198 = tpu.vector_load %arg8[%swap3A_196, %swap3A_197] {strides = array<i32>} : memref<32x512xf32, #tpu.memory_space<vmem>>, vector<16xf32>,
      tpu.vector_store %arg8[%swap3A_196, %swap3A_197], %broadcast_in_dim3A_31 {strides = array<i32>} : memref<32x512xf32, #tpu.memory_space<vmem>>, vector<16xf32>,
      %swap3A_199 = arith.index_cast %scan3A_64 : i32 to index
      %swap3A_200 = arith.constant 208 : index
      %swap3A_201 = tpu.vector_load %arg8[%swap3A_199, %swap3A_200] {strides = array<i32>} : memref<32x512xf32, #tpu.memory_space<vmem>>, vector<16xf32>,
      tpu.vector_store %arg8[%swap3A_199, %swap3A_200], %broadcast_in_dim3A_31 {strides = array<i32>} : memref<32x512xf32, #tpu.memory_space<vmem>>, vector<16xf32>,
      %swap3A_202 = arith.index_cast %scan3A_64 : i32 to index
      %swap3A_203 = arith.constant 224 : index
      %swap3A_204 = tpu.vector_load %arg8[%swap3A_202, %swap3A_203] {strides = array<i32>} : memref<32x512xf32, #tpu.memory_space<vmem>>, vector<16xf32>,
      tpu.vector_store %arg8[%swap3A_202, %swap3A_203], %broadcast_in_dim3A_31 {strides = array<i32>} : memref<32x512xf32, #tpu.memory_space<vmem>>, vector<16xf32>,
      %swap3A_205 = arith.index_cast %scan3A_64 : i32 to index
      %swap3A_206 = arith.constant 240 : index
      %swap3A_207 = tpu.vector_load %arg8[%swap3A_205, %swap3A_206] {strides = array<i32>} : memref<32x512xf32, #tpu.memory_space<vmem>>, vector<16xf32>,
      tpu.vector_store %arg8[%swap3A_205, %swap3A_206], %broadcast_in_dim3A_31 {strides = array<i32>} : memref<32x512xf32, #tpu.memory_space<vmem>>, vector<16xf32>,
      %swap3A_208 = arith.index_cast %scan3A_64 : i32 to index
      %swap3A_209 = arith.constant 256 : index
      %swap3A_210 = tpu.vector_load %arg8[%swap3A_208, %swap3A_209] {strides = array<i32>} : memref<32x512xf32, #tpu.memory_space<vmem>>, vector<16xf32>,
      tpu.vector_store %arg8[%swap3A_208, %swap3A_209], %broadcast_in_dim3A_31 {strides = array<i32>} : memref<32x512xf32, #tpu.memory_space<vmem>>, vector<16xf32>,
      %swap3A_211 = arith.index_cast %scan3A_64 : i32 to index
      %swap3A_212 = arith.constant 272 : index
      %swap3A_213 = tpu.vector_load %arg8[%swap3A_211, %swap3A_212] {strides = array<i32>} : memref<32x512xf32, #tpu.memory_space<vmem>>, vector<16xf32>,
      tpu.vector_store %arg8[%swap3A_211, %swap3A_212], %broadcast_in_dim3A_31 {strides = array<i32>} : memref<32x512xf32, #tpu.memory_space<vmem>>, vector<16xf32>,
      %swap3A_214 = arith.index_cast %scan3A_64 : i32 to index
      %swap3A_215 = arith.constant 288 : index
      %swap3A_216 = tpu.vector_load %arg8[%swap3A_214, %swap3A_215] {strides = array<i32>} : memref<32x512xf32, #tpu.memory_space<vmem>>, vector<16xf32>,
      tpu.vector_store %arg8[%swap3A_214, %swap3A_215], %broadcast_in_dim3A_31 {strides = array<i32>} : memref<32x512xf32, #tpu.memory_space<vmem>>, vector<16xf32>,
      %swap3A_217 = arith.index_cast %scan3A_64 : i32 to index
      %swap3A_218 = arith.constant 304 : index
      %swap3A_219 = tpu.vector_load %arg8[%swap3A_217, %swap3A_218] {strides = array<i32>} : memref<32x512xf32, #tpu.memory_space<vmem>>, vector<16xf32>,
      tpu.vector_store %arg8[%swap3A_217, %swap3A_218], %broadcast_in_dim3A_31 {strides = array<i32>} : memref<32x512xf32, #tpu.memory_space<vmem>>, vector<16xf32>,
      %swap3A_220 = arith.index_cast %scan3A_64 : i32 to index
      %swap3A_221 = arith.constant 320 : index
      %swap3A_222 = tpu.vector_load %arg8[%swap3A_220, %swap3A_221] {strides = array<i32>} : memref<32x512xf32, #tpu.memory_space<vmem>>, vector<16xf32>,
      tpu.vector_store %arg8[%swap3A_220, %swap3A_221], %broadcast_in_dim3A_31 {strides = array<i32>} : memref<32x512xf32, #tpu.memory_space<vmem>>, vector<16xf32>,
      %swap3A_223 = arith.index_cast %scan3A_64 : i32 to index
      %swap3A_224 = arith.constant 336 : index
      %swap3A_225 = tpu.vector_load %arg8[%swap3A_223, %swap3A_224] {strides = array<i32>} : memref<32x512xf32, #tpu.memory_space<vmem>>, vector<16xf32>,
      tpu.vector_store %arg8[%swap3A_223, %swap3A_224], %broadcast_in_dim3A_31 {strides = array<i32>} : memref<32x512xf32, #tpu.memory_space<vmem>>, vector<16xf32>,
      %swap3A_226 = arith.index_cast %scan3A_64 : i32 to index
      %swap3A_227 = arith.constant 352 : index
      %swap3A_228 = tpu.vector_load %arg8[%swap3A_226, %swap3A_227] {strides = array<i32>} : memref<32x512xf32, #tpu.memory_space<vmem>>, vector<16xf32>,
      tpu.vector_store %arg8[%swap3A_226, %swap3A_227], %broadcast_in_dim3A_31 {strides = array<i32>} : memref<32x512xf32, #tpu.memory_space<vmem>>, vector<16xf32>,
      %swap3A_229 = arith.index_cast %scan3A_64 : i32 to index
      %swap3A_230 = arith.constant 368 : index
      %swap3A_231 = tpu.vector_load %arg8[%swap3A_229, %swap3A_230] {strides = array<i32>} : memref<32x512xf32, #tpu.memory_space<vmem>>, vector<16xf32>,
      tpu.vector_store %arg8[%swap3A_229, %swap3A_230], %broadcast_in_dim3A_31 {strides = array<i32>} : memref<32x512xf32, #tpu.memory_space<vmem>>, vector<16xf32>,
      %swap3A_232 = arith.index_cast %scan3A_64 : i32 to index
      %swap3A_233 = arith.constant 384 : index
      %swap3A_234 = tpu.vector_load %arg8[%swap3A_232, %swap3A_233] {strides = array<i32>} : memref<32x512xf32, #tpu.memory_space<vmem>>, vector<16xf32>,
      tpu.vector_store %arg8[%swap3A_232, %swap3A_233], %broadcast_in_dim3A_31 {strides = array<i32>} : memref<32x512xf32, #tpu.memory_space<vmem>>, vector<16xf32>,
      %swap3A_235 = arith.index_cast %scan3A_64 : i32 to index
      %swap3A_236 = arith.constant 400 : index
      %swap3A_237 = tpu.vector_load %arg8[%swap3A_235, %swap3A_236] {strides = array<i32>} : memref<32x512xf32, #tpu.memory_space<vmem>>, vector<16xf32>,
      tpu.vector_store %arg8[%swap3A_235, %swap3A_236], %broadcast_in_dim3A_31 {strides = array<i32>} : memref<32x512xf32, #tpu.memory_space<vmem>>, vector<16xf32>,
      %swap3A_238 = arith.index_cast %scan3A_64 : i32 to index
      %swap3A_239 = arith.constant 416 : index
      %swap3A_240 = tpu.vector_load %arg8[%swap3A_238, %swap3A_239] {strides = array<i32>} : memref<32x512xf32, #tpu.memory_space<vmem>>, vector<16xf32>,
      tpu.vector_store %arg8[%swap3A_238, %swap3A_239], %broadcast_in_dim3A_31 {strides = array<i32>} : memref<32x512xf32, #tpu.memory_space<vmem>>, vector<16xf32>,
      %swap3A_241 = arith.index_cast %scan3A_64 : i32 to index
      %swap3A_242 = arith.constant 432 : index
      %swap3A_243 = tpu.vector_load %arg8[%swap3A_241, %swap3A_242] {strides = array<i32>} : memref<32x512xf32, #tpu.memory_space<vmem>>, vector<16xf32>,
      tpu.vector_store %arg8[%swap3A_241, %swap3A_242], %broadcast_in_dim3A_31 {strides = array<i32>} : memref<32x512xf32, #tpu.memory_space<vmem>>, vector<16xf32>,
      %swap3A_244 = arith.index_cast %scan3A_64 : i32 to index
      %swap3A_245 = arith.constant 448 : index
      %swap3A_246 = tpu.vector_load %arg8[%swap3A_244, %swap3A_245] {strides = array<i32>} : memref<32x512xf32, #tpu.memory_space<vmem>>, vector<16xf32>,
      tpu.vector_store %arg8[%swap3A_244, %swap3A_245], %broadcast_in_dim3A_31 {strides = array<i32>} : memref<32x512xf32, #tpu.memory_space<vmem>>, vector<16xf32>,
      %swap3A_247 = arith.index_cast %scan3A_64 : i32 to index
      %swap3A_248 = arith.constant 464 : index
      %swap3A_249 = tpu.vector_load %arg8[%swap3A_247, %swap3A_248] {strides = array<i32>} : memref<32x512xf32, #tpu.memory_space<vmem>>, vector<16xf32>,
      tpu.vector_store %arg8[%swap3A_247, %swap3A_248], %broadcast_in_dim3A_31 {strides = array<i32>} : memref<32x512xf32, #tpu.memory_space<vmem>>, vector<16xf32>,
      %swap3A_250 = arith.index_cast %scan3A_64 : i32 to index
      %swap3A_251 = arith.constant 480 : index
      %swap3A_252 = tpu.vector_load %arg8[%swap3A_250, %swap3A_251] {strides = array<i32>} : memref<32x512xf32, #tpu.memory_space<vmem>>, vector<16xf32>,
      tpu.vector_store %arg8[%swap3A_250, %swap3A_251], %broadcast_in_dim3A_31 {strides = array<i32>} : memref<32x512xf32, #tpu.memory_space<vmem>>, vector<16xf32>,
      %swap3A_253 = arith.index_cast %scan3A_64 : i32 to index
      %swap3A_254 = arith.constant 496 : index
      %swap3A_255 = tpu.vector_load %arg8[%swap3A_253, %swap3A_254] {strides = array<i32>} : memref<32x512xf32, #tpu.memory_space<vmem>>, vector<16xf32>,
      tpu.vector_store %arg8[%swap3A_253, %swap3A_254], %broadcast_in_dim3A_31 {strides = array<i32>} : memref<32x512xf32, #tpu.memory_space<vmem>>, vector<16xf32>,
    }
    %scan3A_36 = arith.constant 32 : i32
    %scan3A_37 = arith.constant 0 : i32
    %scan3A_38 = arith.constant 0 : i32
    %scan3A_39 = arith.constant 16 : i32
    %scan3A_40 = arith.addi %scan3A_38, %scan3A_39 : i32
    %scan3A_41 = arith.constant 1 : i32
    scf.for %scan3A_64 = %scan3A_38 to %scan3A_40 step %scan3A_41  : i32 {
      %sub3A_65 = arith.constant 15 : i32
      %sub3A_66 = arith.subi %sub3A_65, %scan3A_64 : i32
      %mul3A_67 = arith.constant 4 : i32
      %mul3A_68 = arith.muli %mul3A_67, %sub3A_66 : i32
      %add3A_69 = arith.addi %select_n3A_30, %mul3A_68 : i32
      %gt3A = arith.constant 0 : i32
      %gt3A_70 = arith.cmpi sgt, %scan3A_64, %gt3A : i32
      %convert_element_type3A = arith.extui %gt3A_70 : i1 to i32
      %cond3A = arith.constant 0 : i32
      %cond3A_71 = arith.cmpi ne, %convert_element_type3A, %cond3A : i32
      scf.if %cond3A_71 {
        %dma_wait3A_216 = arith.constant 0 : i32
        %dma_wait3A_217 = arith.constant 0 : i32
        %dma_wait3A_218 = arith.constant 0 : i32
        %dma_wait3A_219 = tpu.memref_slice %arg4[%select_n3A, %add3A_69, %dma_wait3A_217, %dma_wait3A_218] : memref<8x64x64x512xf32, #tpu.memory_space<hbm>> -> memref<1x1x32x512xf32, #tpu.memory_space<hbm>>
        %dma_wait3A_220 = tpu.memref_squeeze %dma_wait3A_219 : memref<1x1x32x512xf32, #tpu.memory_space<hbm>> -> memref<32x512xf32, #tpu.memory_space<hbm>>
        %dma_wait3A_221 = tpu.memref_slice %arg9[%dma_wait3A_216] : memref<2x!tpu.dma_semaphore, #tpu.memory_space<semaphore_mem>> -> memref<1x!tpu.dma_semaphore, #tpu.memory_space<semaphore_mem>>
        %dma_wait3A_222 = tpu.memref_squeeze %dma_wait3A_221 : memref<1x!tpu.dma_semaphore, #tpu.memory_space<semaphore_mem>> -> memref<!tpu.dma_semaphore, #tpu.memory_space<semaphore_mem>>
        %dma_wait3A_223 = arith.constant 0 : i32
        %dma_wait3A_224 = arith.constant 0 : i32
        %dma_wait3A_225 = tpu.memref_slice %arg4[%select_n3A, %add3A_69, %dma_wait3A_223, %dma_wait3A_224] : memref<8x64x64x512xf32, #tpu.memory_space<hbm>> -> memref<1x1x32x512xf32, #tpu.memory_space<hbm>>
        %dma_wait3A_226 = tpu.memref_squeeze %dma_wait3A_225 : memref<1x1x32x512xf32, #tpu.memory_space<hbm>> -> memref<32x512xf32, #tpu.memory_space<hbm>>
        tpu.wait_dma2 semaphore(%dma_wait3A_222 : memref<!tpu.dma_semaphore, #tpu.memory_space<semaphore_mem>>) src(%arg7 : memref<32x512xf32, #tpu.memory_space<vmem>>) dst(%dma_wait3A_226 : memref<32x512xf32, #tpu.memory_space<hbm>>)
      } else {
      }
      %get3A = arith.index_cast %add3A_69 : i32 to index
      %get3A_72 = arith.constant 0 : index
      %get3A_73 = tpu.vector_load %arg5[%get3A, %get3A_72] {strides = array<i32>} : memref<64x512xf32, #tpu.memory_space<vmem>>, vector<16xf32>,
      %get3A_74 = arith.index_cast %add3A_69 : i32 to index
      %get3A_75 = arith.constant 16 : index
      %get3A_76 = tpu.vector_load %arg5[%get3A_74, %get3A_75] {strides = array<i32>} : memref<64x512xf32, #tpu.memory_space<vmem>>, vector<16xf32>,
      %get3A_77 = arith.index_cast %add3A_69 : i32 to index
      %get3A_78 = arith.constant 32 : index
      %get3A_79 = tpu.vector_load %arg5[%get3A_77, %get3A_78] {strides = array<i32>} : memref<64x512xf32, #tpu.memory_space<vmem>>, vector<16xf32>,
      %get3A_80 = arith.index_cast %add3A_69 : i32 to index
      %get3A_81 = arith.constant 48 : index
      %get3A_82 = tpu.vector_load %arg5[%get3A_80, %get3A_81] {strides = array<i32>} : memref<64x512xf32, #tpu.memory_space<vmem>>, vector<16xf32>,
      %get3A_83 = arith.index_cast %add3A_69 : i32 to index
      %get3A_84 = arith.constant 64 : index
      %get3A_85 = tpu.vector_load %arg5[%get3A_83, %get3A_84] {strides = array<i32>} : memref<64x512xf32, #tpu.memory_space<vmem>>, vector<16xf32>,
      %get3A_86 = arith.index_cast %add3A_69 : i32 to index
      %get3A_87 = arith.constant 80 : index
      %get3A_88 = tpu.vector_load %arg5[%get3A_86, %get3A_87] {strides = array<i32>} : memref<64x512xf32, #tpu.memory_space<vmem>>, vector<16xf32>,
      %get3A_89 = arith.index_cast %add3A_69 : i32 to index
      %get3A_90 = arith.constant 96 : index
      %get3A_91 = tpu.vector_load %arg5[%get3A_89, %get3A_90] {strides = array<i32>} : memref<64x512xf32, #tpu.memory_space<vmem>>, vector<16xf32>,
      %get3A_92 = arith.index_cast %add3A_69 : i32 to index
      %get3A_93 = arith.constant 112 : index
      %get3A_94 = tpu.vector_load %arg5[%get3A_92, %get3A_93] {strides = array<i32>} : memref<64x512xf32, #tpu.memory_space<vmem>>, vector<16xf32>,
      %get3A_95 = arith.index_cast %add3A_69 : i32 to index
      %get3A_96 = arith.constant 128 : index
      %get3A_97 = tpu.vector_load %arg5[%get3A_95, %get3A_96] {strides = array<i32>} : memref<64x512xf32, #tpu.memory_space<vmem>>, vector<16xf32>,
      %get3A_98 = arith.index_cast %add3A_69 : i32 to index
      %get3A_99 = arith.constant 144 : index
      %get3A_100 = tpu.vector_load %arg5[%get3A_98, %get3A_99] {strides = array<i32>} : memref<64x512xf32, #tpu.memory_space<vmem>>, vector<16xf32>,
      %get3A_101 = arith.index_cast %add3A_69 : i32 to index
      %get3A_102 = arith.constant 160 : index
      %get3A_103 = tpu.vector_load %arg5[%get3A_101, %get3A_102] {strides = array<i32>} : memref<64x512xf32, #tpu.memory_space<vmem>>, vector<16xf32>,
      %get3A_104 = arith.index_cast %add3A_69 : i32 to index
      %get3A_105 = arith.constant 176 : index
      %get3A_106 = tpu.vector_load %arg5[%get3A_104, %get3A_105] {strides = array<i32>} : memref<64x512xf32, #tpu.memory_space<vmem>>, vector<16xf32>,
      %get3A_107 = arith.index_cast %add3A_69 : i32 to index
      %get3A_108 = arith.constant 192 : index
      %get3A_109 = tpu.vector_load %arg5[%get3A_107, %get3A_108] {strides = array<i32>} : memref<64x512xf32, #tpu.memory_space<vmem>>, vector<16xf32>,
      %get3A_110 = arith.index_cast %add3A_69 : i32 to index
      %get3A_111 = arith.constant 208 : index
      %get3A_112 = tpu.vector_load %arg5[%get3A_110, %get3A_111] {strides = array<i32>} : memref<64x512xf32, #tpu.memory_space<vmem>>, vector<16xf32>,
      %get3A_113 = arith.index_cast %add3A_69 : i32 to index
      %get3A_114 = arith.constant 224 : index
      %get3A_115 = tpu.vector_load %arg5[%get3A_113, %get3A_114] {strides = array<i32>} : memref<64x512xf32, #tpu.memory_space<vmem>>, vector<16xf32>,
      %get3A_116 = arith.index_cast %add3A_69 : i32 to index
      %get3A_117 = arith.constant 240 : index
      %get3A_118 = tpu.vector_load %arg5[%get3A_116, %get3A_117] {strides = array<i32>} : memref<64x512xf32, #tpu.memory_space<vmem>>, vector<16xf32>,
      %get3A_119 = arith.index_cast %add3A_69 : i32 to index
      %get3A_120 = arith.constant 256 : index
      %get3A_121 = tpu.vector_load %arg5[%get3A_119, %get3A_120] {strides = array<i32>} : memref<64x512xf32, #tpu.memory_space<vmem>>, vector<16xf32>,
      %get3A_122 = arith.index_cast %add3A_69 : i32 to index
      %get3A_123 = arith.constant 272 : index
      %get3A_124 = tpu.vector_load %arg5[%get3A_122, %get3A_123] {strides = array<i32>} : memref<64x512xf32, #tpu.memory_space<vmem>>, vector<16xf32>,
      %get3A_125 = arith.index_cast %add3A_69 : i32 to index
      %get3A_126 = arith.constant 288 : index
      %get3A_127 = tpu.vector_load %arg5[%get3A_125, %get3A_126] {strides = array<i32>} : memref<64x512xf32, #tpu.memory_space<vmem>>, vector<16xf32>,
      %get3A_128 = arith.index_cast %add3A_69 : i32 to index
      %get3A_129 = arith.constant 304 : index
      %get3A_130 = tpu.vector_load %arg5[%get3A_128, %get3A_129] {strides = array<i32>} : memref<64x512xf32, #tpu.memory_space<vmem>>, vector<16xf32>,
      %get3A_131 = arith.index_cast %add3A_69 : i32 to index
      %get3A_132 = arith.constant 320 : index
      %get3A_133 = tpu.vector_load %arg5[%get3A_131, %get3A_132] {strides = array<i32>} : memref<64x512xf32, #tpu.memory_space<vmem>>, vector<16xf32>,
      %get3A_134 = arith.index_cast %add3A_69 : i32 to index
      %get3A_135 = arith.constant 336 : index
      %get3A_136 = tpu.vector_load %arg5[%get3A_134, %get3A_135] {strides = array<i32>} : memref<64x512xf32, #tpu.memory_space<vmem>>, vector<16xf32>,
      %get3A_137 = arith.index_cast %add3A_69 : i32 to index
      %get3A_138 = arith.constant 352 : index
      %get3A_139 = tpu.vector_load %arg5[%get3A_137, %get3A_138] {strides = array<i32>} : memref<64x512xf32, #tpu.memory_space<vmem>>, vector<16xf32>,
      %get3A_140 = arith.index_cast %add3A_69 : i32 to index
      %get3A_141 = arith.constant 368 : index
      %get3A_142 = tpu.vector_load %arg5[%get3A_140, %get3A_141] {strides = array<i32>} : memref<64x512xf32, #tpu.memory_space<vmem>>, vector<16xf32>,
      %get3A_143 = arith.index_cast %add3A_69 : i32 to index
      %get3A_144 = arith.constant 384 : index
      %get3A_145 = tpu.vector_load %arg5[%get3A_143, %get3A_144] {strides = array<i32>} : memref<64x512xf32, #tpu.memory_space<vmem>>, vector<16xf32>,
      %get3A_146 = arith.index_cast %add3A_69 : i32 to index
      %get3A_147 = arith.constant 400 : index
      %get3A_148 = tpu.vector_load %arg5[%get3A_146, %get3A_147] {strides = array<i32>} : memref<64x512xf32, #tpu.memory_space<vmem>>, vector<16xf32>,
      %get3A_149 = arith.index_cast %add3A_69 : i32 to index
      %get3A_150 = arith.constant 416 : index
      %get3A_151 = tpu.vector_load %arg5[%get3A_149, %get3A_150] {strides = array<i32>} : memref<64x512xf32, #tpu.memory_space<vmem>>, vector<16xf32>,
      %get3A_152 = arith.index_cast %add3A_69 : i32 to index
      %get3A_153 = arith.constant 432 : index
      %get3A_154 = tpu.vector_load %arg5[%get3A_152, %get3A_153] {strides = array<i32>} : memref<64x512xf32, #tpu.memory_space<vmem>>, vector<16xf32>,
      %get3A_155 = arith.index_cast %add3A_69 : i32 to index
      %get3A_156 = arith.constant 448 : index
      %get3A_157 = tpu.vector_load %arg5[%get3A_155, %get3A_156] {strides = array<i32>} : memref<64x512xf32, #tpu.memory_space<vmem>>, vector<16xf32>,
      %get3A_158 = arith.index_cast %add3A_69 : i32 to index
      %get3A_159 = arith.constant 464 : index
      %get3A_160 = tpu.vector_load %arg5[%get3A_158, %get3A_159] {strides = array<i32>} : memref<64x512xf32, #tpu.memory_space<vmem>>, vector<16xf32>,
      %get3A_161 = arith.index_cast %add3A_69 : i32 to index
      %get3A_162 = arith.constant 480 : index
      %get3A_163 = tpu.vector_load %arg5[%get3A_161, %get3A_162] {strides = array<i32>} : memref<64x512xf32, #tpu.memory_space<vmem>>, vector<16xf32>,
      %get3A_164 = arith.index_cast %add3A_69 : i32 to index
      %get3A_165 = arith.constant 496 : index
      %get3A_166 = tpu.vector_load %arg5[%get3A_164, %get3A_165] {strides = array<i32>} : memref<64x512xf32, #tpu.memory_space<vmem>>, vector<16xf32>,
      %min3A = arith.constant 32 : i32
      %min3A_167 = arith.minsi %add3A_69, %min3A : i32
      %while3A = arith.constant 32 : i32
      %while3A_168 = arith.subi %while3A, %min3A_167 : i32
      %while3A_169 = arith.addi %min3A_167, %while3A_168 : i32
      %while3A_170 = arith.constant 1 : i32
      %while3A_171 = arith.divsi %while3A_168, %while3A_170 : i32
      %while3A_172 = arith.muli %while3A_171, %while3A_170 : i32
      %while3A_173 = arith.addi %min3A_167, %while3A_172 : i32
      %while3A_174 = arith.constant 1 : i32
      %while3A_175:32 = scf.for %while3A_216 = %min3A_167 to %while3A_173 step %while3A_174 iter_args(%while3A_217 = %get3A_73, %while3A_218 = %get3A_76, %while3A_219 = %get3A_79, %while3A_220 = %get3A_82, %while3A_221 = %get3A_85, %while3A_222 = %get3A_88, %while3A_223 = %get3A_91, %while3A_224 = %get3A_94, %while3A_225 = %get3A_97, %while3A_226 = %get3A_100, %while3A_227 = %get3A_103, %while3A_228 = %get3A_106, %while3A_229 = %get3A_109, %while3A_230 = %get3A_112, %while3A_231 = %get3A_115, %while3A_232 = %get3A_118, %while3A_233 = %get3A_121, %while3A_234 = %get3A_124, %while3A_235 = %get3A_127, %while3A_236 = %get3A_130, %while3A_237 = %get3A_133, %while3A_238 = %get3A_136, %while3A_239 = %get3A_139, %while3A_240 = %get3A_142, %while3A_241 = %get3A_145, %while3A_242 = %get3A_148, %while3A_243 = %get3A_151, %while3A_244 = %get3A_154, %while3A_245 = %get3A_157, %while3A_246 = %get3A_160, %while3A_247 = %get3A_163, %while3A_248 = %get3A_166) -> (vector<16xf32>, vector<16xf32>, vector<16xf32>, vector<16xf32>, vector<16xf32>, vector<16xf32>, vector<16xf32>, vector<16xf32>, vector<16xf32>, vector<16xf32>, vector<16xf32>, vector<16xf32>, vector<16xf32>, vector<16xf32>, vector<16xf32>, vector<16xf32>, vector<16xf32>, vector<16xf32>, vector<16xf32>, vector<16xf32>, vector<16xf32>, vector<16xf32>, vector<16xf32>, vector<16xf32>, vector<16xf32>, vector<16xf32>, vector<16xf32>, vector<16xf32>, vector<16xf32>, vector<16xf32>, vector<16xf32>, vector<16xf32>)  : i32 {
        %mul3A_249 = arith.constant 64 : i32
        %mul3A_250 = arith.muli %add3A_69, %mul3A_249 : i32
        %add3A_251 = arith.addi %mul3A_250, %while3A_216 : i32
        %get3A_252 = arith.index_cast %add3A_251 : i32 to index
        %get3A_253 = tpu.vector_load %arg6[%get3A_252] {strides = array<i32>} : memref<4112xf32, #tpu.memory_space<vmem>>, vector<16xf32>,
        %slice3A = vector.extract_strided_slice %get3A_253 {offsets = [0], sizes = [1], strides = [1]} : vector<16xf32> to vector<1xf32>
        %squeeze3A = vector.extract %slice3A[0] : f32 from vector<1xf32>
        %get3A_254 = arith.index_cast %while3A_216 : i32 to index
        %get3A_255 = arith.constant 0 : index
        %get3A_256 = tpu.vector_load %arg5[%get3A_254, %get3A_255] {strides = array<i32>} : memref<64x512xf32, #tpu.memory_space<vmem>>, vector<16xf32>,
        %max3A_257 = arith.maximumf %while3A_217, %get3A_256 : vector<16xf32>
        %mul3A_258 = vector.broadcast %squeeze3A : f32 to vector<16xf32>
        %mul3A_259 = arith.mulf %max3A_257, %mul3A_258 : vector<16xf32>
        %sub3A_260 = arith.constant 0 : i32
        %sub3A_261 = arith.subi %while3A_216, %sub3A_260 : i32
        %swap3A = arith.index_cast %sub3A_261 : i32 to index
        %swap3A_262 = arith.constant 0 : index
        %swap3A_263 = tpu.vector_load %arg7[%swap3A, %swap3A_262] {strides = array<i32>} : memref<32x512xf32, #tpu.memory_space<vmem>>, vector<16xf32>,
        tpu.vector_store %arg7[%swap3A, %swap3A_262], %mul3A_259 {strides = array<i32>} : memref<32x512xf32, #tpu.memory_space<vmem>>, vector<16xf32>,
        %get3A_264 = arith.index_cast %while3A_216 : i32 to index
        %get3A_265 = arith.constant 16 : index
        %get3A_266 = tpu.vector_load %arg5[%get3A_264, %get3A_265] {strides = array<i32>} : memref<64x512xf32, #tpu.memory_space<vmem>>, vector<16xf32>,
        %max3A_267 = arith.maximumf %while3A_218, %get3A_266 : vector<16xf32>
        %mul3A_268 = vector.broadcast %squeeze3A : f32 to vector<16xf32>
        %mul3A_269 = arith.mulf %max3A_267, %mul3A_268 : vector<16xf32>
        %sub3A_270 = arith.constant 0 : i32
        %sub3A_271 = arith.subi %while3A_216, %sub3A_270 : i32
        %swap3A_272 = arith.index_cast %sub3A_271 : i32 to index
        %swap3A_273 = arith.constant 16 : index
        %swap3A_274 = tpu.vector_load %arg7[%swap3A_272, %swap3A_273] {strides = array<i32>} : memref<32x512xf32, #tpu.memory_space<vmem>>, vector<16xf32>,
        tpu.vector_store %arg7[%swap3A_272, %swap3A_273], %mul3A_269 {strides = array<i32>} : memref<32x512xf32, #tpu.memory_space<vmem>>, vector<16xf32>,
        %get3A_275 = arith.index_cast %while3A_216 : i32 to index
        %get3A_276 = arith.constant 32 : index
        %get3A_277 = tpu.vector_load %arg5[%get3A_275, %get3A_276] {strides = array<i32>} : memref<64x512xf32, #tpu.memory_space<vmem>>, vector<16xf32>,
        %max3A_278 = arith.maximumf %while3A_219, %get3A_277 : vector<16xf32>
        %mul3A_279 = vector.broadcast %squeeze3A : f32 to vector<16xf32>
        %mul3A_280 = arith.mulf %max3A_278, %mul3A_279 : vector<16xf32>
        %sub3A_281 = arith.constant 0 : i32
        %sub3A_282 = arith.subi %while3A_216, %sub3A_281 : i32
        %swap3A_283 = arith.index_cast %sub3A_282 : i32 to index
        %swap3A_284 = arith.constant 32 : index
        %swap3A_285 = tpu.vector_load %arg7[%swap3A_283, %swap3A_284] {strides = array<i32>} : memref<32x512xf32, #tpu.memory_space<vmem>>, vector<16xf32>,
        tpu.vector_store %arg7[%swap3A_283, %swap3A_284], %mul3A_280 {strides = array<i32>} : memref<32x512xf32, #tpu.memory_space<vmem>>, vector<16xf32>,
        %get3A_286 = arith.index_cast %while3A_216 : i32 to index
        %get3A_287 = arith.constant 48 : index
        %get3A_288 = tpu.vector_load %arg5[%get3A_286, %get3A_287] {strides = array<i32>} : memref<64x512xf32, #tpu.memory_space<vmem>>, vector<16xf32>,
        %max3A_289 = arith.maximumf %while3A_220, %get3A_288 : vector<16xf32>
        %mul3A_290 = vector.broadcast %squeeze3A : f32 to vector<16xf32>
        %mul3A_291 = arith.mulf %max3A_289, %mul3A_290 : vector<16xf32>
        %sub3A_292 = arith.constant 0 : i32
        %sub3A_293 = arith.subi %while3A_216, %sub3A_292 : i32
        %swap3A_294 = arith.index_cast %sub3A_293 : i32 to index
        %swap3A_295 = arith.constant 48 : index
        %swap3A_296 = tpu.vector_load %arg7[%swap3A_294, %swap3A_295] {strides = array<i32>} : memref<32x512xf32, #tpu.memory_space<vmem>>, vector<16xf32>,
        tpu.vector_store %arg7[%swap3A_294, %swap3A_295], %mul3A_291 {strides = array<i32>} : memref<32x512xf32, #tpu.memory_space<vmem>>, vector<16xf32>,
        %get3A_297 = arith.index_cast %while3A_216 : i32 to index
        %get3A_298 = arith.constant 64 : index
        %get3A_299 = tpu.vector_load %arg5[%get3A_297, %get3A_298] {strides = array<i32>} : memref<64x512xf32, #tpu.memory_space<vmem>>, vector<16xf32>,
        %max3A_300 = arith.maximumf %while3A_221, %get3A_299 : vector<16xf32>
        %mul3A_301 = vector.broadcast %squeeze3A : f32 to vector<16xf32>
        %mul3A_302 = arith.mulf %max3A_300, %mul3A_301 : vector<16xf32>
        %sub3A_303 = arith.constant 0 : i32
        %sub3A_304 = arith.subi %while3A_216, %sub3A_303 : i32
        %swap3A_305 = arith.index_cast %sub3A_304 : i32 to index
        %swap3A_306 = arith.constant 64 : index
        %swap3A_307 = tpu.vector_load %arg7[%swap3A_305, %swap3A_306] {strides = array<i32>} : memref<32x512xf32, #tpu.memory_space<vmem>>, vector<16xf32>,
        tpu.vector_store %arg7[%swap3A_305, %swap3A_306], %mul3A_302 {strides = array<i32>} : memref<32x512xf32, #tpu.memory_space<vmem>>, vector<16xf32>,
        %get3A_308 = arith.index_cast %while3A_216 : i32 to index
        %get3A_309 = arith.constant 80 : index
        %get3A_310 = tpu.vector_load %arg5[%get3A_308, %get3A_309] {strides = array<i32>} : memref<64x512xf32, #tpu.memory_space<vmem>>, vector<16xf32>,
        %max3A_311 = arith.maximumf %while3A_222, %get3A_310 : vector<16xf32>
        %mul3A_312 = vector.broadcast %squeeze3A : f32 to vector<16xf32>
        %mul3A_313 = arith.mulf %max3A_311, %mul3A_312 : vector<16xf32>
        %sub3A_314 = arith.constant 0 : i32
        %sub3A_315 = arith.subi %while3A_216, %sub3A_314 : i32
        %swap3A_316 = arith.index_cast %sub3A_315 : i32 to index
        %swap3A_317 = arith.constant 80 : index
        %swap3A_318 = tpu.vector_load %arg7[%swap3A_316, %swap3A_317] {strides = array<i32>} : memref<32x512xf32, #tpu.memory_space<vmem>>, vector<16xf32>,
        tpu.vector_store %arg7[%swap3A_316, %swap3A_317], %mul3A_313 {strides = array<i32>} : memref<32x512xf32, #tpu.memory_space<vmem>>, vector<16xf32>,
        %get3A_319 = arith.index_cast %while3A_216 : i32 to index
        %get3A_320 = arith.constant 96 : index
        %get3A_321 = tpu.vector_load %arg5[%get3A_319, %get3A_320] {strides = array<i32>} : memref<64x512xf32, #tpu.memory_space<vmem>>, vector<16xf32>,
        %max3A_322 = arith.maximumf %while3A_223, %get3A_321 : vector<16xf32>
        %mul3A_323 = vector.broadcast %squeeze3A : f32 to vector<16xf32>
        %mul3A_324 = arith.mulf %max3A_322, %mul3A_323 : vector<16xf32>
        %sub3A_325 = arith.constant 0 : i32
        %sub3A_326 = arith.subi %while3A_216, %sub3A_325 : i32
        %swap3A_327 = arith.index_cast %sub3A_326 : i32 to index
        %swap3A_328 = arith.constant 96 : index
        %swap3A_329 = tpu.vector_load %arg7[%swap3A_327, %swap3A_328] {strides = array<i32>} : memref<32x512xf32, #tpu.memory_space<vmem>>, vector<16xf32>,
        tpu.vector_store %arg7[%swap3A_327, %swap3A_328], %mul3A_324 {strides = array<i32>} : memref<32x512xf32, #tpu.memory_space<vmem>>, vector<16xf32>,
        %get3A_330 = arith.index_cast %while3A_216 : i32 to index
        %get3A_331 = arith.constant 112 : index
        %get3A_332 = tpu.vector_load %arg5[%get3A_330, %get3A_331] {strides = array<i32>} : memref<64x512xf32, #tpu.memory_space<vmem>>, vector<16xf32>,
        %max3A_333 = arith.maximumf %while3A_224, %get3A_332 : vector<16xf32>
        %mul3A_334 = vector.broadcast %squeeze3A : f32 to vector<16xf32>
        %mul3A_335 = arith.mulf %max3A_333, %mul3A_334 : vector<16xf32>
        %sub3A_336 = arith.constant 0 : i32
        %sub3A_337 = arith.subi %while3A_216, %sub3A_336 : i32
        %swap3A_338 = arith.index_cast %sub3A_337 : i32 to index
        %swap3A_339 = arith.constant 112 : index
        %swap3A_340 = tpu.vector_load %arg7[%swap3A_338, %swap3A_339] {strides = array<i32>} : memref<32x512xf32, #tpu.memory_space<vmem>>, vector<16xf32>,
        tpu.vector_store %arg7[%swap3A_338, %swap3A_339], %mul3A_335 {strides = array<i32>} : memref<32x512xf32, #tpu.memory_space<vmem>>, vector<16xf32>,
        %get3A_341 = arith.index_cast %while3A_216 : i32 to index
        %get3A_342 = arith.constant 128 : index
        %get3A_343 = tpu.vector_load %arg5[%get3A_341, %get3A_342] {strides = array<i32>} : memref<64x512xf32, #tpu.memory_space<vmem>>, vector<16xf32>,
        %max3A_344 = arith.maximumf %while3A_225, %get3A_343 : vector<16xf32>
        %mul3A_345 = vector.broadcast %squeeze3A : f32 to vector<16xf32>
        %mul3A_346 = arith.mulf %max3A_344, %mul3A_345 : vector<16xf32>
        %sub3A_347 = arith.constant 0 : i32
        %sub3A_348 = arith.subi %while3A_216, %sub3A_347 : i32
        %swap3A_349 = arith.index_cast %sub3A_348 : i32 to index
        %swap3A_350 = arith.constant 128 : index
        %swap3A_351 = tpu.vector_load %arg7[%swap3A_349, %swap3A_350] {strides = array<i32>} : memref<32x512xf32, #tpu.memory_space<vmem>>, vector<16xf32>,
        tpu.vector_store %arg7[%swap3A_349, %swap3A_350], %mul3A_346 {strides = array<i32>} : memref<32x512xf32, #tpu.memory_space<vmem>>, vector<16xf32>,
        %get3A_352 = arith.index_cast %while3A_216 : i32 to index
        %get3A_353 = arith.constant 144 : index
        %get3A_354 = tpu.vector_load %arg5[%get3A_352, %get3A_353] {strides = array<i32>} : memref<64x512xf32, #tpu.memory_space<vmem>>, vector<16xf32>,
        %max3A_355 = arith.maximumf %while3A_226, %get3A_354 : vector<16xf32>
        %mul3A_356 = vector.broadcast %squeeze3A : f32 to vector<16xf32>
        %mul3A_357 = arith.mulf %max3A_355, %mul3A_356 : vector<16xf32>
        %sub3A_358 = arith.constant 0 : i32
        %sub3A_359 = arith.subi %while3A_216, %sub3A_358 : i32
        %swap3A_360 = arith.index_cast %sub3A_359 : i32 to index
        %swap3A_361 = arith.constant 144 : index
        %swap3A_362 = tpu.vector_load %arg7[%swap3A_360, %swap3A_361] {strides = array<i32>} : memref<32x512xf32, #tpu.memory_space<vmem>>, vector<16xf32>,
        tpu.vector_store %arg7[%swap3A_360, %swap3A_361], %mul3A_357 {strides = array<i32>} : memref<32x512xf32, #tpu.memory_space<vmem>>, vector<16xf32>,
        %get3A_363 = arith.index_cast %while3A_216 : i32 to index
        %get3A_364 = arith.constant 160 : index
        %get3A_365 = tpu.vector_load %arg5[%get3A_363, %get3A_364] {strides = array<i32>} : memref<64x512xf32, #tpu.memory_space<vmem>>, vector<16xf32>,
        %max3A_366 = arith.maximumf %while3A_227, %get3A_365 : vector<16xf32>
        %mul3A_367 = vector.broadcast %squeeze3A : f32 to vector<16xf32>
        %mul3A_368 = arith.mulf %max3A_366, %mul3A_367 : vector<16xf32>
        %sub3A_369 = arith.constant 0 : i32
        %sub3A_370 = arith.subi %while3A_216, %sub3A_369 : i32
        %swap3A_371 = arith.index_cast %sub3A_370 : i32 to index
        %swap3A_372 = arith.constant 160 : index
        %swap3A_373 = tpu.vector_load %arg7[%swap3A_371, %swap3A_372] {strides = array<i32>} : memref<32x512xf32, #tpu.memory_space<vmem>>, vector<16xf32>,
        tpu.vector_store %arg7[%swap3A_371, %swap3A_372], %mul3A_368 {strides = array<i32>} : memref<32x512xf32, #tpu.memory_space<vmem>>, vector<16xf32>,
        %get3A_374 = arith.index_cast %while3A_216 : i32 to index
        %get3A_375 = arith.constant 176 : index
        %get3A_376 = tpu.vector_load %arg5[%get3A_374, %get3A_375] {strides = array<i32>} : memref<64x512xf32, #tpu.memory_space<vmem>>, vector<16xf32>,
        %max3A_377 = arith.maximumf %while3A_228, %get3A_376 : vector<16xf32>
        %mul3A_378 = vector.broadcast %squeeze3A : f32 to vector<16xf32>
        %mul3A_379 = arith.mulf %max3A_377, %mul3A_378 : vector<16xf32>
        %sub3A_380 = arith.constant 0 : i32
        %sub3A_381 = arith.subi %while3A_216, %sub3A_380 : i32
        %swap3A_382 = arith.index_cast %sub3A_381 : i32 to index
        %swap3A_383 = arith.constant 176 : index
        %swap3A_384 = tpu.vector_load %arg7[%swap3A_382, %swap3A_383] {strides = array<i32>} : memref<32x512xf32, #tpu.memory_space<vmem>>, vector<16xf32>,
        tpu.vector_store %arg7[%swap3A_382, %swap3A_383], %mul3A_379 {strides = array<i32>} : memref<32x512xf32, #tpu.memory_space<vmem>>, vector<16xf32>,
        %get3A_385 = arith.index_cast %while3A_216 : i32 to index
        %get3A_386 = arith.constant 192 : index
        %get3A_387 = tpu.vector_load %arg5[%get3A_385, %get3A_386] {strides = array<i32>} : memref<64x512xf32, #tpu.memory_space<vmem>>, vector<16xf32>,
        %max3A_388 = arith.maximumf %while3A_229, %get3A_387 : vector<16xf32>
        %mul3A_389 = vector.broadcast %squeeze3A : f32 to vector<16xf32>
        %mul3A_390 = arith.mulf %max3A_388, %mul3A_389 : vector<16xf32>
        %sub3A_391 = arith.constant 0 : i32
        %sub3A_392 = arith.subi %while3A_216, %sub3A_391 : i32
        %swap3A_393 = arith.index_cast %sub3A_392 : i32 to index
        %swap3A_394 = arith.constant 192 : index
        %swap3A_395 = tpu.vector_load %arg7[%swap3A_393, %swap3A_394] {strides = array<i32>} : memref<32x512xf32, #tpu.memory_space<vmem>>, vector<16xf32>,
        tpu.vector_store %arg7[%swap3A_393, %swap3A_394], %mul3A_390 {strides = array<i32>} : memref<32x512xf32, #tpu.memory_space<vmem>>, vector<16xf32>,
        %get3A_396 = arith.index_cast %while3A_216 : i32 to index
        %get3A_397 = arith.constant 208 : index
        %get3A_398 = tpu.vector_load %arg5[%get3A_396, %get3A_397] {strides = array<i32>} : memref<64x512xf32, #tpu.memory_space<vmem>>, vector<16xf32>,
        %max3A_399 = arith.maximumf %while3A_230, %get3A_398 : vector<16xf32>
        %mul3A_400 = vector.broadcast %squeeze3A : f32 to vector<16xf32>
        %mul3A_401 = arith.mulf %max3A_399, %mul3A_400 : vector<16xf32>
        %sub3A_402 = arith.constant 0 : i32
        %sub3A_403 = arith.subi %while3A_216, %sub3A_402 : i32
        %swap3A_404 = arith.index_cast %sub3A_403 : i32 to index
        %swap3A_405 = arith.constant 208 : index
        %swap3A_406 = tpu.vector_load %arg7[%swap3A_404, %swap3A_405] {strides = array<i32>} : memref<32x512xf32, #tpu.memory_space<vmem>>, vector<16xf32>,
        tpu.vector_store %arg7[%swap3A_404, %swap3A_405], %mul3A_401 {strides = array<i32>} : memref<32x512xf32, #tpu.memory_space<vmem>>, vector<16xf32>,
        %get3A_407 = arith.index_cast %while3A_216 : i32 to index
        %get3A_408 = arith.constant 224 : index
        %get3A_409 = tpu.vector_load %arg5[%get3A_407, %get3A_408] {strides = array<i32>} : memref<64x512xf32, #tpu.memory_space<vmem>>, vector<16xf32>,
        %max3A_410 = arith.maximumf %while3A_231, %get3A_409 : vector<16xf32>
        %mul3A_411 = vector.broadcast %squeeze3A : f32 to vector<16xf32>
        %mul3A_412 = arith.mulf %max3A_410, %mul3A_411 : vector<16xf32>
        %sub3A_413 = arith.constant 0 : i32
        %sub3A_414 = arith.subi %while3A_216, %sub3A_413 : i32
        %swap3A_415 = arith.index_cast %sub3A_414 : i32 to index
        %swap3A_416 = arith.constant 224 : index
        %swap3A_417 = tpu.vector_load %arg7[%swap3A_415, %swap3A_416] {strides = array<i32>} : memref<32x512xf32, #tpu.memory_space<vmem>>, vector<16xf32>,
        tpu.vector_store %arg7[%swap3A_415, %swap3A_416], %mul3A_412 {strides = array<i32>} : memref<32x512xf32, #tpu.memory_space<vmem>>, vector<16xf32>,
        %get3A_418 = arith.index_cast %while3A_216 : i32 to index
        %get3A_419 = arith.constant 240 : index
        %get3A_420 = tpu.vector_load %arg5[%get3A_418, %get3A_419] {strides = array<i32>} : memref<64x512xf32, #tpu.memory_space<vmem>>, vector<16xf32>,
        %max3A_421 = arith.maximumf %while3A_232, %get3A_420 : vector<16xf32>
        %mul3A_422 = vector.broadcast %squeeze3A : f32 to vector<16xf32>
        %mul3A_423 = arith.mulf %max3A_421, %mul3A_422 : vector<16xf32>
        %sub3A_424 = arith.constant 0 : i32
        %sub3A_425 = arith.subi %while3A_216, %sub3A_424 : i32
        %swap3A_426 = arith.index_cast %sub3A_425 : i32 to index
        %swap3A_427 = arith.constant 240 : index
        %swap3A_428 = tpu.vector_load %arg7[%swap3A_426, %swap3A_427] {strides = array<i32>} : memref<32x512xf32, #tpu.memory_space<vmem>>, vector<16xf32>,
        tpu.vector_store %arg7[%swap3A_426, %swap3A_427], %mul3A_423 {strides = array<i32>} : memref<32x512xf32, #tpu.memory_space<vmem>>, vector<16xf32>,
        %get3A_429 = arith.index_cast %while3A_216 : i32 to index
        %get3A_430 = arith.constant 256 : index
        %get3A_431 = tpu.vector_load %arg5[%get3A_429, %get3A_430] {strides = array<i32>} : memref<64x512xf32, #tpu.memory_space<vmem>>, vector<16xf32>,
        %max3A_432 = arith.maximumf %while3A_233, %get3A_431 : vector<16xf32>
        %mul3A_433 = vector.broadcast %squeeze3A : f32 to vector<16xf32>
        %mul3A_434 = arith.mulf %max3A_432, %mul3A_433 : vector<16xf32>
        %sub3A_435 = arith.constant 0 : i32
        %sub3A_436 = arith.subi %while3A_216, %sub3A_435 : i32
        %swap3A_437 = arith.index_cast %sub3A_436 : i32 to index
        %swap3A_438 = arith.constant 256 : index
        %swap3A_439 = tpu.vector_load %arg7[%swap3A_437, %swap3A_438] {strides = array<i32>} : memref<32x512xf32, #tpu.memory_space<vmem>>, vector<16xf32>,
        tpu.vector_store %arg7[%swap3A_437, %swap3A_438], %mul3A_434 {strides = array<i32>} : memref<32x512xf32, #tpu.memory_space<vmem>>, vector<16xf32>,
        %get3A_440 = arith.index_cast %while3A_216 : i32 to index
        %get3A_441 = arith.constant 272 : index
        %get3A_442 = tpu.vector_load %arg5[%get3A_440, %get3A_441] {strides = array<i32>} : memref<64x512xf32, #tpu.memory_space<vmem>>, vector<16xf32>,
        %max3A_443 = arith.maximumf %while3A_234, %get3A_442 : vector<16xf32>
        %mul3A_444 = vector.broadcast %squeeze3A : f32 to vector<16xf32>
        %mul3A_445 = arith.mulf %max3A_443, %mul3A_444 : vector<16xf32>
        %sub3A_446 = arith.constant 0 : i32
        %sub3A_447 = arith.subi %while3A_216, %sub3A_446 : i32
        %swap3A_448 = arith.index_cast %sub3A_447 : i32 to index
        %swap3A_449 = arith.constant 272 : index
        %swap3A_450 = tpu.vector_load %arg7[%swap3A_448, %swap3A_449] {strides = array<i32>} : memref<32x512xf32, #tpu.memory_space<vmem>>, vector<16xf32>,
        tpu.vector_store %arg7[%swap3A_448, %swap3A_449], %mul3A_445 {strides = array<i32>} : memref<32x512xf32, #tpu.memory_space<vmem>>, vector<16xf32>,
        %get3A_451 = arith.index_cast %while3A_216 : i32 to index
        %get3A_452 = arith.constant 288 : index
        %get3A_453 = tpu.vector_load %arg5[%get3A_451, %get3A_452] {strides = array<i32>} : memref<64x512xf32, #tpu.memory_space<vmem>>, vector<16xf32>,
        %max3A_454 = arith.maximumf %while3A_235, %get3A_453 : vector<16xf32>
        %mul3A_455 = vector.broadcast %squeeze3A : f32 to vector<16xf32>
        %mul3A_456 = arith.mulf %max3A_454, %mul3A_455 : vector<16xf32>
        %sub3A_457 = arith.constant 0 : i32
        %sub3A_458 = arith.subi %while3A_216, %sub3A_457 : i32
        %swap3A_459 = arith.index_cast %sub3A_458 : i32 to index
        %swap3A_460 = arith.constant 288 : index
        %swap3A_461 = tpu.vector_load %arg7[%swap3A_459, %swap3A_460] {strides = array<i32>} : memref<32x512xf32, #tpu.memory_space<vmem>>, vector<16xf32>,
        tpu.vector_store %arg7[%swap3A_459, %swap3A_460], %mul3A_456 {strides = array<i32>} : memref<32x512xf32, #tpu.memory_space<vmem>>, vector<16xf32>,
        %get3A_462 = arith.index_cast %while3A_216 : i32 to index
        %get3A_463 = arith.constant 304 : index
        %get3A_464 = tpu.vector_load %arg5[%get3A_462, %get3A_463] {strides = array<i32>} : memref<64x512xf32, #tpu.memory_space<vmem>>, vector<16xf32>,
        %max3A_465 = arith.maximumf %while3A_236, %get3A_464 : vector<16xf32>
        %mul3A_466 = vector.broadcast %squeeze3A : f32 to vector<16xf32>
        %mul3A_467 = arith.mulf %max3A_465, %mul3A_466 : vector<16xf32>
        %sub3A_468 = arith.constant 0 : i32
        %sub3A_469 = arith.subi %while3A_216, %sub3A_468 : i32
        %swap3A_470 = arith.index_cast %sub3A_469 : i32 to index
        %swap3A_471 = arith.constant 304 : index
        %swap3A_472 = tpu.vector_load %arg7[%swap3A_470, %swap3A_471] {strides = array<i32>} : memref<32x512xf32, #tpu.memory_space<vmem>>, vector<16xf32>,
        tpu.vector_store %arg7[%swap3A_470, %swap3A_471], %mul3A_467 {strides = array<i32>} : memref<32x512xf32, #tpu.memory_space<vmem>>, vector<16xf32>,
        %get3A_473 = arith.index_cast %while3A_216 : i32 to index
        %get3A_474 = arith.constant 320 : index
        %get3A_475 = tpu.vector_load %arg5[%get3A_473, %get3A_474] {strides = array<i32>} : memref<64x512xf32, #tpu.memory_space<vmem>>, vector<16xf32>,
        %max3A_476 = arith.maximumf %while3A_237, %get3A_475 : vector<16xf32>
        %mul3A_477 = vector.broadcast %squeeze3A : f32 to vector<16xf32>
        %mul3A_478 = arith.mulf %max3A_476, %mul3A_477 : vector<16xf32>
        %sub3A_479 = arith.constant 0 : i32
        %sub3A_480 = arith.subi %while3A_216, %sub3A_479 : i32
        %swap3A_481 = arith.index_cast %sub3A_480 : i32 to index
        %swap3A_482 = arith.constant 320 : index
        %swap3A_483 = tpu.vector_load %arg7[%swap3A_481, %swap3A_482] {strides = array<i32>} : memref<32x512xf32, #tpu.memory_space<vmem>>, vector<16xf32>,
        tpu.vector_store %arg7[%swap3A_481, %swap3A_482], %mul3A_478 {strides = array<i32>} : memref<32x512xf32, #tpu.memory_space<vmem>>, vector<16xf32>,
        %get3A_484 = arith.index_cast %while3A_216 : i32 to index
        %get3A_485 = arith.constant 336 : index
        %get3A_486 = tpu.vector_load %arg5[%get3A_484, %get3A_485] {strides = array<i32>} : memref<64x512xf32, #tpu.memory_space<vmem>>, vector<16xf32>,
        %max3A_487 = arith.maximumf %while3A_238, %get3A_486 : vector<16xf32>
        %mul3A_488 = vector.broadcast %squeeze3A : f32 to vector<16xf32>
        %mul3A_489 = arith.mulf %max3A_487, %mul3A_488 : vector<16xf32>
        %sub3A_490 = arith.constant 0 : i32
        %sub3A_491 = arith.subi %while3A_216, %sub3A_490 : i32
        %swap3A_492 = arith.index_cast %sub3A_491 : i32 to index
        %swap3A_493 = arith.constant 336 : index
        %swap3A_494 = tpu.vector_load %arg7[%swap3A_492, %swap3A_493] {strides = array<i32>} : memref<32x512xf32, #tpu.memory_space<vmem>>, vector<16xf32>,
        tpu.vector_store %arg7[%swap3A_492, %swap3A_493], %mul3A_489 {strides = array<i32>} : memref<32x512xf32, #tpu.memory_space<vmem>>, vector<16xf32>,
        %get3A_495 = arith.index_cast %while3A_216 : i32 to index
        %get3A_496 = arith.constant 352 : index
        %get3A_497 = tpu.vector_load %arg5[%get3A_495, %get3A_496] {strides = array<i32>} : memref<64x512xf32, #tpu.memory_space<vmem>>, vector<16xf32>,
        %max3A_498 = arith.maximumf %while3A_239, %get3A_497 : vector<16xf32>
        %mul3A_499 = vector.broadcast %squeeze3A : f32 to vector<16xf32>
        %mul3A_500 = arith.mulf %max3A_498, %mul3A_499 : vector<16xf32>
        %sub3A_501 = arith.constant 0 : i32
        %sub3A_502 = arith.subi %while3A_216, %sub3A_501 : i32
        %swap3A_503 = arith.index_cast %sub3A_502 : i32 to index
        %swap3A_504 = arith.constant 352 : index
        %swap3A_505 = tpu.vector_load %arg7[%swap3A_503, %swap3A_504] {strides = array<i32>} : memref<32x512xf32, #tpu.memory_space<vmem>>, vector<16xf32>,
        tpu.vector_store %arg7[%swap3A_503, %swap3A_504], %mul3A_500 {strides = array<i32>} : memref<32x512xf32, #tpu.memory_space<vmem>>, vector<16xf32>,
        %get3A_506 = arith.index_cast %while3A_216 : i32 to index
        %get3A_507 = arith.constant 368 : index
        %get3A_508 = tpu.vector_load %arg5[%get3A_506, %get3A_507] {strides = array<i32>} : memref<64x512xf32, #tpu.memory_space<vmem>>, vector<16xf32>,
        %max3A_509 = arith.maximumf %while3A_240, %get3A_508 : vector<16xf32>
        %mul3A_510 = vector.broadcast %squeeze3A : f32 to vector<16xf32>
        %mul3A_511 = arith.mulf %max3A_509, %mul3A_510 : vector<16xf32>
        %sub3A_512 = arith.constant 0 : i32
        %sub3A_513 = arith.subi %while3A_216, %sub3A_512 : i32
        %swap3A_514 = arith.index_cast %sub3A_513 : i32 to index
        %swap3A_515 = arith.constant 368 : index
        %swap3A_516 = tpu.vector_load %arg7[%swap3A_514, %swap3A_515] {strides = array<i32>} : memref<32x512xf32, #tpu.memory_space<vmem>>, vector<16xf32>,
        tpu.vector_store %arg7[%swap3A_514, %swap3A_515], %mul3A_511 {strides = array<i32>} : memref<32x512xf32, #tpu.memory_space<vmem>>, vector<16xf32>,
        %get3A_517 = arith.index_cast %while3A_216 : i32 to index
        %get3A_518 = arith.constant 384 : index
        %get3A_519 = tpu.vector_load %arg5[%get3A_517, %get3A_518] {strides = array<i32>} : memref<64x512xf32, #tpu.memory_space<vmem>>, vector<16xf32>,
        %max3A_520 = arith.maximumf %while3A_241, %get3A_519 : vector<16xf32>
        %mul3A_521 = vector.broadcast %squeeze3A : f32 to vector<16xf32>
        %mul3A_522 = arith.mulf %max3A_520, %mul3A_521 : vector<16xf32>
        %sub3A_523 = arith.constant 0 : i32
        %sub3A_524 = arith.subi %while3A_216, %sub3A_523 : i32
        %swap3A_525 = arith.index_cast %sub3A_524 : i32 to index
        %swap3A_526 = arith.constant 384 : index
        %swap3A_527 = tpu.vector_load %arg7[%swap3A_525, %swap3A_526] {strides = array<i32>} : memref<32x512xf32, #tpu.memory_space<vmem>>, vector<16xf32>,
        tpu.vector_store %arg7[%swap3A_525, %swap3A_526], %mul3A_522 {strides = array<i32>} : memref<32x512xf32, #tpu.memory_space<vmem>>, vector<16xf32>,
        %get3A_528 = arith.index_cast %while3A_216 : i32 to index
        %get3A_529 = arith.constant 400 : index
        %get3A_530 = tpu.vector_load %arg5[%get3A_528, %get3A_529] {strides = array<i32>} : memref<64x512xf32, #tpu.memory_space<vmem>>, vector<16xf32>,
        %max3A_531 = arith.maximumf %while3A_242, %get3A_530 : vector<16xf32>
        %mul3A_532 = vector.broadcast %squeeze3A : f32 to vector<16xf32>
        %mul3A_533 = arith.mulf %max3A_531, %mul3A_532 : vector<16xf32>
        %sub3A_534 = arith.constant 0 : i32
        %sub3A_535 = arith.subi %while3A_216, %sub3A_534 : i32
        %swap3A_536 = arith.index_cast %sub3A_535 : i32 to index
        %swap3A_537 = arith.constant 400 : index
        %swap3A_538 = tpu.vector_load %arg7[%swap3A_536, %swap3A_537] {strides = array<i32>} : memref<32x512xf32, #tpu.memory_space<vmem>>, vector<16xf32>,
        tpu.vector_store %arg7[%swap3A_536, %swap3A_537], %mul3A_533 {strides = array<i32>} : memref<32x512xf32, #tpu.memory_space<vmem>>, vector<16xf32>,
        %get3A_539 = arith.index_cast %while3A_216 : i32 to index
        %get3A_540 = arith.constant 416 : index
        %get3A_541 = tpu.vector_load %arg5[%get3A_539, %get3A_540] {strides = array<i32>} : memref<64x512xf32, #tpu.memory_space<vmem>>, vector<16xf32>,
        %max3A_542 = arith.maximumf %while3A_243, %get3A_541 : vector<16xf32>
        %mul3A_543 = vector.broadcast %squeeze3A : f32 to vector<16xf32>
        %mul3A_544 = arith.mulf %max3A_542, %mul3A_543 : vector<16xf32>
        %sub3A_545 = arith.constant 0 : i32
        %sub3A_546 = arith.subi %while3A_216, %sub3A_545 : i32
        %swap3A_547 = arith.index_cast %sub3A_546 : i32 to index
        %swap3A_548 = arith.constant 416 : index
        %swap3A_549 = tpu.vector_load %arg7[%swap3A_547, %swap3A_548] {strides = array<i32>} : memref<32x512xf32, #tpu.memory_space<vmem>>, vector<16xf32>,
        tpu.vector_store %arg7[%swap3A_547, %swap3A_548], %mul3A_544 {strides = array<i32>} : memref<32x512xf32, #tpu.memory_space<vmem>>, vector<16xf32>,
        %get3A_550 = arith.index_cast %while3A_216 : i32 to index
        %get3A_551 = arith.constant 432 : index
        %get3A_552 = tpu.vector_load %arg5[%get3A_550, %get3A_551] {strides = array<i32>} : memref<64x512xf32, #tpu.memory_space<vmem>>, vector<16xf32>,
        %max3A_553 = arith.maximumf %while3A_244, %get3A_552 : vector<16xf32>
        %mul3A_554 = vector.broadcast %squeeze3A : f32 to vector<16xf32>
        %mul3A_555 = arith.mulf %max3A_553, %mul3A_554 : vector<16xf32>
        %sub3A_556 = arith.constant 0 : i32
        %sub3A_557 = arith.subi %while3A_216, %sub3A_556 : i32
        %swap3A_558 = arith.index_cast %sub3A_557 : i32 to index
        %swap3A_559 = arith.constant 432 : index
        %swap3A_560 = tpu.vector_load %arg7[%swap3A_558, %swap3A_559] {strides = array<i32>} : memref<32x512xf32, #tpu.memory_space<vmem>>, vector<16xf32>,
        tpu.vector_store %arg7[%swap3A_558, %swap3A_559], %mul3A_555 {strides = array<i32>} : memref<32x512xf32, #tpu.memory_space<vmem>>, vector<16xf32>,
        %get3A_561 = arith.index_cast %while3A_216 : i32 to index
        %get3A_562 = arith.constant 448 : index
        %get3A_563 = tpu.vector_load %arg5[%get3A_561, %get3A_562] {strides = array<i32>} : memref<64x512xf32, #tpu.memory_space<vmem>>, vector<16xf32>,
        %max3A_564 = arith.maximumf %while3A_245, %get3A_563 : vector<16xf32>
        %mul3A_565 = vector.broadcast %squeeze3A : f32 to vector<16xf32>
        %mul3A_566 = arith.mulf %max3A_564, %mul3A_565 : vector<16xf32>
        %sub3A_567 = arith.constant 0 : i32
        %sub3A_568 = arith.subi %while3A_216, %sub3A_567 : i32
        %swap3A_569 = arith.index_cast %sub3A_568 : i32 to index
        %swap3A_570 = arith.constant 448 : index
        %swap3A_571 = tpu.vector_load %arg7[%swap3A_569, %swap3A_570] {strides = array<i32>} : memref<32x512xf32, #tpu.memory_space<vmem>>, vector<16xf32>,
        tpu.vector_store %arg7[%swap3A_569, %swap3A_570], %mul3A_566 {strides = array<i32>} : memref<32x512xf32, #tpu.memory_space<vmem>>, vector<16xf32>,
        %get3A_572 = arith.index_cast %while3A_216 : i32 to index
        %get3A_573 = arith.constant 464 : index
        %get3A_574 = tpu.vector_load %arg5[%get3A_572, %get3A_573] {strides = array<i32>} : memref<64x512xf32, #tpu.memory_space<vmem>>, vector<16xf32>,
        %max3A_575 = arith.maximumf %while3A_246, %get3A_574 : vector<16xf32>
        %mul3A_576 = vector.broadcast %squeeze3A : f32 to vector<16xf32>
        %mul3A_577 = arith.mulf %max3A_575, %mul3A_576 : vector<16xf32>
        %sub3A_578 = arith.constant 0 : i32
        %sub3A_579 = arith.subi %while3A_216, %sub3A_578 : i32
        %swap3A_580 = arith.index_cast %sub3A_579 : i32 to index
        %swap3A_581 = arith.constant 464 : index
        %swap3A_582 = tpu.vector_load %arg7[%swap3A_580, %swap3A_581] {strides = array<i32>} : memref<32x512xf32, #tpu.memory_space<vmem>>, vector<16xf32>,
        tpu.vector_store %arg7[%swap3A_580, %swap3A_581], %mul3A_577 {strides = array<i32>} : memref<32x512xf32, #tpu.memory_space<vmem>>, vector<16xf32>,
        %get3A_583 = arith.index_cast %while3A_216 : i32 to index
        %get3A_584 = arith.constant 480 : index
        %get3A_585 = tpu.vector_load %arg5[%get3A_583, %get3A_584] {strides = array<i32>} : memref<64x512xf32, #tpu.memory_space<vmem>>, vector<16xf32>,
        %max3A_586 = arith.maximumf %while3A_247, %get3A_585 : vector<16xf32>
        %mul3A_587 = vector.broadcast %squeeze3A : f32 to vector<16xf32>
        %mul3A_588 = arith.mulf %max3A_586, %mul3A_587 : vector<16xf32>
        %sub3A_589 = arith.constant 0 : i32
        %sub3A_590 = arith.subi %while3A_216, %sub3A_589 : i32
        %swap3A_591 = arith.index_cast %sub3A_590 : i32 to index
        %swap3A_592 = arith.constant 480 : index
        %swap3A_593 = tpu.vector_load %arg7[%swap3A_591, %swap3A_592] {strides = array<i32>} : memref<32x512xf32, #tpu.memory_space<vmem>>, vector<16xf32>,
        tpu.vector_store %arg7[%swap3A_591, %swap3A_592], %mul3A_588 {strides = array<i32>} : memref<32x512xf32, #tpu.memory_space<vmem>>, vector<16xf32>,
        %get3A_594 = arith.index_cast %while3A_216 : i32 to index
        %get3A_595 = arith.constant 496 : index
        %get3A_596 = tpu.vector_load %arg5[%get3A_594, %get3A_595] {strides = array<i32>} : memref<64x512xf32, #tpu.memory_space<vmem>>, vector<16xf32>,
        %max3A_597 = arith.maximumf %while3A_248, %get3A_596 : vector<16xf32>
        %mul3A_598 = vector.broadcast %squeeze3A : f32 to vector<16xf32>
        %mul3A_599 = arith.mulf %max3A_597, %mul3A_598 : vector<16xf32>
        %sub3A_600 = arith.constant 0 : i32
        %sub3A_601 = arith.subi %while3A_216, %sub3A_600 : i32
        %swap3A_602 = arith.index_cast %sub3A_601 : i32 to index
        %swap3A_603 = arith.constant 496 : index
        %swap3A_604 = tpu.vector_load %arg7[%swap3A_602, %swap3A_603] {strides = array<i32>} : memref<32x512xf32, #tpu.memory_space<vmem>>, vector<16xf32>,
        tpu.vector_store %arg7[%swap3A_602, %swap3A_603], %mul3A_599 {strides = array<i32>} : memref<32x512xf32, #tpu.memory_space<vmem>>, vector<16xf32>,
        scf.yield %max3A_257, %max3A_267, %max3A_278, %max3A_289, %max3A_300, %max3A_311, %max3A_322, %max3A_333, %max3A_344, %max3A_355, %max3A_366, %max3A_377, %max3A_388, %max3A_399, %max3A_410, %max3A_421, %max3A_432, %max3A_443, %max3A_454, %max3A_465, %max3A_476, %max3A_487, %max3A_498, %max3A_509, %max3A_520, %max3A_531, %max3A_542, %max3A_553, %max3A_564, %max3A_575, %max3A_586, %max3A_597 : vector<16xf32>, vector<16xf32>, vector<16xf32>, vector<16xf32>, vector<16xf32>, vector<16xf32>, vector<16xf32>, vector<16xf32>, vector<16xf32>, vector<16xf32>, vector<16xf32>, vector<16xf32>, vector<16xf32>, vector<16xf32>, vector<16xf32>, vector<16xf32>, vector<16xf32>, vector<16xf32>, vector<16xf32>, vector<16xf32>, vector<16xf32>, vector<16xf32>, vector<16xf32>, vector<16xf32>, vector<16xf32>, vector<16xf32>, vector<16xf32>, vector<16xf32>, vector<16xf32>, vector<16xf32>, vector<16xf32>, vector<16xf32>
      }
      %while3A_176 = arith.constant 1 : i32
      %while3A_177:32 = scf.for %while3A_216 = %while3A_173 to %while3A_169 step %while3A_176 iter_args(%while3A_217 = %while3A_175#0, %while3A_218 = %while3A_175#1, %while3A_219 = %while3A_175#2, %while3A_220 = %while3A_175#3, %while3A_221 = %while3A_175#4, %while3A_222 = %while3A_175#5, %while3A_223 = %while3A_175#6, %while3A_224 = %while3A_175#7, %while3A_225 = %while3A_175#8, %while3A_226 = %while3A_175#9, %while3A_227 = %while3A_175#10, %while3A_228 = %while3A_175#11, %while3A_229 = %while3A_175#12, %while3A_230 = %while3A_175#13, %while3A_231 = %while3A_175#14, %while3A_232 = %while3A_175#15, %while3A_233 = %while3A_175#16, %while3A_234 = %while3A_175#17, %while3A_235 = %while3A_175#18, %while3A_236 = %while3A_175#19, %while3A_237 = %while3A_175#20, %while3A_238 = %while3A_175#21, %while3A_239 = %while3A_175#22, %while3A_240 = %while3A_175#23, %while3A_241 = %while3A_175#24, %while3A_242 = %while3A_175#25, %while3A_243 = %while3A_175#26, %while3A_244 = %while3A_175#27, %while3A_245 = %while3A_175#28, %while3A_246 = %while3A_175#29, %while3A_247 = %while3A_175#30, %while3A_248 = %while3A_175#31) -> (vector<16xf32>, vector<16xf32>, vector<16xf32>, vector<16xf32>, vector<16xf32>, vector<16xf32>, vector<16xf32>, vector<16xf32>, vector<16xf32>, vector<16xf32>, vector<16xf32>, vector<16xf32>, vector<16xf32>, vector<16xf32>, vector<16xf32>, vector<16xf32>, vector<16xf32>, vector<16xf32>, vector<16xf32>, vector<16xf32>, vector<16xf32>, vector<16xf32>, vector<16xf32>, vector<16xf32>, vector<16xf32>, vector<16xf32>, vector<16xf32>, vector<16xf32>, vector<16xf32>, vector<16xf32>, vector<16xf32>, vector<16xf32>)  : i32 {
        %mul3A_249 = arith.constant 64 : i32
        %mul3A_250 = arith.muli %add3A_69, %mul3A_249 : i32
        %add3A_251 = arith.addi %mul3A_250, %while3A_216 : i32
        %get3A_252 = arith.index_cast %add3A_251 : i32 to index
        %get3A_253 = tpu.vector_load %arg6[%get3A_252] {strides = array<i32>} : memref<4112xf32, #tpu.memory_space<vmem>>, vector<16xf32>,
        %slice3A = vector.extract_strided_slice %get3A_253 {offsets = [0], sizes = [1], strides = [1]} : vector<16xf32> to vector<1xf32>
        %squeeze3A = vector.extract %slice3A[0] : f32 from vector<1xf32>
        %get3A_254 = arith.index_cast %while3A_216 : i32 to index
        %get3A_255 = arith.constant 0 : index
        %get3A_256 = tpu.vector_load %arg5[%get3A_254, %get3A_255] {strides = array<i32>} : memref<64x512xf32, #tpu.memory_space<vmem>>, vector<16xf32>,
        %max3A_257 = arith.maximumf %while3A_217, %get3A_256 : vector<16xf32>
        %mul3A_258 = vector.broadcast %squeeze3A : f32 to vector<16xf32>
        %mul3A_259 = arith.mulf %max3A_257, %mul3A_258 : vector<16xf32>
        %sub3A_260 = arith.constant 0 : i32
        %sub3A_261 = arith.subi %while3A_216, %sub3A_260 : i32
        %swap3A = arith.index_cast %sub3A_261 : i32 to index
        %swap3A_262 = arith.constant 0 : index
        %swap3A_263 = tpu.vector_load %arg7[%swap3A, %swap3A_262] {strides = array<i32>} : memref<32x512xf32, #tpu.memory_space<vmem>>, vector<16xf32>,
        tpu.vector_store %arg7[%swap3A, %swap3A_262], %mul3A_259 {strides = array<i32>} : memref<32x512xf32, #tpu.memory_space<vmem>>, vector<16xf32>,
        %get3A_264 = arith.index_cast %while3A_216 : i32 to index
        %get3A_265 = arith.constant 16 : index
        %get3A_266 = tpu.vector_load %arg5[%get3A_264, %get3A_265] {strides = array<i32>} : memref<64x512xf32, #tpu.memory_space<vmem>>, vector<16xf32>,
        %max3A_267 = arith.maximumf %while3A_218, %get3A_266 : vector<16xf32>
        %mul3A_268 = vector.broadcast %squeeze3A : f32 to vector<16xf32>
        %mul3A_269 = arith.mulf %max3A_267, %mul3A_268 : vector<16xf32>
        %sub3A_270 = arith.constant 0 : i32
        %sub3A_271 = arith.subi %while3A_216, %sub3A_270 : i32
        %swap3A_272 = arith.index_cast %sub3A_271 : i32 to index
        %swap3A_273 = arith.constant 16 : index
        %swap3A_274 = tpu.vector_load %arg7[%swap3A_272, %swap3A_273] {strides = array<i32>} : memref<32x512xf32, #tpu.memory_space<vmem>>, vector<16xf32>,
        tpu.vector_store %arg7[%swap3A_272, %swap3A_273], %mul3A_269 {strides = array<i32>} : memref<32x512xf32, #tpu.memory_space<vmem>>, vector<16xf32>,
        %get3A_275 = arith.index_cast %while3A_216 : i32 to index
        %get3A_276 = arith.constant 32 : index
        %get3A_277 = tpu.vector_load %arg5[%get3A_275, %get3A_276] {strides = array<i32>} : memref<64x512xf32, #tpu.memory_space<vmem>>, vector<16xf32>,
        %max3A_278 = arith.maximumf %while3A_219, %get3A_277 : vector<16xf32>
        %mul3A_279 = vector.broadcast %squeeze3A : f32 to vector<16xf32>
        %mul3A_280 = arith.mulf %max3A_278, %mul3A_279 : vector<16xf32>
        %sub3A_281 = arith.constant 0 : i32
        %sub3A_282 = arith.subi %while3A_216, %sub3A_281 : i32
        %swap3A_283 = arith.index_cast %sub3A_282 : i32 to index
        %swap3A_284 = arith.constant 32 : index
        %swap3A_285 = tpu.vector_load %arg7[%swap3A_283, %swap3A_284] {strides = array<i32>} : memref<32x512xf32, #tpu.memory_space<vmem>>, vector<16xf32>,
        tpu.vector_store %arg7[%swap3A_283, %swap3A_284], %mul3A_280 {strides = array<i32>} : memref<32x512xf32, #tpu.memory_space<vmem>>, vector<16xf32>,
        %get3A_286 = arith.index_cast %while3A_216 : i32 to index
        %get3A_287 = arith.constant 48 : index
        %get3A_288 = tpu.vector_load %arg5[%get3A_286, %get3A_287] {strides = array<i32>} : memref<64x512xf32, #tpu.memory_space<vmem>>, vector<16xf32>,
        %max3A_289 = arith.maximumf %while3A_220, %get3A_288 : vector<16xf32>
        %mul3A_290 = vector.broadcast %squeeze3A : f32 to vector<16xf32>
        %mul3A_291 = arith.mulf %max3A_289, %mul3A_290 : vector<16xf32>
        %sub3A_292 = arith.constant 0 : i32
        %sub3A_293 = arith.subi %while3A_216, %sub3A_292 : i32
        %swap3A_294 = arith.index_cast %sub3A_293 : i32 to index
        %swap3A_295 = arith.constant 48 : index
        %swap3A_296 = tpu.vector_load %arg7[%swap3A_294, %swap3A_295] {strides = array<i32>} : memref<32x512xf32, #tpu.memory_space<vmem>>, vector<16xf32>,
        tpu.vector_store %arg7[%swap3A_294, %swap3A_295], %mul3A_291 {strides = array<i32>} : memref<32x512xf32, #tpu.memory_space<vmem>>, vector<16xf32>,
        %get3A_297 = arith.index_cast %while3A_216 : i32 to index
        %get3A_298 = arith.constant 64 : index
        %get3A_299 = tpu.vector_load %arg5[%get3A_297, %get3A_298] {strides = array<i32>} : memref<64x512xf32, #tpu.memory_space<vmem>>, vector<16xf32>,
        %max3A_300 = arith.maximumf %while3A_221, %get3A_299 : vector<16xf32>
        %mul3A_301 = vector.broadcast %squeeze3A : f32 to vector<16xf32>
        %mul3A_302 = arith.mulf %max3A_300, %mul3A_301 : vector<16xf32>
        %sub3A_303 = arith.constant 0 : i32
        %sub3A_304 = arith.subi %while3A_216, %sub3A_303 : i32
        %swap3A_305 = arith.index_cast %sub3A_304 : i32 to index
        %swap3A_306 = arith.constant 64 : index
        %swap3A_307 = tpu.vector_load %arg7[%swap3A_305, %swap3A_306] {strides = array<i32>} : memref<32x512xf32, #tpu.memory_space<vmem>>, vector<16xf32>,
        tpu.vector_store %arg7[%swap3A_305, %swap3A_306], %mul3A_302 {strides = array<i32>} : memref<32x512xf32, #tpu.memory_space<vmem>>, vector<16xf32>,
        %get3A_308 = arith.index_cast %while3A_216 : i32 to index
        %get3A_309 = arith.constant 80 : index
        %get3A_310 = tpu.vector_load %arg5[%get3A_308, %get3A_309] {strides = array<i32>} : memref<64x512xf32, #tpu.memory_space<vmem>>, vector<16xf32>,
        %max3A_311 = arith.maximumf %while3A_222, %get3A_310 : vector<16xf32>
        %mul3A_312 = vector.broadcast %squeeze3A : f32 to vector<16xf32>
        %mul3A_313 = arith.mulf %max3A_311, %mul3A_312 : vector<16xf32>
        %sub3A_314 = arith.constant 0 : i32
        %sub3A_315 = arith.subi %while3A_216, %sub3A_314 : i32
        %swap3A_316 = arith.index_cast %sub3A_315 : i32 to index
        %swap3A_317 = arith.constant 80 : index
        %swap3A_318 = tpu.vector_load %arg7[%swap3A_316, %swap3A_317] {strides = array<i32>} : memref<32x512xf32, #tpu.memory_space<vmem>>, vector<16xf32>,
        tpu.vector_store %arg7[%swap3A_316, %swap3A_317], %mul3A_313 {strides = array<i32>} : memref<32x512xf32, #tpu.memory_space<vmem>>, vector<16xf32>,
        %get3A_319 = arith.index_cast %while3A_216 : i32 to index
        %get3A_320 = arith.constant 96 : index
        %get3A_321 = tpu.vector_load %arg5[%get3A_319, %get3A_320] {strides = array<i32>} : memref<64x512xf32, #tpu.memory_space<vmem>>, vector<16xf32>,
        %max3A_322 = arith.maximumf %while3A_223, %get3A_321 : vector<16xf32>
        %mul3A_323 = vector.broadcast %squeeze3A : f32 to vector<16xf32>
        %mul3A_324 = arith.mulf %max3A_322, %mul3A_323 : vector<16xf32>
        %sub3A_325 = arith.constant 0 : i32
        %sub3A_326 = arith.subi %while3A_216, %sub3A_325 : i32
        %swap3A_327 = arith.index_cast %sub3A_326 : i32 to index
        %swap3A_328 = arith.constant 96 : index
        %swap3A_329 = tpu.vector_load %arg7[%swap3A_327, %swap3A_328] {strides = array<i32>} : memref<32x512xf32, #tpu.memory_space<vmem>>, vector<16xf32>,
        tpu.vector_store %arg7[%swap3A_327, %swap3A_328], %mul3A_324 {strides = array<i32>} : memref<32x512xf32, #tpu.memory_space<vmem>>, vector<16xf32>,
        %get3A_330 = arith.index_cast %while3A_216 : i32 to index
        %get3A_331 = arith.constant 112 : index
        %get3A_332 = tpu.vector_load %arg5[%get3A_330, %get3A_331] {strides = array<i32>} : memref<64x512xf32, #tpu.memory_space<vmem>>, vector<16xf32>,
        %max3A_333 = arith.maximumf %while3A_224, %get3A_332 : vector<16xf32>
        %mul3A_334 = vector.broadcast %squeeze3A : f32 to vector<16xf32>
        %mul3A_335 = arith.mulf %max3A_333, %mul3A_334 : vector<16xf32>
        %sub3A_336 = arith.constant 0 : i32
        %sub3A_337 = arith.subi %while3A_216, %sub3A_336 : i32
        %swap3A_338 = arith.index_cast %sub3A_337 : i32 to index
        %swap3A_339 = arith.constant 112 : index
        %swap3A_340 = tpu.vector_load %arg7[%swap3A_338, %swap3A_339] {strides = array<i32>} : memref<32x512xf32, #tpu.memory_space<vmem>>, vector<16xf32>,
        tpu.vector_store %arg7[%swap3A_338, %swap3A_339], %mul3A_335 {strides = array<i32>} : memref<32x512xf32, #tpu.memory_space<vmem>>, vector<16xf32>,
        %get3A_341 = arith.index_cast %while3A_216 : i32 to index
        %get3A_342 = arith.constant 128 : index
        %get3A_343 = tpu.vector_load %arg5[%get3A_341, %get3A_342] {strides = array<i32>} : memref<64x512xf32, #tpu.memory_space<vmem>>, vector<16xf32>,
        %max3A_344 = arith.maximumf %while3A_225, %get3A_343 : vector<16xf32>
        %mul3A_345 = vector.broadcast %squeeze3A : f32 to vector<16xf32>
        %mul3A_346 = arith.mulf %max3A_344, %mul3A_345 : vector<16xf32>
        %sub3A_347 = arith.constant 0 : i32
        %sub3A_348 = arith.subi %while3A_216, %sub3A_347 : i32
        %swap3A_349 = arith.index_cast %sub3A_348 : i32 to index
        %swap3A_350 = arith.constant 128 : index
        %swap3A_351 = tpu.vector_load %arg7[%swap3A_349, %swap3A_350] {strides = array<i32>} : memref<32x512xf32, #tpu.memory_space<vmem>>, vector<16xf32>,
        tpu.vector_store %arg7[%swap3A_349, %swap3A_350], %mul3A_346 {strides = array<i32>} : memref<32x512xf32, #tpu.memory_space<vmem>>, vector<16xf32>,
        %get3A_352 = arith.index_cast %while3A_216 : i32 to index
        %get3A_353 = arith.constant 144 : index
        %get3A_354 = tpu.vector_load %arg5[%get3A_352, %get3A_353] {strides = array<i32>} : memref<64x512xf32, #tpu.memory_space<vmem>>, vector<16xf32>,
        %max3A_355 = arith.maximumf %while3A_226, %get3A_354 : vector<16xf32>
        %mul3A_356 = vector.broadcast %squeeze3A : f32 to vector<16xf32>
        %mul3A_357 = arith.mulf %max3A_355, %mul3A_356 : vector<16xf32>
        %sub3A_358 = arith.constant 0 : i32
        %sub3A_359 = arith.subi %while3A_216, %sub3A_358 : i32
        %swap3A_360 = arith.index_cast %sub3A_359 : i32 to index
        %swap3A_361 = arith.constant 144 : index
        %swap3A_362 = tpu.vector_load %arg7[%swap3A_360, %swap3A_361] {strides = array<i32>} : memref<32x512xf32, #tpu.memory_space<vmem>>, vector<16xf32>,
        tpu.vector_store %arg7[%swap3A_360, %swap3A_361], %mul3A_357 {strides = array<i32>} : memref<32x512xf32, #tpu.memory_space<vmem>>, vector<16xf32>,
        %get3A_363 = arith.index_cast %while3A_216 : i32 to index
        %get3A_364 = arith.constant 160 : index
        %get3A_365 = tpu.vector_load %arg5[%get3A_363, %get3A_364] {strides = array<i32>} : memref<64x512xf32, #tpu.memory_space<vmem>>, vector<16xf32>,
        %max3A_366 = arith.maximumf %while3A_227, %get3A_365 : vector<16xf32>
        %mul3A_367 = vector.broadcast %squeeze3A : f32 to vector<16xf32>
        %mul3A_368 = arith.mulf %max3A_366, %mul3A_367 : vector<16xf32>
        %sub3A_369 = arith.constant 0 : i32
        %sub3A_370 = arith.subi %while3A_216, %sub3A_369 : i32
        %swap3A_371 = arith.index_cast %sub3A_370 : i32 to index
        %swap3A_372 = arith.constant 160 : index
        %swap3A_373 = tpu.vector_load %arg7[%swap3A_371, %swap3A_372] {strides = array<i32>} : memref<32x512xf32, #tpu.memory_space<vmem>>, vector<16xf32>,
        tpu.vector_store %arg7[%swap3A_371, %swap3A_372], %mul3A_368 {strides = array<i32>} : memref<32x512xf32, #tpu.memory_space<vmem>>, vector<16xf32>,
        %get3A_374 = arith.index_cast %while3A_216 : i32 to index
        %get3A_375 = arith.constant 176 : index
        %get3A_376 = tpu.vector_load %arg5[%get3A_374, %get3A_375] {strides = array<i32>} : memref<64x512xf32, #tpu.memory_space<vmem>>, vector<16xf32>,
        %max3A_377 = arith.maximumf %while3A_228, %get3A_376 : vector<16xf32>
        %mul3A_378 = vector.broadcast %squeeze3A : f32 to vector<16xf32>
        %mul3A_379 = arith.mulf %max3A_377, %mul3A_378 : vector<16xf32>
        %sub3A_380 = arith.constant 0 : i32
        %sub3A_381 = arith.subi %while3A_216, %sub3A_380 : i32
        %swap3A_382 = arith.index_cast %sub3A_381 : i32 to index
        %swap3A_383 = arith.constant 176 : index
        %swap3A_384 = tpu.vector_load %arg7[%swap3A_382, %swap3A_383] {strides = array<i32>} : memref<32x512xf32, #tpu.memory_space<vmem>>, vector<16xf32>,
        tpu.vector_store %arg7[%swap3A_382, %swap3A_383], %mul3A_379 {strides = array<i32>} : memref<32x512xf32, #tpu.memory_space<vmem>>, vector<16xf32>,
        %get3A_385 = arith.index_cast %while3A_216 : i32 to index
        %get3A_386 = arith.constant 192 : index
        %get3A_387 = tpu.vector_load %arg5[%get3A_385, %get3A_386] {strides = array<i32>} : memref<64x512xf32, #tpu.memory_space<vmem>>, vector<16xf32>,
        %max3A_388 = arith.maximumf %while3A_229, %get3A_387 : vector<16xf32>
        %mul3A_389 = vector.broadcast %squeeze3A : f32 to vector<16xf32>
        %mul3A_390 = arith.mulf %max3A_388, %mul3A_389 : vector<16xf32>
        %sub3A_391 = arith.constant 0 : i32
        %sub3A_392 = arith.subi %while3A_216, %sub3A_391 : i32
        %swap3A_393 = arith.index_cast %sub3A_392 : i32 to index
        %swap3A_394 = arith.constant 192 : index
        %swap3A_395 = tpu.vector_load %arg7[%swap3A_393, %swap3A_394] {strides = array<i32>} : memref<32x512xf32, #tpu.memory_space<vmem>>, vector<16xf32>,
        tpu.vector_store %arg7[%swap3A_393, %swap3A_394], %mul3A_390 {strides = array<i32>} : memref<32x512xf32, #tpu.memory_space<vmem>>, vector<16xf32>,
        %get3A_396 = arith.index_cast %while3A_216 : i32 to index
        %get3A_397 = arith.constant 208 : index
        %get3A_398 = tpu.vector_load %arg5[%get3A_396, %get3A_397] {strides = array<i32>} : memref<64x512xf32, #tpu.memory_space<vmem>>, vector<16xf32>,
        %max3A_399 = arith.maximumf %while3A_230, %get3A_398 : vector<16xf32>
        %mul3A_400 = vector.broadcast %squeeze3A : f32 to vector<16xf32>
        %mul3A_401 = arith.mulf %max3A_399, %mul3A_400 : vector<16xf32>
        %sub3A_402 = arith.constant 0 : i32
        %sub3A_403 = arith.subi %while3A_216, %sub3A_402 : i32
        %swap3A_404 = arith.index_cast %sub3A_403 : i32 to index
        %swap3A_405 = arith.constant 208 : index
        %swap3A_406 = tpu.vector_load %arg7[%swap3A_404, %swap3A_405] {strides = array<i32>} : memref<32x512xf32, #tpu.memory_space<vmem>>, vector<16xf32>,
        tpu.vector_store %arg7[%swap3A_404, %swap3A_405], %mul3A_401 {strides = array<i32>} : memref<32x512xf32, #tpu.memory_space<vmem>>, vector<16xf32>,
        %get3A_407 = arith.index_cast %while3A_216 : i32 to index
        %get3A_408 = arith.constant 224 : index
        %get3A_409 = tpu.vector_load %arg5[%get3A_407, %get3A_408] {strides = array<i32>} : memref<64x512xf32, #tpu.memory_space<vmem>>, vector<16xf32>,
        %max3A_410 = arith.maximumf %while3A_231, %get3A_409 : vector<16xf32>
        %mul3A_411 = vector.broadcast %squeeze3A : f32 to vector<16xf32>
        %mul3A_412 = arith.mulf %max3A_410, %mul3A_411 : vector<16xf32>
        %sub3A_413 = arith.constant 0 : i32
        %sub3A_414 = arith.subi %while3A_216, %sub3A_413 : i32
        %swap3A_415 = arith.index_cast %sub3A_414 : i32 to index
        %swap3A_416 = arith.constant 224 : index
        %swap3A_417 = tpu.vector_load %arg7[%swap3A_415, %swap3A_416] {strides = array<i32>} : memref<32x512xf32, #tpu.memory_space<vmem>>, vector<16xf32>,
        tpu.vector_store %arg7[%swap3A_415, %swap3A_416], %mul3A_412 {strides = array<i32>} : memref<32x512xf32, #tpu.memory_space<vmem>>, vector<16xf32>,
        %get3A_418 = arith.index_cast %while3A_216 : i32 to index
        %get3A_419 = arith.constant 240 : index
        %get3A_420 = tpu.vector_load %arg5[%get3A_418, %get3A_419] {strides = array<i32>} : memref<64x512xf32, #tpu.memory_space<vmem>>, vector<16xf32>,
        %max3A_421 = arith.maximumf %while3A_232, %get3A_420 : vector<16xf32>
        %mul3A_422 = vector.broadcast %squeeze3A : f32 to vector<16xf32>
        %mul3A_423 = arith.mulf %max3A_421, %mul3A_422 : vector<16xf32>
        %sub3A_424 = arith.constant 0 : i32
        %sub3A_425 = arith.subi %while3A_216, %sub3A_424 : i32
        %swap3A_426 = arith.index_cast %sub3A_425 : i32 to index
        %swap3A_427 = arith.constant 240 : index
        %swap3A_428 = tpu.vector_load %arg7[%swap3A_426, %swap3A_427] {strides = array<i32>} : memref<32x512xf32, #tpu.memory_space<vmem>>, vector<16xf32>,
        tpu.vector_store %arg7[%swap3A_426, %swap3A_427], %mul3A_423 {strides = array<i32>} : memref<32x512xf32, #tpu.memory_space<vmem>>, vector<16xf32>,
        %get3A_429 = arith.index_cast %while3A_216 : i32 to index
        %get3A_430 = arith.constant 256 : index
        %get3A_431 = tpu.vector_load %arg5[%get3A_429, %get3A_430] {strides = array<i32>} : memref<64x512xf32, #tpu.memory_space<vmem>>, vector<16xf32>,
        %max3A_432 = arith.maximumf %while3A_233, %get3A_431 : vector<16xf32>
        %mul3A_433 = vector.broadcast %squeeze3A : f32 to vector<16xf32>
        %mul3A_434 = arith.mulf %max3A_432, %mul3A_433 : vector<16xf32>
        %sub3A_435 = arith.constant 0 : i32
        %sub3A_436 = arith.subi %while3A_216, %sub3A_435 : i32
        %swap3A_437 = arith.index_cast %sub3A_436 : i32 to index
        %swap3A_438 = arith.constant 256 : index
        %swap3A_439 = tpu.vector_load %arg7[%swap3A_437, %swap3A_438] {strides = array<i32>} : memref<32x512xf32, #tpu.memory_space<vmem>>, vector<16xf32>,
        tpu.vector_store %arg7[%swap3A_437, %swap3A_438], %mul3A_434 {strides = array<i32>} : memref<32x512xf32, #tpu.memory_space<vmem>>, vector<16xf32>,
        %get3A_440 = arith.index_cast %while3A_216 : i32 to index
        %get3A_441 = arith.constant 272 : index
        %get3A_442 = tpu.vector_load %arg5[%get3A_440, %get3A_441] {strides = array<i32>} : memref<64x512xf32, #tpu.memory_space<vmem>>, vector<16xf32>,
        %max3A_443 = arith.maximumf %while3A_234, %get3A_442 : vector<16xf32>
        %mul3A_444 = vector.broadcast %squeeze3A : f32 to vector<16xf32>
        %mul3A_445 = arith.mulf %max3A_443, %mul3A_444 : vector<16xf32>
        %sub3A_446 = arith.constant 0 : i32
        %sub3A_447 = arith.subi %while3A_216, %sub3A_446 : i32
        %swap3A_448 = arith.index_cast %sub3A_447 : i32 to index
        %swap3A_449 = arith.constant 272 : index
        %swap3A_450 = tpu.vector_load %arg7[%swap3A_448, %swap3A_449] {strides = array<i32>} : memref<32x512xf32, #tpu.memory_space<vmem>>, vector<16xf32>,
        tpu.vector_store %arg7[%swap3A_448, %swap3A_449], %mul3A_445 {strides = array<i32>} : memref<32x512xf32, #tpu.memory_space<vmem>>, vector<16xf32>,
        %get3A_451 = arith.index_cast %while3A_216 : i32 to index
        %get3A_452 = arith.constant 288 : index
        %get3A_453 = tpu.vector_load %arg5[%get3A_451, %get3A_452] {strides = array<i32>} : memref<64x512xf32, #tpu.memory_space<vmem>>, vector<16xf32>,
        %max3A_454 = arith.maximumf %while3A_235, %get3A_453 : vector<16xf32>
        %mul3A_455 = vector.broadcast %squeeze3A : f32 to vector<16xf32>
        %mul3A_456 = arith.mulf %max3A_454, %mul3A_455 : vector<16xf32>
        %sub3A_457 = arith.constant 0 : i32
        %sub3A_458 = arith.subi %while3A_216, %sub3A_457 : i32
        %swap3A_459 = arith.index_cast %sub3A_458 : i32 to index
        %swap3A_460 = arith.constant 288 : index
        %swap3A_461 = tpu.vector_load %arg7[%swap3A_459, %swap3A_460] {strides = array<i32>} : memref<32x512xf32, #tpu.memory_space<vmem>>, vector<16xf32>,
        tpu.vector_store %arg7[%swap3A_459, %swap3A_460], %mul3A_456 {strides = array<i32>} : memref<32x512xf32, #tpu.memory_space<vmem>>, vector<16xf32>,
        %get3A_462 = arith.index_cast %while3A_216 : i32 to index
        %get3A_463 = arith.constant 304 : index
        %get3A_464 = tpu.vector_load %arg5[%get3A_462, %get3A_463] {strides = array<i32>} : memref<64x512xf32, #tpu.memory_space<vmem>>, vector<16xf32>,
        %max3A_465 = arith.maximumf %while3A_236, %get3A_464 : vector<16xf32>
        %mul3A_466 = vector.broadcast %squeeze3A : f32 to vector<16xf32>
        %mul3A_467 = arith.mulf %max3A_465, %mul3A_466 : vector<16xf32>
        %sub3A_468 = arith.constant 0 : i32
        %sub3A_469 = arith.subi %while3A_216, %sub3A_468 : i32
        %swap3A_470 = arith.index_cast %sub3A_469 : i32 to index
        %swap3A_471 = arith.constant 304 : index
        %swap3A_472 = tpu.vector_load %arg7[%swap3A_470, %swap3A_471] {strides = array<i32>} : memref<32x512xf32, #tpu.memory_space<vmem>>, vector<16xf32>,
        tpu.vector_store %arg7[%swap3A_470, %swap3A_471], %mul3A_467 {strides = array<i32>} : memref<32x512xf32, #tpu.memory_space<vmem>>, vector<16xf32>,
        %get3A_473 = arith.index_cast %while3A_216 : i32 to index
        %get3A_474 = arith.constant 320 : index
        %get3A_475 = tpu.vector_load %arg5[%get3A_473, %get3A_474] {strides = array<i32>} : memref<64x512xf32, #tpu.memory_space<vmem>>, vector<16xf32>,
        %max3A_476 = arith.maximumf %while3A_237, %get3A_475 : vector<16xf32>
        %mul3A_477 = vector.broadcast %squeeze3A : f32 to vector<16xf32>
        %mul3A_478 = arith.mulf %max3A_476, %mul3A_477 : vector<16xf32>
        %sub3A_479 = arith.constant 0 : i32
        %sub3A_480 = arith.subi %while3A_216, %sub3A_479 : i32
        %swap3A_481 = arith.index_cast %sub3A_480 : i32 to index
        %swap3A_482 = arith.constant 320 : index
        %swap3A_483 = tpu.vector_load %arg7[%swap3A_481, %swap3A_482] {strides = array<i32>} : memref<32x512xf32, #tpu.memory_space<vmem>>, vector<16xf32>,
        tpu.vector_store %arg7[%swap3A_481, %swap3A_482], %mul3A_478 {strides = array<i32>} : memref<32x512xf32, #tpu.memory_space<vmem>>, vector<16xf32>,
        %get3A_484 = arith.index_cast %while3A_216 : i32 to index
        %get3A_485 = arith.constant 336 : index
        %get3A_486 = tpu.vector_load %arg5[%get3A_484, %get3A_485] {strides = array<i32>} : memref<64x512xf32, #tpu.memory_space<vmem>>, vector<16xf32>,
        %max3A_487 = arith.maximumf %while3A_238, %get3A_486 : vector<16xf32>
        %mul3A_488 = vector.broadcast %squeeze3A : f32 to vector<16xf32>
        %mul3A_489 = arith.mulf %max3A_487, %mul3A_488 : vector<16xf32>
        %sub3A_490 = arith.constant 0 : i32
        %sub3A_491 = arith.subi %while3A_216, %sub3A_490 : i32
        %swap3A_492 = arith.index_cast %sub3A_491 : i32 to index
        %swap3A_493 = arith.constant 336 : index
        %swap3A_494 = tpu.vector_load %arg7[%swap3A_492, %swap3A_493] {strides = array<i32>} : memref<32x512xf32, #tpu.memory_space<vmem>>, vector<16xf32>,
        tpu.vector_store %arg7[%swap3A_492, %swap3A_493], %mul3A_489 {strides = array<i32>} : memref<32x512xf32, #tpu.memory_space<vmem>>, vector<16xf32>,
        %get3A_495 = arith.index_cast %while3A_216 : i32 to index
        %get3A_496 = arith.constant 352 : index
        %get3A_497 = tpu.vector_load %arg5[%get3A_495, %get3A_496] {strides = array<i32>} : memref<64x512xf32, #tpu.memory_space<vmem>>, vector<16xf32>,
        %max3A_498 = arith.maximumf %while3A_239, %get3A_497 : vector<16xf32>
        %mul3A_499 = vector.broadcast %squeeze3A : f32 to vector<16xf32>
        %mul3A_500 = arith.mulf %max3A_498, %mul3A_499 : vector<16xf32>
        %sub3A_501 = arith.constant 0 : i32
        %sub3A_502 = arith.subi %while3A_216, %sub3A_501 : i32
        %swap3A_503 = arith.index_cast %sub3A_502 : i32 to index
        %swap3A_504 = arith.constant 352 : index
        %swap3A_505 = tpu.vector_load %arg7[%swap3A_503, %swap3A_504] {strides = array<i32>} : memref<32x512xf32, #tpu.memory_space<vmem>>, vector<16xf32>,
        tpu.vector_store %arg7[%swap3A_503, %swap3A_504], %mul3A_500 {strides = array<i32>} : memref<32x512xf32, #tpu.memory_space<vmem>>, vector<16xf32>,
        %get3A_506 = arith.index_cast %while3A_216 : i32 to index
        %get3A_507 = arith.constant 368 : index
        %get3A_508 = tpu.vector_load %arg5[%get3A_506, %get3A_507] {strides = array<i32>} : memref<64x512xf32, #tpu.memory_space<vmem>>, vector<16xf32>,
        %max3A_509 = arith.maximumf %while3A_240, %get3A_508 : vector<16xf32>
        %mul3A_510 = vector.broadcast %squeeze3A : f32 to vector<16xf32>
        %mul3A_511 = arith.mulf %max3A_509, %mul3A_510 : vector<16xf32>
        %sub3A_512 = arith.constant 0 : i32
        %sub3A_513 = arith.subi %while3A_216, %sub3A_512 : i32
        %swap3A_514 = arith.index_cast %sub3A_513 : i32 to index
        %swap3A_515 = arith.constant 368 : index
        %swap3A_516 = tpu.vector_load %arg7[%swap3A_514, %swap3A_515] {strides = array<i32>} : memref<32x512xf32, #tpu.memory_space<vmem>>, vector<16xf32>,
        tpu.vector_store %arg7[%swap3A_514, %swap3A_515], %mul3A_511 {strides = array<i32>} : memref<32x512xf32, #tpu.memory_space<vmem>>, vector<16xf32>,
        %get3A_517 = arith.index_cast %while3A_216 : i32 to index
        %get3A_518 = arith.constant 384 : index
        %get3A_519 = tpu.vector_load %arg5[%get3A_517, %get3A_518] {strides = array<i32>} : memref<64x512xf32, #tpu.memory_space<vmem>>, vector<16xf32>,
        %max3A_520 = arith.maximumf %while3A_241, %get3A_519 : vector<16xf32>
        %mul3A_521 = vector.broadcast %squeeze3A : f32 to vector<16xf32>
        %mul3A_522 = arith.mulf %max3A_520, %mul3A_521 : vector<16xf32>
        %sub3A_523 = arith.constant 0 : i32
        %sub3A_524 = arith.subi %while3A_216, %sub3A_523 : i32
        %swap3A_525 = arith.index_cast %sub3A_524 : i32 to index
        %swap3A_526 = arith.constant 384 : index
        %swap3A_527 = tpu.vector_load %arg7[%swap3A_525, %swap3A_526] {strides = array<i32>} : memref<32x512xf32, #tpu.memory_space<vmem>>, vector<16xf32>,
        tpu.vector_store %arg7[%swap3A_525, %swap3A_526], %mul3A_522 {strides = array<i32>} : memref<32x512xf32, #tpu.memory_space<vmem>>, vector<16xf32>,
        %get3A_528 = arith.index_cast %while3A_216 : i32 to index
        %get3A_529 = arith.constant 400 : index
        %get3A_530 = tpu.vector_load %arg5[%get3A_528, %get3A_529] {strides = array<i32>} : memref<64x512xf32, #tpu.memory_space<vmem>>, vector<16xf32>,
        %max3A_531 = arith.maximumf %while3A_242, %get3A_530 : vector<16xf32>
        %mul3A_532 = vector.broadcast %squeeze3A : f32 to vector<16xf32>
        %mul3A_533 = arith.mulf %max3A_531, %mul3A_532 : vector<16xf32>
        %sub3A_534 = arith.constant 0 : i32
        %sub3A_535 = arith.subi %while3A_216, %sub3A_534 : i32
        %swap3A_536 = arith.index_cast %sub3A_535 : i32 to index
        %swap3A_537 = arith.constant 400 : index
        %swap3A_538 = tpu.vector_load %arg7[%swap3A_536, %swap3A_537] {strides = array<i32>} : memref<32x512xf32, #tpu.memory_space<vmem>>, vector<16xf32>,
        tpu.vector_store %arg7[%swap3A_536, %swap3A_537], %mul3A_533 {strides = array<i32>} : memref<32x512xf32, #tpu.memory_space<vmem>>, vector<16xf32>,
        %get3A_539 = arith.index_cast %while3A_216 : i32 to index
        %get3A_540 = arith.constant 416 : index
        %get3A_541 = tpu.vector_load %arg5[%get3A_539, %get3A_540] {strides = array<i32>} : memref<64x512xf32, #tpu.memory_space<vmem>>, vector<16xf32>,
        %max3A_542 = arith.maximumf %while3A_243, %get3A_541 : vector<16xf32>
        %mul3A_543 = vector.broadcast %squeeze3A : f32 to vector<16xf32>
        %mul3A_544 = arith.mulf %max3A_542, %mul3A_543 : vector<16xf32>
        %sub3A_545 = arith.constant 0 : i32
        %sub3A_546 = arith.subi %while3A_216, %sub3A_545 : i32
        %swap3A_547 = arith.index_cast %sub3A_546 : i32 to index
        %swap3A_548 = arith.constant 416 : index
        %swap3A_549 = tpu.vector_load %arg7[%swap3A_547, %swap3A_548] {strides = array<i32>} : memref<32x512xf32, #tpu.memory_space<vmem>>, vector<16xf32>,
        tpu.vector_store %arg7[%swap3A_547, %swap3A_548], %mul3A_544 {strides = array<i32>} : memref<32x512xf32, #tpu.memory_space<vmem>>, vector<16xf32>,
        %get3A_550 = arith.index_cast %while3A_216 : i32 to index
        %get3A_551 = arith.constant 432 : index
        %get3A_552 = tpu.vector_load %arg5[%get3A_550, %get3A_551] {strides = array<i32>} : memref<64x512xf32, #tpu.memory_space<vmem>>, vector<16xf32>,
        %max3A_553 = arith.maximumf %while3A_244, %get3A_552 : vector<16xf32>
        %mul3A_554 = vector.broadcast %squeeze3A : f32 to vector<16xf32>
        %mul3A_555 = arith.mulf %max3A_553, %mul3A_554 : vector<16xf32>
        %sub3A_556 = arith.constant 0 : i32
        %sub3A_557 = arith.subi %while3A_216, %sub3A_556 : i32
        %swap3A_558 = arith.index_cast %sub3A_557 : i32 to index
        %swap3A_559 = arith.constant 432 : index
        %swap3A_560 = tpu.vector_load %arg7[%swap3A_558, %swap3A_559] {strides = array<i32>} : memref<32x512xf32, #tpu.memory_space<vmem>>, vector<16xf32>,
        tpu.vector_store %arg7[%swap3A_558, %swap3A_559], %mul3A_555 {strides = array<i32>} : memref<32x512xf32, #tpu.memory_space<vmem>>, vector<16xf32>,
        %get3A_561 = arith.index_cast %while3A_216 : i32 to index
        %get3A_562 = arith.constant 448 : index
        %get3A_563 = tpu.vector_load %arg5[%get3A_561, %get3A_562] {strides = array<i32>} : memref<64x512xf32, #tpu.memory_space<vmem>>, vector<16xf32>,
        %max3A_564 = arith.maximumf %while3A_245, %get3A_563 : vector<16xf32>
        %mul3A_565 = vector.broadcast %squeeze3A : f32 to vector<16xf32>
        %mul3A_566 = arith.mulf %max3A_564, %mul3A_565 : vector<16xf32>
        %sub3A_567 = arith.constant 0 : i32
        %sub3A_568 = arith.subi %while3A_216, %sub3A_567 : i32
        %swap3A_569 = arith.index_cast %sub3A_568 : i32 to index
        %swap3A_570 = arith.constant 448 : index
        %swap3A_571 = tpu.vector_load %arg7[%swap3A_569, %swap3A_570] {strides = array<i32>} : memref<32x512xf32, #tpu.memory_space<vmem>>, vector<16xf32>,
        tpu.vector_store %arg7[%swap3A_569, %swap3A_570], %mul3A_566 {strides = array<i32>} : memref<32x512xf32, #tpu.memory_space<vmem>>, vector<16xf32>,
        %get3A_572 = arith.index_cast %while3A_216 : i32 to index
        %get3A_573 = arith.constant 464 : index
        %get3A_574 = tpu.vector_load %arg5[%get3A_572, %get3A_573] {strides = array<i32>} : memref<64x512xf32, #tpu.memory_space<vmem>>, vector<16xf32>,
        %max3A_575 = arith.maximumf %while3A_246, %get3A_574 : vector<16xf32>
        %mul3A_576 = vector.broadcast %squeeze3A : f32 to vector<16xf32>
        %mul3A_577 = arith.mulf %max3A_575, %mul3A_576 : vector<16xf32>
        %sub3A_578 = arith.constant 0 : i32
        %sub3A_579 = arith.subi %while3A_216, %sub3A_578 : i32
        %swap3A_580 = arith.index_cast %sub3A_579 : i32 to index
        %swap3A_581 = arith.constant 464 : index
        %swap3A_582 = tpu.vector_load %arg7[%swap3A_580, %swap3A_581] {strides = array<i32>} : memref<32x512xf32, #tpu.memory_space<vmem>>, vector<16xf32>,
        tpu.vector_store %arg7[%swap3A_580, %swap3A_581], %mul3A_577 {strides = array<i32>} : memref<32x512xf32, #tpu.memory_space<vmem>>, vector<16xf32>,
        %get3A_583 = arith.index_cast %while3A_216 : i32 to index
        %get3A_584 = arith.constant 480 : index
        %get3A_585 = tpu.vector_load %arg5[%get3A_583, %get3A_584] {strides = array<i32>} : memref<64x512xf32, #tpu.memory_space<vmem>>, vector<16xf32>,
        %max3A_586 = arith.maximumf %while3A_247, %get3A_585 : vector<16xf32>
        %mul3A_587 = vector.broadcast %squeeze3A : f32 to vector<16xf32>
        %mul3A_588 = arith.mulf %max3A_586, %mul3A_587 : vector<16xf32>
        %sub3A_589 = arith.constant 0 : i32
        %sub3A_590 = arith.subi %while3A_216, %sub3A_589 : i32
        %swap3A_591 = arith.index_cast %sub3A_590 : i32 to index
        %swap3A_592 = arith.constant 480 : index
        %swap3A_593 = tpu.vector_load %arg7[%swap3A_591, %swap3A_592] {strides = array<i32>} : memref<32x512xf32, #tpu.memory_space<vmem>>, vector<16xf32>,
        tpu.vector_store %arg7[%swap3A_591, %swap3A_592], %mul3A_588 {strides = array<i32>} : memref<32x512xf32, #tpu.memory_space<vmem>>, vector<16xf32>,
        %get3A_594 = arith.index_cast %while3A_216 : i32 to index
        %get3A_595 = arith.constant 496 : index
        %get3A_596 = tpu.vector_load %arg5[%get3A_594, %get3A_595] {strides = array<i32>} : memref<64x512xf32, #tpu.memory_space<vmem>>, vector<16xf32>,
        %max3A_597 = arith.maximumf %while3A_248, %get3A_596 : vector<16xf32>
        %mul3A_598 = vector.broadcast %squeeze3A : f32 to vector<16xf32>
        %mul3A_599 = arith.mulf %max3A_597, %mul3A_598 : vector<16xf32>
        %sub3A_600 = arith.constant 0 : i32
        %sub3A_601 = arith.subi %while3A_216, %sub3A_600 : i32
        %swap3A_602 = arith.index_cast %sub3A_601 : i32 to index
        %swap3A_603 = arith.constant 496 : index
        %swap3A_604 = tpu.vector_load %arg7[%swap3A_602, %swap3A_603] {strides = array<i32>} : memref<32x512xf32, #tpu.memory_space<vmem>>, vector<16xf32>,
        tpu.vector_store %arg7[%swap3A_602, %swap3A_603], %mul3A_599 {strides = array<i32>} : memref<32x512xf32, #tpu.memory_space<vmem>>, vector<16xf32>,
        scf.yield %max3A_257, %max3A_267, %max3A_278, %max3A_289, %max3A_300, %max3A_311, %max3A_322, %max3A_333, %max3A_344, %max3A_355, %max3A_366, %max3A_377, %max3A_388, %max3A_399, %max3A_410, %max3A_421, %max3A_432, %max3A_443, %max3A_454, %max3A_465, %max3A_476, %max3A_487, %max3A_498, %max3A_509, %max3A_520, %max3A_531, %max3A_542, %max3A_553, %max3A_564, %max3A_575, %max3A_586, %max3A_597 : vector<16xf32>, vector<16xf32>, vector<16xf32>, vector<16xf32>, vector<16xf32>, vector<16xf32>, vector<16xf32>, vector<16xf32>, vector<16xf32>, vector<16xf32>, vector<16xf32>, vector<16xf32>, vector<16xf32>, vector<16xf32>, vector<16xf32>, vector<16xf32>, vector<16xf32>, vector<16xf32>, vector<16xf32>, vector<16xf32>, vector<16xf32>, vector<16xf32>, vector<16xf32>, vector<16xf32>, vector<16xf32>, vector<16xf32>, vector<16xf32>, vector<16xf32>, vector<16xf32>, vector<16xf32>, vector<16xf32>, vector<16xf32>
      }
      %dma_start3A = arith.constant 0 : i32
      %dma_start3A_178 = arith.constant 0 : i32
      %dma_start3A_179 = arith.constant 0 : i32
      %dma_start3A_180 = tpu.memref_slice %arg4[%select_n3A, %add3A_69, %dma_start3A_178, %dma_start3A_179] : memref<8x64x64x512xf32, #tpu.memory_space<hbm>> -> memref<1x1x32x512xf32, #tpu.memory_space<hbm>>
      %dma_start3A_181 = tpu.memref_squeeze %dma_start3A_180 : memref<1x1x32x512xf32, #tpu.memory_space<hbm>> -> memref<32x512xf32, #tpu.memory_space<hbm>>
      %dma_start3A_182 = tpu.memref_slice %arg9[%dma_start3A] : memref<2x!tpu.dma_semaphore, #tpu.memory_space<semaphore_mem>> -> memref<1x!tpu.dma_semaphore, #tpu.memory_space<semaphore_mem>>
      %dma_start3A_183 = tpu.memref_squeeze %dma_start3A_182 : memref<1x!tpu.dma_semaphore, #tpu.memory_space<semaphore_mem>> -> memref<!tpu.dma_semaphore, #tpu.memory_space<semaphore_mem>>
      %dma_start3A_184 = arith.constant 0 : i32
      %dma_start3A_185 = arith.constant 0 : i32
      %dma_start3A_186 = tpu.memref_slice %arg4[%select_n3A, %add3A_69, %dma_start3A_184, %dma_start3A_185] : memref<8x64x64x512xf32, #tpu.memory_space<hbm>> -> memref<1x1x32x512xf32, #tpu.memory_space<hbm>>
      %dma_start3A_187 = tpu.memref_squeeze %dma_start3A_186 : memref<1x1x32x512xf32, #tpu.memory_space<hbm>> -> memref<32x512xf32, #tpu.memory_space<hbm>>
      tpu.enqueue_dma source(%arg7 : memref<32x512xf32, #tpu.memory_space<vmem>>) target(%dma_start3A_187 : memref<32x512xf32, #tpu.memory_space<hbm>>) target_semaphore(%dma_start3A_183 : memref<!tpu.dma_semaphore, #tpu.memory_space<semaphore_mem>>)
      %gt3A_188 = arith.constant 0 : i32
      %gt3A_189 = arith.cmpi sgt, %scan3A_64, %gt3A_188 : i32
      %convert_element_type3A_190 = arith.extui %gt3A_189 : i1 to i32
      %cond3A_191 = arith.constant 0 : i32
      %cond3A_192 = arith.cmpi ne, %convert_element_type3A_190, %cond3A_191 : i32
      scf.if %cond3A_192 {
        %dma_wait3A_216 = arith.constant 1 : i32
        %dma_wait3A_217 = arith.constant 32 : i32
        %dma_wait3A_218 = arith.constant 0 : i32
        %dma_wait3A_219 = tpu.memref_slice %arg4[%select_n3A, %add3A_69, %dma_wait3A_217, %dma_wait3A_218] : memref<8x64x64x512xf32, #tpu.memory_space<hbm>> -> memref<1x1x32x512xf32, #tpu.memory_space<hbm>>
        %dma_wait3A_220 = tpu.memref_squeeze %dma_wait3A_219 : memref<1x1x32x512xf32, #tpu.memory_space<hbm>> -> memref<32x512xf32, #tpu.memory_space<hbm>>
        %dma_wait3A_221 = tpu.memref_slice %arg9[%dma_wait3A_216] : memref<2x!tpu.dma_semaphore, #tpu.memory_space<semaphore_mem>> -> memref<1x!tpu.dma_semaphore, #tpu.memory_space<semaphore_mem>>
        %dma_wait3A_222 = tpu.memref_squeeze %dma_wait3A_221 : memref<1x!tpu.dma_semaphore, #tpu.memory_space<semaphore_mem>> -> memref<!tpu.dma_semaphore, #tpu.memory_space<semaphore_mem>>
        %dma_wait3A_223 = arith.constant 32 : i32
        %dma_wait3A_224 = arith.constant 0 : i32
        %dma_wait3A_225 = tpu.memref_slice %arg4[%select_n3A, %add3A_69, %dma_wait3A_223, %dma_wait3A_224] : memref<8x64x64x512xf32, #tpu.memory_space<hbm>> -> memref<1x1x32x512xf32, #tpu.memory_space<hbm>>
        %dma_wait3A_226 = tpu.memref_squeeze %dma_wait3A_225 : memref<1x1x32x512xf32, #tpu.memory_space<hbm>> -> memref<32x512xf32, #tpu.memory_space<hbm>>
        tpu.wait_dma2 semaphore(%dma_wait3A_222 : memref<!tpu.dma_semaphore, #tpu.memory_space<semaphore_mem>>) src(%arg8 : memref<32x512xf32, #tpu.memory_space<vmem>>) dst(%dma_wait3A_226 : memref<32x512xf32, #tpu.memory_space<hbm>>)
      } else {
      }
      %max3A = arith.constant 32 : i32
      %max3A_193 = arith.maxsi %add3A_69, %max3A : i32
      %while3A_194 = arith.constant 64 : i32
      %while3A_195 = arith.subi %while3A_194, %max3A_193 : i32
      %while3A_196 = arith.addi %max3A_193, %while3A_195 : i32
      %while3A_197 = arith.constant 1 : i32
      %while3A_198 = arith.divsi %while3A_195, %while3A_197 : i32
      %while3A_199 = arith.muli %while3A_198, %while3A_197 : i32
      %while3A_200 = arith.addi %max3A_193, %while3A_199 : i32
      %while3A_201 = arith.constant 1 : i32
      %while3A_202:32 = scf.for %while3A_216 = %max3A_193 to %while3A_200 step %while3A_201 iter_args(%while3A_217 = %while3A_177#0, %while3A_218 = %while3A_177#1, %while3A_219 = %while3A_177#2, %while3A_220 = %while3A_177#3, %while3A_221 = %while3A_177#4, %while3A_222 = %while3A_177#5, %while3A_223 = %while3A_177#6, %while3A_224 = %while3A_177#7, %while3A_225 = %while3A_177#8, %while3A_226 = %while3A_177#9, %while3A_227 = %while3A_177#10, %while3A_228 = %while3A_177#11, %while3A_229 = %while3A_177#12, %while3A_230 = %while3A_177#13, %while3A_231 = %while3A_177#14, %while3A_232 = %while3A_177#15, %while3A_233 = %while3A_177#16, %while3A_234 = %while3A_177#17, %while3A_235 = %while3A_177#18, %while3A_236 = %while3A_177#19, %while3A_237 = %while3A_177#20, %while3A_238 = %while3A_177#21, %while3A_239 = %while3A_177#22, %while3A_240 = %while3A_177#23, %while3A_241 = %while3A_177#24, %while3A_242 = %while3A_177#25, %while3A_243 = %while3A_177#26, %while3A_244 = %while3A_177#27, %while3A_245 = %while3A_177#28, %while3A_246 = %while3A_177#29, %while3A_247 = %while3A_177#30, %while3A_248 = %while3A_177#31) -> (vector<16xf32>, vector<16xf32>, vector<16xf32>, vector<16xf32>, vector<16xf32>, vector<16xf32>, vector<16xf32>, vector<16xf32>, vector<16xf32>, vector<16xf32>, vector<16xf32>, vector<16xf32>, vector<16xf32>, vector<16xf32>, vector<16xf32>, vector<16xf32>, vector<16xf32>, vector<16xf32>, vector<16xf32>, vector<16xf32>, vector<16xf32>, vector<16xf32>, vector<16xf32>, vector<16xf32>, vector<16xf32>, vector<16xf32>, vector<16xf32>, vector<16xf32>, vector<16xf32>, vector<16xf32>, vector<16xf32>, vector<16xf32>)  : i32 {
        %mul3A_249 = arith.constant 64 : i32
        %mul3A_250 = arith.muli %add3A_69, %mul3A_249 : i32
        %add3A_251 = arith.addi %mul3A_250, %while3A_216 : i32
        %get3A_252 = arith.index_cast %add3A_251 : i32 to index
        %get3A_253 = tpu.vector_load %arg6[%get3A_252] {strides = array<i32>} : memref<4112xf32, #tpu.memory_space<vmem>>, vector<16xf32>,
        %slice3A = vector.extract_strided_slice %get3A_253 {offsets = [0], sizes = [1], strides = [1]} : vector<16xf32> to vector<1xf32>
        %squeeze3A = vector.extract %slice3A[0] : f32 from vector<1xf32>
        %get3A_254 = arith.index_cast %while3A_216 : i32 to index
        %get3A_255 = arith.constant 0 : index
        %get3A_256 = tpu.vector_load %arg5[%get3A_254, %get3A_255] {strides = array<i32>} : memref<64x512xf32, #tpu.memory_space<vmem>>, vector<16xf32>,
        %max3A_257 = arith.maximumf %while3A_217, %get3A_256 : vector<16xf32>
        %mul3A_258 = vector.broadcast %squeeze3A : f32 to vector<16xf32>
        %mul3A_259 = arith.mulf %max3A_257, %mul3A_258 : vector<16xf32>
        %sub3A_260 = arith.constant 32 : i32
        %sub3A_261 = arith.subi %while3A_216, %sub3A_260 : i32
        %swap3A = arith.index_cast %sub3A_261 : i32 to index
        %swap3A_262 = arith.constant 0 : index
        %swap3A_263 = tpu.vector_load %arg8[%swap3A, %swap3A_262] {strides = array<i32>} : memref<32x512xf32, #tpu.memory_space<vmem>>, vector<16xf32>,
        tpu.vector_store %arg8[%swap3A, %swap3A_262], %mul3A_259 {strides = array<i32>} : memref<32x512xf32, #tpu.memory_space<vmem>>, vector<16xf32>,
        %get3A_264 = arith.index_cast %while3A_216 : i32 to index
        %get3A_265 = arith.constant 16 : index
        %get3A_266 = tpu.vector_load %arg5[%get3A_264, %get3A_265] {strides = array<i32>} : memref<64x512xf32, #tpu.memory_space<vmem>>, vector<16xf32>,
        %max3A_267 = arith.maximumf %while3A_218, %get3A_266 : vector<16xf32>
        %mul3A_268 = vector.broadcast %squeeze3A : f32 to vector<16xf32>
        %mul3A_269 = arith.mulf %max3A_267, %mul3A_268 : vector<16xf32>
        %sub3A_270 = arith.constant 32 : i32
        %sub3A_271 = arith.subi %while3A_216, %sub3A_270 : i32
        %swap3A_272 = arith.index_cast %sub3A_271 : i32 to index
        %swap3A_273 = arith.constant 16 : index
        %swap3A_274 = tpu.vector_load %arg8[%swap3A_272, %swap3A_273] {strides = array<i32>} : memref<32x512xf32, #tpu.memory_space<vmem>>, vector<16xf32>,
        tpu.vector_store %arg8[%swap3A_272, %swap3A_273], %mul3A_269 {strides = array<i32>} : memref<32x512xf32, #tpu.memory_space<vmem>>, vector<16xf32>,
        %get3A_275 = arith.index_cast %while3A_216 : i32 to index
        %get3A_276 = arith.constant 32 : index
        %get3A_277 = tpu.vector_load %arg5[%get3A_275, %get3A_276] {strides = array<i32>} : memref<64x512xf32, #tpu.memory_space<vmem>>, vector<16xf32>,
        %max3A_278 = arith.maximumf %while3A_219, %get3A_277 : vector<16xf32>
        %mul3A_279 = vector.broadcast %squeeze3A : f32 to vector<16xf32>
        %mul3A_280 = arith.mulf %max3A_278, %mul3A_279 : vector<16xf32>
        %sub3A_281 = arith.constant 32 : i32
        %sub3A_282 = arith.subi %while3A_216, %sub3A_281 : i32
        %swap3A_283 = arith.index_cast %sub3A_282 : i32 to index
        %swap3A_284 = arith.constant 32 : index
        %swap3A_285 = tpu.vector_load %arg8[%swap3A_283, %swap3A_284] {strides = array<i32>} : memref<32x512xf32, #tpu.memory_space<vmem>>, vector<16xf32>,
        tpu.vector_store %arg8[%swap3A_283, %swap3A_284], %mul3A_280 {strides = array<i32>} : memref<32x512xf32, #tpu.memory_space<vmem>>, vector<16xf32>,
        %get3A_286 = arith.index_cast %while3A_216 : i32 to index
        %get3A_287 = arith.constant 48 : index
        %get3A_288 = tpu.vector_load %arg5[%get3A_286, %get3A_287] {strides = array<i32>} : memref<64x512xf32, #tpu.memory_space<vmem>>, vector<16xf32>,
        %max3A_289 = arith.maximumf %while3A_220, %get3A_288 : vector<16xf32>
        %mul3A_290 = vector.broadcast %squeeze3A : f32 to vector<16xf32>
        %mul3A_291 = arith.mulf %max3A_289, %mul3A_290 : vector<16xf32>
        %sub3A_292 = arith.constant 32 : i32
        %sub3A_293 = arith.subi %while3A_216, %sub3A_292 : i32
        %swap3A_294 = arith.index_cast %sub3A_293 : i32 to index
        %swap3A_295 = arith.constant 48 : index
        %swap3A_296 = tpu.vector_load %arg8[%swap3A_294, %swap3A_295] {strides = array<i32>} : memref<32x512xf32, #tpu.memory_space<vmem>>, vector<16xf32>,
        tpu.vector_store %arg8[%swap3A_294, %swap3A_295], %mul3A_291 {strides = array<i32>} : memref<32x512xf32, #tpu.memory_space<vmem>>, vector<16xf32>,
        %get3A_297 = arith.index_cast %while3A_216 : i32 to index
        %get3A_298 = arith.constant 64 : index
        %get3A_299 = tpu.vector_load %arg5[%get3A_297, %get3A_298] {strides = array<i32>} : memref<64x512xf32, #tpu.memory_space<vmem>>, vector<16xf32>,
        %max3A_300 = arith.maximumf %while3A_221, %get3A_299 : vector<16xf32>
        %mul3A_301 = vector.broadcast %squeeze3A : f32 to vector<16xf32>
        %mul3A_302 = arith.mulf %max3A_300, %mul3A_301 : vector<16xf32>
        %sub3A_303 = arith.constant 32 : i32
        %sub3A_304 = arith.subi %while3A_216, %sub3A_303 : i32
        %swap3A_305 = arith.index_cast %sub3A_304 : i32 to index
        %swap3A_306 = arith.constant 64 : index
        %swap3A_307 = tpu.vector_load %arg8[%swap3A_305, %swap3A_306] {strides = array<i32>} : memref<32x512xf32, #tpu.memory_space<vmem>>, vector<16xf32>,
        tpu.vector_store %arg8[%swap3A_305, %swap3A_306], %mul3A_302 {strides = array<i32>} : memref<32x512xf32, #tpu.memory_space<vmem>>, vector<16xf32>,
        %get3A_308 = arith.index_cast %while3A_216 : i32 to index
        %get3A_309 = arith.constant 80 : index
        %get3A_310 = tpu.vector_load %arg5[%get3A_308, %get3A_309] {strides = array<i32>} : memref<64x512xf32, #tpu.memory_space<vmem>>, vector<16xf32>,
        %max3A_311 = arith.maximumf %while3A_222, %get3A_310 : vector<16xf32>
        %mul3A_312 = vector.broadcast %squeeze3A : f32 to vector<16xf32>
        %mul3A_313 = arith.mulf %max3A_311, %mul3A_312 : vector<16xf32>
        %sub3A_314 = arith.constant 32 : i32
        %sub3A_315 = arith.subi %while3A_216, %sub3A_314 : i32
        %swap3A_316 = arith.index_cast %sub3A_315 : i32 to index
        %swap3A_317 = arith.constant 80 : index
        %swap3A_318 = tpu.vector_load %arg8[%swap3A_316, %swap3A_317] {strides = array<i32>} : memref<32x512xf32, #tpu.memory_space<vmem>>, vector<16xf32>,
        tpu.vector_store %arg8[%swap3A_316, %swap3A_317], %mul3A_313 {strides = array<i32>} : memref<32x512xf32, #tpu.memory_space<vmem>>, vector<16xf32>,
        %get3A_319 = arith.index_cast %while3A_216 : i32 to index
        %get3A_320 = arith.constant 96 : index
        %get3A_321 = tpu.vector_load %arg5[%get3A_319, %get3A_320] {strides = array<i32>} : memref<64x512xf32, #tpu.memory_space<vmem>>, vector<16xf32>,
        %max3A_322 = arith.maximumf %while3A_223, %get3A_321 : vector<16xf32>
        %mul3A_323 = vector.broadcast %squeeze3A : f32 to vector<16xf32>
        %mul3A_324 = arith.mulf %max3A_322, %mul3A_323 : vector<16xf32>
        %sub3A_325 = arith.constant 32 : i32
        %sub3A_326 = arith.subi %while3A_216, %sub3A_325 : i32
        %swap3A_327 = arith.index_cast %sub3A_326 : i32 to index
        %swap3A_328 = arith.constant 96 : index
        %swap3A_329 = tpu.vector_load %arg8[%swap3A_327, %swap3A_328] {strides = array<i32>} : memref<32x512xf32, #tpu.memory_space<vmem>>, vector<16xf32>,
        tpu.vector_store %arg8[%swap3A_327, %swap3A_328], %mul3A_324 {strides = array<i32>} : memref<32x512xf32, #tpu.memory_space<vmem>>, vector<16xf32>,
        %get3A_330 = arith.index_cast %while3A_216 : i32 to index
        %get3A_331 = arith.constant 112 : index
        %get3A_332 = tpu.vector_load %arg5[%get3A_330, %get3A_331] {strides = array<i32>} : memref<64x512xf32, #tpu.memory_space<vmem>>, vector<16xf32>,
        %max3A_333 = arith.maximumf %while3A_224, %get3A_332 : vector<16xf32>
        %mul3A_334 = vector.broadcast %squeeze3A : f32 to vector<16xf32>
        %mul3A_335 = arith.mulf %max3A_333, %mul3A_334 : vector<16xf32>
        %sub3A_336 = arith.constant 32 : i32
        %sub3A_337 = arith.subi %while3A_216, %sub3A_336 : i32
        %swap3A_338 = arith.index_cast %sub3A_337 : i32 to index
        %swap3A_339 = arith.constant 112 : index
        %swap3A_340 = tpu.vector_load %arg8[%swap3A_338, %swap3A_339] {strides = array<i32>} : memref<32x512xf32, #tpu.memory_space<vmem>>, vector<16xf32>,
        tpu.vector_store %arg8[%swap3A_338, %swap3A_339], %mul3A_335 {strides = array<i32>} : memref<32x512xf32, #tpu.memory_space<vmem>>, vector<16xf32>,
        %get3A_341 = arith.index_cast %while3A_216 : i32 to index
        %get3A_342 = arith.constant 128 : index
        %get3A_343 = tpu.vector_load %arg5[%get3A_341, %get3A_342] {strides = array<i32>} : memref<64x512xf32, #tpu.memory_space<vmem>>, vector<16xf32>,
        %max3A_344 = arith.maximumf %while3A_225, %get3A_343 : vector<16xf32>
        %mul3A_345 = vector.broadcast %squeeze3A : f32 to vector<16xf32>
        %mul3A_346 = arith.mulf %max3A_344, %mul3A_345 : vector<16xf32>
        %sub3A_347 = arith.constant 32 : i32
        %sub3A_348 = arith.subi %while3A_216, %sub3A_347 : i32
        %swap3A_349 = arith.index_cast %sub3A_348 : i32 to index
        %swap3A_350 = arith.constant 128 : index
        %swap3A_351 = tpu.vector_load %arg8[%swap3A_349, %swap3A_350] {strides = array<i32>} : memref<32x512xf32, #tpu.memory_space<vmem>>, vector<16xf32>,
        tpu.vector_store %arg8[%swap3A_349, %swap3A_350], %mul3A_346 {strides = array<i32>} : memref<32x512xf32, #tpu.memory_space<vmem>>, vector<16xf32>,
        %get3A_352 = arith.index_cast %while3A_216 : i32 to index
        %get3A_353 = arith.constant 144 : index
        %get3A_354 = tpu.vector_load %arg5[%get3A_352, %get3A_353] {strides = array<i32>} : memref<64x512xf32, #tpu.memory_space<vmem>>, vector<16xf32>,
        %max3A_355 = arith.maximumf %while3A_226, %get3A_354 : vector<16xf32>
        %mul3A_356 = vector.broadcast %squeeze3A : f32 to vector<16xf32>
        %mul3A_357 = arith.mulf %max3A_355, %mul3A_356 : vector<16xf32>
        %sub3A_358 = arith.constant 32 : i32
        %sub3A_359 = arith.subi %while3A_216, %sub3A_358 : i32
        %swap3A_360 = arith.index_cast %sub3A_359 : i32 to index
        %swap3A_361 = arith.constant 144 : index
        %swap3A_362 = tpu.vector_load %arg8[%swap3A_360, %swap3A_361] {strides = array<i32>} : memref<32x512xf32, #tpu.memory_space<vmem>>, vector<16xf32>,
        tpu.vector_store %arg8[%swap3A_360, %swap3A_361], %mul3A_357 {strides = array<i32>} : memref<32x512xf32, #tpu.memory_space<vmem>>, vector<16xf32>,
        %get3A_363 = arith.index_cast %while3A_216 : i32 to index
        %get3A_364 = arith.constant 160 : index
        %get3A_365 = tpu.vector_load %arg5[%get3A_363, %get3A_364] {strides = array<i32>} : memref<64x512xf32, #tpu.memory_space<vmem>>, vector<16xf32>,
        %max3A_366 = arith.maximumf %while3A_227, %get3A_365 : vector<16xf32>
        %mul3A_367 = vector.broadcast %squeeze3A : f32 to vector<16xf32>
        %mul3A_368 = arith.mulf %max3A_366, %mul3A_367 : vector<16xf32>
        %sub3A_369 = arith.constant 32 : i32
        %sub3A_370 = arith.subi %while3A_216, %sub3A_369 : i32
        %swap3A_371 = arith.index_cast %sub3A_370 : i32 to index
        %swap3A_372 = arith.constant 160 : index
        %swap3A_373 = tpu.vector_load %arg8[%swap3A_371, %swap3A_372] {strides = array<i32>} : memref<32x512xf32, #tpu.memory_space<vmem>>, vector<16xf32>,
        tpu.vector_store %arg8[%swap3A_371, %swap3A_372], %mul3A_368 {strides = array<i32>} : memref<32x512xf32, #tpu.memory_space<vmem>>, vector<16xf32>,
        %get3A_374 = arith.index_cast %while3A_216 : i32 to index
        %get3A_375 = arith.constant 176 : index
        %get3A_376 = tpu.vector_load %arg5[%get3A_374, %get3A_375] {strides = array<i32>} : memref<64x512xf32, #tpu.memory_space<vmem>>, vector<16xf32>,
        %max3A_377 = arith.maximumf %while3A_228, %get3A_376 : vector<16xf32>
        %mul3A_378 = vector.broadcast %squeeze3A : f32 to vector<16xf32>
        %mul3A_379 = arith.mulf %max3A_377, %mul3A_378 : vector<16xf32>
        %sub3A_380 = arith.constant 32 : i32
        %sub3A_381 = arith.subi %while3A_216, %sub3A_380 : i32
        %swap3A_382 = arith.index_cast %sub3A_381 : i32 to index
        %swap3A_383 = arith.constant 176 : index
        %swap3A_384 = tpu.vector_load %arg8[%swap3A_382, %swap3A_383] {strides = array<i32>} : memref<32x512xf32, #tpu.memory_space<vmem>>, vector<16xf32>,
        tpu.vector_store %arg8[%swap3A_382, %swap3A_383], %mul3A_379 {strides = array<i32>} : memref<32x512xf32, #tpu.memory_space<vmem>>, vector<16xf32>,
        %get3A_385 = arith.index_cast %while3A_216 : i32 to index
        %get3A_386 = arith.constant 192 : index
        %get3A_387 = tpu.vector_load %arg5[%get3A_385, %get3A_386] {strides = array<i32>} : memref<64x512xf32, #tpu.memory_space<vmem>>, vector<16xf32>,
        %max3A_388 = arith.maximumf %while3A_229, %get3A_387 : vector<16xf32>
        %mul3A_389 = vector.broadcast %squeeze3A : f32 to vector<16xf32>
        %mul3A_390 = arith.mulf %max3A_388, %mul3A_389 : vector<16xf32>
        %sub3A_391 = arith.constant 32 : i32
        %sub3A_392 = arith.subi %while3A_216, %sub3A_391 : i32
        %swap3A_393 = arith.index_cast %sub3A_392 : i32 to index
        %swap3A_394 = arith.constant 192 : index
        %swap3A_395 = tpu.vector_load %arg8[%swap3A_393, %swap3A_394] {strides = array<i32>} : memref<32x512xf32, #tpu.memory_space<vmem>>, vector<16xf32>,
        tpu.vector_store %arg8[%swap3A_393, %swap3A_394], %mul3A_390 {strides = array<i32>} : memref<32x512xf32, #tpu.memory_space<vmem>>, vector<16xf32>,
        %get3A_396 = arith.index_cast %while3A_216 : i32 to index
        %get3A_397 = arith.constant 208 : index
        %get3A_398 = tpu.vector_load %arg5[%get3A_396, %get3A_397] {strides = array<i32>} : memref<64x512xf32, #tpu.memory_space<vmem>>, vector<16xf32>,
        %max3A_399 = arith.maximumf %while3A_230, %get3A_398 : vector<16xf32>
        %mul3A_400 = vector.broadcast %squeeze3A : f32 to vector<16xf32>
        %mul3A_401 = arith.mulf %max3A_399, %mul3A_400 : vector<16xf32>
        %sub3A_402 = arith.constant 32 : i32
        %sub3A_403 = arith.subi %while3A_216, %sub3A_402 : i32
        %swap3A_404 = arith.index_cast %sub3A_403 : i32 to index
        %swap3A_405 = arith.constant 208 : index
        %swap3A_406 = tpu.vector_load %arg8[%swap3A_404, %swap3A_405] {strides = array<i32>} : memref<32x512xf32, #tpu.memory_space<vmem>>, vector<16xf32>,
        tpu.vector_store %arg8[%swap3A_404, %swap3A_405], %mul3A_401 {strides = array<i32>} : memref<32x512xf32, #tpu.memory_space<vmem>>, vector<16xf32>,
        %get3A_407 = arith.index_cast %while3A_216 : i32 to index
        %get3A_408 = arith.constant 224 : index
        %get3A_409 = tpu.vector_load %arg5[%get3A_407, %get3A_408] {strides = array<i32>} : memref<64x512xf32, #tpu.memory_space<vmem>>, vector<16xf32>,
        %max3A_410 = arith.maximumf %while3A_231, %get3A_409 : vector<16xf32>
        %mul3A_411 = vector.broadcast %squeeze3A : f32 to vector<16xf32>
        %mul3A_412 = arith.mulf %max3A_410, %mul3A_411 : vector<16xf32>
        %sub3A_413 = arith.constant 32 : i32
        %sub3A_414 = arith.subi %while3A_216, %sub3A_413 : i32
        %swap3A_415 = arith.index_cast %sub3A_414 : i32 to index
        %swap3A_416 = arith.constant 224 : index
        %swap3A_417 = tpu.vector_load %arg8[%swap3A_415, %swap3A_416] {strides = array<i32>} : memref<32x512xf32, #tpu.memory_space<vmem>>, vector<16xf32>,
        tpu.vector_store %arg8[%swap3A_415, %swap3A_416], %mul3A_412 {strides = array<i32>} : memref<32x512xf32, #tpu.memory_space<vmem>>, vector<16xf32>,
        %get3A_418 = arith.index_cast %while3A_216 : i32 to index
        %get3A_419 = arith.constant 240 : index
        %get3A_420 = tpu.vector_load %arg5[%get3A_418, %get3A_419] {strides = array<i32>} : memref<64x512xf32, #tpu.memory_space<vmem>>, vector<16xf32>,
        %max3A_421 = arith.maximumf %while3A_232, %get3A_420 : vector<16xf32>
        %mul3A_422 = vector.broadcast %squeeze3A : f32 to vector<16xf32>
        %mul3A_423 = arith.mulf %max3A_421, %mul3A_422 : vector<16xf32>
        %sub3A_424 = arith.constant 32 : i32
        %sub3A_425 = arith.subi %while3A_216, %sub3A_424 : i32
        %swap3A_426 = arith.index_cast %sub3A_425 : i32 to index
        %swap3A_427 = arith.constant 240 : index
        %swap3A_428 = tpu.vector_load %arg8[%swap3A_426, %swap3A_427] {strides = array<i32>} : memref<32x512xf32, #tpu.memory_space<vmem>>, vector<16xf32>,
        tpu.vector_store %arg8[%swap3A_426, %swap3A_427], %mul3A_423 {strides = array<i32>} : memref<32x512xf32, #tpu.memory_space<vmem>>, vector<16xf32>,
        %get3A_429 = arith.index_cast %while3A_216 : i32 to index
        %get3A_430 = arith.constant 256 : index
        %get3A_431 = tpu.vector_load %arg5[%get3A_429, %get3A_430] {strides = array<i32>} : memref<64x512xf32, #tpu.memory_space<vmem>>, vector<16xf32>,
        %max3A_432 = arith.maximumf %while3A_233, %get3A_431 : vector<16xf32>
        %mul3A_433 = vector.broadcast %squeeze3A : f32 to vector<16xf32>
        %mul3A_434 = arith.mulf %max3A_432, %mul3A_433 : vector<16xf32>
        %sub3A_435 = arith.constant 32 : i32
        %sub3A_436 = arith.subi %while3A_216, %sub3A_435 : i32
        %swap3A_437 = arith.index_cast %sub3A_436 : i32 to index
        %swap3A_438 = arith.constant 256 : index
        %swap3A_439 = tpu.vector_load %arg8[%swap3A_437, %swap3A_438] {strides = array<i32>} : memref<32x512xf32, #tpu.memory_space<vmem>>, vector<16xf32>,
        tpu.vector_store %arg8[%swap3A_437, %swap3A_438], %mul3A_434 {strides = array<i32>} : memref<32x512xf32, #tpu.memory_space<vmem>>, vector<16xf32>,
        %get3A_440 = arith.index_cast %while3A_216 : i32 to index
        %get3A_441 = arith.constant 272 : index
        %get3A_442 = tpu.vector_load %arg5[%get3A_440, %get3A_441] {strides = array<i32>} : memref<64x512xf32, #tpu.memory_space<vmem>>, vector<16xf32>,
        %max3A_443 = arith.maximumf %while3A_234, %get3A_442 : vector<16xf32>
        %mul3A_444 = vector.broadcast %squeeze3A : f32 to vector<16xf32>
        %mul3A_445 = arith.mulf %max3A_443, %mul3A_444 : vector<16xf32>
        %sub3A_446 = arith.constant 32 : i32
        %sub3A_447 = arith.subi %while3A_216, %sub3A_446 : i32
        %swap3A_448 = arith.index_cast %sub3A_447 : i32 to index
        %swap3A_449 = arith.constant 272 : index
        %swap3A_450 = tpu.vector_load %arg8[%swap3A_448, %swap3A_449] {strides = array<i32>} : memref<32x512xf32, #tpu.memory_space<vmem>>, vector<16xf32>,
        tpu.vector_store %arg8[%swap3A_448, %swap3A_449], %mul3A_445 {strides = array<i32>} : memref<32x512xf32, #tpu.memory_space<vmem>>, vector<16xf32>,
        %get3A_451 = arith.index_cast %while3A_216 : i32 to index
        %get3A_452 = arith.constant 288 : index
        %get3A_453 = tpu.vector_load %arg5[%get3A_451, %get3A_452] {strides = array<i32>} : memref<64x512xf32, #tpu.memory_space<vmem>>, vector<16xf32>,
        %max3A_454 = arith.maximumf %while3A_235, %get3A_453 : vector<16xf32>
        %mul3A_455 = vector.broadcast %squeeze3A : f32 to vector<16xf32>
        %mul3A_456 = arith.mulf %max3A_454, %mul3A_455 : vector<16xf32>
        %sub3A_457 = arith.constant 32 : i32
        %sub3A_458 = arith.subi %while3A_216, %sub3A_457 : i32
        %swap3A_459 = arith.index_cast %sub3A_458 : i32 to index
        %swap3A_460 = arith.constant 288 : index
        %swap3A_461 = tpu.vector_load %arg8[%swap3A_459, %swap3A_460] {strides = array<i32>} : memref<32x512xf32, #tpu.memory_space<vmem>>, vector<16xf32>,
        tpu.vector_store %arg8[%swap3A_459, %swap3A_460], %mul3A_456 {strides = array<i32>} : memref<32x512xf32, #tpu.memory_space<vmem>>, vector<16xf32>,
        %get3A_462 = arith.index_cast %while3A_216 : i32 to index
        %get3A_463 = arith.constant 304 : index
        %get3A_464 = tpu.vector_load %arg5[%get3A_462, %get3A_463] {strides = array<i32>} : memref<64x512xf32, #tpu.memory_space<vmem>>, vector<16xf32>,
        %max3A_465 = arith.maximumf %while3A_236, %get3A_464 : vector<16xf32>
        %mul3A_466 = vector.broadcast %squeeze3A : f32 to vector<16xf32>
        %mul3A_467 = arith.mulf %max3A_465, %mul3A_466 : vector<16xf32>
        %sub3A_468 = arith.constant 32 : i32
        %sub3A_469 = arith.subi %while3A_216, %sub3A_468 : i32
        %swap3A_470 = arith.index_cast %sub3A_469 : i32 to index
        %swap3A_471 = arith.constant 304 : index
        %swap3A_472 = tpu.vector_load %arg8[%swap3A_470, %swap3A_471] {strides = array<i32>} : memref<32x512xf32, #tpu.memory_space<vmem>>, vector<16xf32>,
        tpu.vector_store %arg8[%swap3A_470, %swap3A_471], %mul3A_467 {strides = array<i32>} : memref<32x512xf32, #tpu.memory_space<vmem>>, vector<16xf32>,
        %get3A_473 = arith.index_cast %while3A_216 : i32 to index
        %get3A_474 = arith.constant 320 : index
        %get3A_475 = tpu.vector_load %arg5[%get3A_473, %get3A_474] {strides = array<i32>} : memref<64x512xf32, #tpu.memory_space<vmem>>, vector<16xf32>,
        %max3A_476 = arith.maximumf %while3A_237, %get3A_475 : vector<16xf32>
        %mul3A_477 = vector.broadcast %squeeze3A : f32 to vector<16xf32>
        %mul3A_478 = arith.mulf %max3A_476, %mul3A_477 : vector<16xf32>
        %sub3A_479 = arith.constant 32 : i32
        %sub3A_480 = arith.subi %while3A_216, %sub3A_479 : i32
        %swap3A_481 = arith.index_cast %sub3A_480 : i32 to index
        %swap3A_482 = arith.constant 320 : index
        %swap3A_483 = tpu.vector_load %arg8[%swap3A_481, %swap3A_482] {strides = array<i32>} : memref<32x512xf32, #tpu.memory_space<vmem>>, vector<16xf32>,
        tpu.vector_store %arg8[%swap3A_481, %swap3A_482], %mul3A_478 {strides = array<i32>} : memref<32x512xf32, #tpu.memory_space<vmem>>, vector<16xf32>,
        %get3A_484 = arith.index_cast %while3A_216 : i32 to index
        %get3A_485 = arith.constant 336 : index
        %get3A_486 = tpu.vector_load %arg5[%get3A_484, %get3A_485] {strides = array<i32>} : memref<64x512xf32, #tpu.memory_space<vmem>>, vector<16xf32>,
        %max3A_487 = arith.maximumf %while3A_238, %get3A_486 : vector<16xf32>
        %mul3A_488 = vector.broadcast %squeeze3A : f32 to vector<16xf32>
        %mul3A_489 = arith.mulf %max3A_487, %mul3A_488 : vector<16xf32>
        %sub3A_490 = arith.constant 32 : i32
        %sub3A_491 = arith.subi %while3A_216, %sub3A_490 : i32
        %swap3A_492 = arith.index_cast %sub3A_491 : i32 to index
        %swap3A_493 = arith.constant 336 : index
        %swap3A_494 = tpu.vector_load %arg8[%swap3A_492, %swap3A_493] {strides = array<i32>} : memref<32x512xf32, #tpu.memory_space<vmem>>, vector<16xf32>,
        tpu.vector_store %arg8[%swap3A_492, %swap3A_493], %mul3A_489 {strides = array<i32>} : memref<32x512xf32, #tpu.memory_space<vmem>>, vector<16xf32>,
        %get3A_495 = arith.index_cast %while3A_216 : i32 to index
        %get3A_496 = arith.constant 352 : index
        %get3A_497 = tpu.vector_load %arg5[%get3A_495, %get3A_496] {strides = array<i32>} : memref<64x512xf32, #tpu.memory_space<vmem>>, vector<16xf32>,
        %max3A_498 = arith.maximumf %while3A_239, %get3A_497 : vector<16xf32>
        %mul3A_499 = vector.broadcast %squeeze3A : f32 to vector<16xf32>
        %mul3A_500 = arith.mulf %max3A_498, %mul3A_499 : vector<16xf32>
        %sub3A_501 = arith.constant 32 : i32
        %sub3A_502 = arith.subi %while3A_216, %sub3A_501 : i32
        %swap3A_503 = arith.index_cast %sub3A_502 : i32 to index
        %swap3A_504 = arith.constant 352 : index
        %swap3A_505 = tpu.vector_load %arg8[%swap3A_503, %swap3A_504] {strides = array<i32>} : memref<32x512xf32, #tpu.memory_space<vmem>>, vector<16xf32>,
        tpu.vector_store %arg8[%swap3A_503, %swap3A_504], %mul3A_500 {strides = array<i32>} : memref<32x512xf32, #tpu.memory_space<vmem>>, vector<16xf32>,
        %get3A_506 = arith.index_cast %while3A_216 : i32 to index
        %get3A_507 = arith.constant 368 : index
        %get3A_508 = tpu.vector_load %arg5[%get3A_506, %get3A_507] {strides = array<i32>} : memref<64x512xf32, #tpu.memory_space<vmem>>, vector<16xf32>,
        %max3A_509 = arith.maximumf %while3A_240, %get3A_508 : vector<16xf32>
        %mul3A_510 = vector.broadcast %squeeze3A : f32 to vector<16xf32>
        %mul3A_511 = arith.mulf %max3A_509, %mul3A_510 : vector<16xf32>
        %sub3A_512 = arith.constant 32 : i32
        %sub3A_513 = arith.subi %while3A_216, %sub3A_512 : i32
        %swap3A_514 = arith.index_cast %sub3A_513 : i32 to index
        %swap3A_515 = arith.constant 368 : index
        %swap3A_516 = tpu.vector_load %arg8[%swap3A_514, %swap3A_515] {strides = array<i32>} : memref<32x512xf32, #tpu.memory_space<vmem>>, vector<16xf32>,
        tpu.vector_store %arg8[%swap3A_514, %swap3A_515], %mul3A_511 {strides = array<i32>} : memref<32x512xf32, #tpu.memory_space<vmem>>, vector<16xf32>,
        %get3A_517 = arith.index_cast %while3A_216 : i32 to index
        %get3A_518 = arith.constant 384 : index
        %get3A_519 = tpu.vector_load %arg5[%get3A_517, %get3A_518] {strides = array<i32>} : memref<64x512xf32, #tpu.memory_space<vmem>>, vector<16xf32>,
        %max3A_520 = arith.maximumf %while3A_241, %get3A_519 : vector<16xf32>
        %mul3A_521 = vector.broadcast %squeeze3A : f32 to vector<16xf32>
        %mul3A_522 = arith.mulf %max3A_520, %mul3A_521 : vector<16xf32>
        %sub3A_523 = arith.constant 32 : i32
        %sub3A_524 = arith.subi %while3A_216, %sub3A_523 : i32
        %swap3A_525 = arith.index_cast %sub3A_524 : i32 to index
        %swap3A_526 = arith.constant 384 : index
        %swap3A_527 = tpu.vector_load %arg8[%swap3A_525, %swap3A_526] {strides = array<i32>} : memref<32x512xf32, #tpu.memory_space<vmem>>, vector<16xf32>,
        tpu.vector_store %arg8[%swap3A_525, %swap3A_526], %mul3A_522 {strides = array<i32>} : memref<32x512xf32, #tpu.memory_space<vmem>>, vector<16xf32>,
        %get3A_528 = arith.index_cast %while3A_216 : i32 to index
        %get3A_529 = arith.constant 400 : index
        %get3A_530 = tpu.vector_load %arg5[%get3A_528, %get3A_529] {strides = array<i32>} : memref<64x512xf32, #tpu.memory_space<vmem>>, vector<16xf32>,
        %max3A_531 = arith.maximumf %while3A_242, %get3A_530 : vector<16xf32>
        %mul3A_532 = vector.broadcast %squeeze3A : f32 to vector<16xf32>
        %mul3A_533 = arith.mulf %max3A_531, %mul3A_532 : vector<16xf32>
        %sub3A_534 = arith.constant 32 : i32
        %sub3A_535 = arith.subi %while3A_216, %sub3A_534 : i32
        %swap3A_536 = arith.index_cast %sub3A_535 : i32 to index
        %swap3A_537 = arith.constant 400 : index
        %swap3A_538 = tpu.vector_load %arg8[%swap3A_536, %swap3A_537] {strides = array<i32>} : memref<32x512xf32, #tpu.memory_space<vmem>>, vector<16xf32>,
        tpu.vector_store %arg8[%swap3A_536, %swap3A_537], %mul3A_533 {strides = array<i32>} : memref<32x512xf32, #tpu.memory_space<vmem>>, vector<16xf32>,
        %get3A_539 = arith.index_cast %while3A_216 : i32 to index
        %get3A_540 = arith.constant 416 : index
        %get3A_541 = tpu.vector_load %arg5[%get3A_539, %get3A_540] {strides = array<i32>} : memref<64x512xf32, #tpu.memory_space<vmem>>, vector<16xf32>,
        %max3A_542 = arith.maximumf %while3A_243, %get3A_541 : vector<16xf32>
        %mul3A_543 = vector.broadcast %squeeze3A : f32 to vector<16xf32>
        %mul3A_544 = arith.mulf %max3A_542, %mul3A_543 : vector<16xf32>
        %sub3A_545 = arith.constant 32 : i32
        %sub3A_546 = arith.subi %while3A_216, %sub3A_545 : i32
        %swap3A_547 = arith.index_cast %sub3A_546 : i32 to index
        %swap3A_548 = arith.constant 416 : index
        %swap3A_549 = tpu.vector_load %arg8[%swap3A_547, %swap3A_548] {strides = array<i32>} : memref<32x512xf32, #tpu.memory_space<vmem>>, vector<16xf32>,
        tpu.vector_store %arg8[%swap3A_547, %swap3A_548], %mul3A_544 {strides = array<i32>} : memref<32x512xf32, #tpu.memory_space<vmem>>, vector<16xf32>,
        %get3A_550 = arith.index_cast %while3A_216 : i32 to index
        %get3A_551 = arith.constant 432 : index
        %get3A_552 = tpu.vector_load %arg5[%get3A_550, %get3A_551] {strides = array<i32>} : memref<64x512xf32, #tpu.memory_space<vmem>>, vector<16xf32>,
        %max3A_553 = arith.maximumf %while3A_244, %get3A_552 : vector<16xf32>
        %mul3A_554 = vector.broadcast %squeeze3A : f32 to vector<16xf32>
        %mul3A_555 = arith.mulf %max3A_553, %mul3A_554 : vector<16xf32>
        %sub3A_556 = arith.constant 32 : i32
        %sub3A_557 = arith.subi %while3A_216, %sub3A_556 : i32
        %swap3A_558 = arith.index_cast %sub3A_557 : i32 to index
        %swap3A_559 = arith.constant 432 : index
        %swap3A_560 = tpu.vector_load %arg8[%swap3A_558, %swap3A_559] {strides = array<i32>} : memref<32x512xf32, #tpu.memory_space<vmem>>, vector<16xf32>,
        tpu.vector_store %arg8[%swap3A_558, %swap3A_559], %mul3A_555 {strides = array<i32>} : memref<32x512xf32, #tpu.memory_space<vmem>>, vector<16xf32>,
        %get3A_561 = arith.index_cast %while3A_216 : i32 to index
        %get3A_562 = arith.constant 448 : index
        %get3A_563 = tpu.vector_load %arg5[%get3A_561, %get3A_562] {strides = array<i32>} : memref<64x512xf32, #tpu.memory_space<vmem>>, vector<16xf32>,
        %max3A_564 = arith.maximumf %while3A_245, %get3A_563 : vector<16xf32>
        %mul3A_565 = vector.broadcast %squeeze3A : f32 to vector<16xf32>
        %mul3A_566 = arith.mulf %max3A_564, %mul3A_565 : vector<16xf32>
        %sub3A_567 = arith.constant 32 : i32
        %sub3A_568 = arith.subi %while3A_216, %sub3A_567 : i32
        %swap3A_569 = arith.index_cast %sub3A_568 : i32 to index
        %swap3A_570 = arith.constant 448 : index
        %swap3A_571 = tpu.vector_load %arg8[%swap3A_569, %swap3A_570] {strides = array<i32>} : memref<32x512xf32, #tpu.memory_space<vmem>>, vector<16xf32>,
        tpu.vector_store %arg8[%swap3A_569, %swap3A_570], %mul3A_566 {strides = array<i32>} : memref<32x512xf32, #tpu.memory_space<vmem>>, vector<16xf32>,
        %get3A_572 = arith.index_cast %while3A_216 : i32 to index
        %get3A_573 = arith.constant 464 : index
        %get3A_574 = tpu.vector_load %arg5[%get3A_572, %get3A_573] {strides = array<i32>} : memref<64x512xf32, #tpu.memory_space<vmem>>, vector<16xf32>,
        %max3A_575 = arith.maximumf %while3A_246, %get3A_574 : vector<16xf32>
        %mul3A_576 = vector.broadcast %squeeze3A : f32 to vector<16xf32>
        %mul3A_577 = arith.mulf %max3A_575, %mul3A_576 : vector<16xf32>
        %sub3A_578 = arith.constant 32 : i32
        %sub3A_579 = arith.subi %while3A_216, %sub3A_578 : i32
        %swap3A_580 = arith.index_cast %sub3A_579 : i32 to index
        %swap3A_581 = arith.constant 464 : index
        %swap3A_582 = tpu.vector_load %arg8[%swap3A_580, %swap3A_581] {strides = array<i32>} : memref<32x512xf32, #tpu.memory_space<vmem>>, vector<16xf32>,
        tpu.vector_store %arg8[%swap3A_580, %swap3A_581], %mul3A_577 {strides = array<i32>} : memref<32x512xf32, #tpu.memory_space<vmem>>, vector<16xf32>,
        %get3A_583 = arith.index_cast %while3A_216 : i32 to index
        %get3A_584 = arith.constant 480 : index
        %get3A_585 = tpu.vector_load %arg5[%get3A_583, %get3A_584] {strides = array<i32>} : memref<64x512xf32, #tpu.memory_space<vmem>>, vector<16xf32>,
        %max3A_586 = arith.maximumf %while3A_247, %get3A_585 : vector<16xf32>
        %mul3A_587 = vector.broadcast %squeeze3A : f32 to vector<16xf32>
        %mul3A_588 = arith.mulf %max3A_586, %mul3A_587 : vector<16xf32>
        %sub3A_589 = arith.constant 32 : i32
        %sub3A_590 = arith.subi %while3A_216, %sub3A_589 : i32
        %swap3A_591 = arith.index_cast %sub3A_590 : i32 to index
        %swap3A_592 = arith.constant 480 : index
        %swap3A_593 = tpu.vector_load %arg8[%swap3A_591, %swap3A_592] {strides = array<i32>} : memref<32x512xf32, #tpu.memory_space<vmem>>, vector<16xf32>,
        tpu.vector_store %arg8[%swap3A_591, %swap3A_592], %mul3A_588 {strides = array<i32>} : memref<32x512xf32, #tpu.memory_space<vmem>>, vector<16xf32>,
        %get3A_594 = arith.index_cast %while3A_216 : i32 to index
        %get3A_595 = arith.constant 496 : index
        %get3A_596 = tpu.vector_load %arg5[%get3A_594, %get3A_595] {strides = array<i32>} : memref<64x512xf32, #tpu.memory_space<vmem>>, vector<16xf32>,
        %max3A_597 = arith.maximumf %while3A_248, %get3A_596 : vector<16xf32>
        %mul3A_598 = vector.broadcast %squeeze3A : f32 to vector<16xf32>
        %mul3A_599 = arith.mulf %max3A_597, %mul3A_598 : vector<16xf32>
        %sub3A_600 = arith.constant 32 : i32
        %sub3A_601 = arith.subi %while3A_216, %sub3A_600 : i32
        %swap3A_602 = arith.index_cast %sub3A_601 : i32 to index
        %swap3A_603 = arith.constant 496 : index
        %swap3A_604 = tpu.vector_load %arg8[%swap3A_602, %swap3A_603] {strides = array<i32>} : memref<32x512xf32, #tpu.memory_space<vmem>>, vector<16xf32>,
        tpu.vector_store %arg8[%swap3A_602, %swap3A_603], %mul3A_599 {strides = array<i32>} : memref<32x512xf32, #tpu.memory_space<vmem>>, vector<16xf32>,
        scf.yield %max3A_257, %max3A_267, %max3A_278, %max3A_289, %max3A_300, %max3A_311, %max3A_322, %max3A_333, %max3A_344, %max3A_355, %max3A_366, %max3A_377, %max3A_388, %max3A_399, %max3A_410, %max3A_421, %max3A_432, %max3A_443, %max3A_454, %max3A_465, %max3A_476, %max3A_487, %max3A_498, %max3A_509, %max3A_520, %max3A_531, %max3A_542, %max3A_553, %max3A_564, %max3A_575, %max3A_586, %max3A_597 : vector<16xf32>, vector<16xf32>, vector<16xf32>, vector<16xf32>, vector<16xf32>, vector<16xf32>, vector<16xf32>, vector<16xf32>, vector<16xf32>, vector<16xf32>, vector<16xf32>, vector<16xf32>, vector<16xf32>, vector<16xf32>, vector<16xf32>, vector<16xf32>, vector<16xf32>, vector<16xf32>, vector<16xf32>, vector<16xf32>, vector<16xf32>, vector<16xf32>, vector<16xf32>, vector<16xf32>, vector<16xf32>, vector<16xf32>, vector<16xf32>, vector<16xf32>, vector<16xf32>, vector<16xf32>, vector<16xf32>, vector<16xf32>
      }
      %while3A_203 = arith.constant 1 : i32
      %while3A_204:32 = scf.for %while3A_216 = %while3A_200 to %while3A_196 step %while3A_203 iter_args(%while3A_217 = %while3A_202#0, %while3A_218 = %while3A_202#1, %while3A_219 = %while3A_202#2, %while3A_220 = %while3A_202#3, %while3A_221 = %while3A_202#4, %while3A_222 = %while3A_202#5, %while3A_223 = %while3A_202#6, %while3A_224 = %while3A_202#7, %while3A_225 = %while3A_202#8, %while3A_226 = %while3A_202#9, %while3A_227 = %while3A_202#10, %while3A_228 = %while3A_202#11, %while3A_229 = %while3A_202#12, %while3A_230 = %while3A_202#13, %while3A_231 = %while3A_202#14, %while3A_232 = %while3A_202#15, %while3A_233 = %while3A_202#16, %while3A_234 = %while3A_202#17, %while3A_235 = %while3A_202#18, %while3A_236 = %while3A_202#19, %while3A_237 = %while3A_202#20, %while3A_238 = %while3A_202#21, %while3A_239 = %while3A_202#22, %while3A_240 = %while3A_202#23, %while3A_241 = %while3A_202#24, %while3A_242 = %while3A_202#25, %while3A_243 = %while3A_202#26, %while3A_244 = %while3A_202#27, %while3A_245 = %while3A_202#28, %while3A_246 = %while3A_202#29, %while3A_247 = %while3A_202#30, %while3A_248 = %while3A_202#31) -> (vector<16xf32>, vector<16xf32>, vector<16xf32>, vector<16xf32>, vector<16xf32>, vector<16xf32>, vector<16xf32>, vector<16xf32>, vector<16xf32>, vector<16xf32>, vector<16xf32>, vector<16xf32>, vector<16xf32>, vector<16xf32>, vector<16xf32>, vector<16xf32>, vector<16xf32>, vector<16xf32>, vector<16xf32>, vector<16xf32>, vector<16xf32>, vector<16xf32>, vector<16xf32>, vector<16xf32>, vector<16xf32>, vector<16xf32>, vector<16xf32>, vector<16xf32>, vector<16xf32>, vector<16xf32>, vector<16xf32>, vector<16xf32>)  : i32 {
        %mul3A_249 = arith.constant 64 : i32
        %mul3A_250 = arith.muli %add3A_69, %mul3A_249 : i32
        %add3A_251 = arith.addi %mul3A_250, %while3A_216 : i32
        %get3A_252 = arith.index_cast %add3A_251 : i32 to index
        %get3A_253 = tpu.vector_load %arg6[%get3A_252] {strides = array<i32>} : memref<4112xf32, #tpu.memory_space<vmem>>, vector<16xf32>,
        %slice3A = vector.extract_strided_slice %get3A_253 {offsets = [0], sizes = [1], strides = [1]} : vector<16xf32> to vector<1xf32>
        %squeeze3A = vector.extract %slice3A[0] : f32 from vector<1xf32>
        %get3A_254 = arith.index_cast %while3A_216 : i32 to index
        %get3A_255 = arith.constant 0 : index
        %get3A_256 = tpu.vector_load %arg5[%get3A_254, %get3A_255] {strides = array<i32>} : memref<64x512xf32, #tpu.memory_space<vmem>>, vector<16xf32>,
        %max3A_257 = arith.maximumf %while3A_217, %get3A_256 : vector<16xf32>
        %mul3A_258 = vector.broadcast %squeeze3A : f32 to vector<16xf32>
        %mul3A_259 = arith.mulf %max3A_257, %mul3A_258 : vector<16xf32>
        %sub3A_260 = arith.constant 32 : i32
        %sub3A_261 = arith.subi %while3A_216, %sub3A_260 : i32
        %swap3A = arith.index_cast %sub3A_261 : i32 to index
        %swap3A_262 = arith.constant 0 : index
        %swap3A_263 = tpu.vector_load %arg8[%swap3A, %swap3A_262] {strides = array<i32>} : memref<32x512xf32, #tpu.memory_space<vmem>>, vector<16xf32>,
        tpu.vector_store %arg8[%swap3A, %swap3A_262], %mul3A_259 {strides = array<i32>} : memref<32x512xf32, #tpu.memory_space<vmem>>, vector<16xf32>,
        %get3A_264 = arith.index_cast %while3A_216 : i32 to index
        %get3A_265 = arith.constant 16 : index
        %get3A_266 = tpu.vector_load %arg5[%get3A_264, %get3A_265] {strides = array<i32>} : memref<64x512xf32, #tpu.memory_space<vmem>>, vector<16xf32>,
        %max3A_267 = arith.maximumf %while3A_218, %get3A_266 : vector<16xf32>
        %mul3A_268 = vector.broadcast %squeeze3A : f32 to vector<16xf32>
        %mul3A_269 = arith.mulf %max3A_267, %mul3A_268 : vector<16xf32>
        %sub3A_270 = arith.constant 32 : i32
        %sub3A_271 = arith.subi %while3A_216, %sub3A_270 : i32
        %swap3A_272 = arith.index_cast %sub3A_271 : i32 to index
        %swap3A_273 = arith.constant 16 : index
        %swap3A_274 = tpu.vector_load %arg8[%swap3A_272, %swap3A_273] {strides = array<i32>} : memref<32x512xf32, #tpu.memory_space<vmem>>, vector<16xf32>,
        tpu.vector_store %arg8[%swap3A_272, %swap3A_273], %mul3A_269 {strides = array<i32>} : memref<32x512xf32, #tpu.memory_space<vmem>>, vector<16xf32>,
        %get3A_275 = arith.index_cast %while3A_216 : i32 to index
        %get3A_276 = arith.constant 32 : index
        %get3A_277 = tpu.vector_load %arg5[%get3A_275, %get3A_276] {strides = array<i32>} : memref<64x512xf32, #tpu.memory_space<vmem>>, vector<16xf32>,
        %max3A_278 = arith.maximumf %while3A_219, %get3A_277 : vector<16xf32>
        %mul3A_279 = vector.broadcast %squeeze3A : f32 to vector<16xf32>
        %mul3A_280 = arith.mulf %max3A_278, %mul3A_279 : vector<16xf32>
        %sub3A_281 = arith.constant 32 : i32
        %sub3A_282 = arith.subi %while3A_216, %sub3A_281 : i32
        %swap3A_283 = arith.index_cast %sub3A_282 : i32 to index
        %swap3A_284 = arith.constant 32 : index
        %swap3A_285 = tpu.vector_load %arg8[%swap3A_283, %swap3A_284] {strides = array<i32>} : memref<32x512xf32, #tpu.memory_space<vmem>>, vector<16xf32>,
        tpu.vector_store %arg8[%swap3A_283, %swap3A_284], %mul3A_280 {strides = array<i32>} : memref<32x512xf32, #tpu.memory_space<vmem>>, vector<16xf32>,
        %get3A_286 = arith.index_cast %while3A_216 : i32 to index
        %get3A_287 = arith.constant 48 : index
        %get3A_288 = tpu.vector_load %arg5[%get3A_286, %get3A_287] {strides = array<i32>} : memref<64x512xf32, #tpu.memory_space<vmem>>, vector<16xf32>,
        %max3A_289 = arith.maximumf %while3A_220, %get3A_288 : vector<16xf32>
        %mul3A_290 = vector.broadcast %squeeze3A : f32 to vector<16xf32>
        %mul3A_291 = arith.mulf %max3A_289, %mul3A_290 : vector<16xf32>
        %sub3A_292 = arith.constant 32 : i32
        %sub3A_293 = arith.subi %while3A_216, %sub3A_292 : i32
        %swap3A_294 = arith.index_cast %sub3A_293 : i32 to index
        %swap3A_295 = arith.constant 48 : index
        %swap3A_296 = tpu.vector_load %arg8[%swap3A_294, %swap3A_295] {strides = array<i32>} : memref<32x512xf32, #tpu.memory_space<vmem>>, vector<16xf32>,
        tpu.vector_store %arg8[%swap3A_294, %swap3A_295], %mul3A_291 {strides = array<i32>} : memref<32x512xf32, #tpu.memory_space<vmem>>, vector<16xf32>,
        %get3A_297 = arith.index_cast %while3A_216 : i32 to index
        %get3A_298 = arith.constant 64 : index
        %get3A_299 = tpu.vector_load %arg5[%get3A_297, %get3A_298] {strides = array<i32>} : memref<64x512xf32, #tpu.memory_space<vmem>>, vector<16xf32>,
        %max3A_300 = arith.maximumf %while3A_221, %get3A_299 : vector<16xf32>
        %mul3A_301 = vector.broadcast %squeeze3A : f32 to vector<16xf32>
        %mul3A_302 = arith.mulf %max3A_300, %mul3A_301 : vector<16xf32>
        %sub3A_303 = arith.constant 32 : i32
        %sub3A_304 = arith.subi %while3A_216, %sub3A_303 : i32
        %swap3A_305 = arith.index_cast %sub3A_304 : i32 to index
        %swap3A_306 = arith.constant 64 : index
        %swap3A_307 = tpu.vector_load %arg8[%swap3A_305, %swap3A_306] {strides = array<i32>} : memref<32x512xf32, #tpu.memory_space<vmem>>, vector<16xf32>,
        tpu.vector_store %arg8[%swap3A_305, %swap3A_306], %mul3A_302 {strides = array<i32>} : memref<32x512xf32, #tpu.memory_space<vmem>>, vector<16xf32>,
        %get3A_308 = arith.index_cast %while3A_216 : i32 to index
        %get3A_309 = arith.constant 80 : index
        %get3A_310 = tpu.vector_load %arg5[%get3A_308, %get3A_309] {strides = array<i32>} : memref<64x512xf32, #tpu.memory_space<vmem>>, vector<16xf32>,
        %max3A_311 = arith.maximumf %while3A_222, %get3A_310 : vector<16xf32>
        %mul3A_312 = vector.broadcast %squeeze3A : f32 to vector<16xf32>
        %mul3A_313 = arith.mulf %max3A_311, %mul3A_312 : vector<16xf32>
        %sub3A_314 = arith.constant 32 : i32
        %sub3A_315 = arith.subi %while3A_216, %sub3A_314 : i32
        %swap3A_316 = arith.index_cast %sub3A_315 : i32 to index
        %swap3A_317 = arith.constant 80 : index
        %swap3A_318 = tpu.vector_load %arg8[%swap3A_316, %swap3A_317] {strides = array<i32>} : memref<32x512xf32, #tpu.memory_space<vmem>>, vector<16xf32>,
        tpu.vector_store %arg8[%swap3A_316, %swap3A_317], %mul3A_313 {strides = array<i32>} : memref<32x512xf32, #tpu.memory_space<vmem>>, vector<16xf32>,
        %get3A_319 = arith.index_cast %while3A_216 : i32 to index
        %get3A_320 = arith.constant 96 : index
        %get3A_321 = tpu.vector_load %arg5[%get3A_319, %get3A_320] {strides = array<i32>} : memref<64x512xf32, #tpu.memory_space<vmem>>, vector<16xf32>,
        %max3A_322 = arith.maximumf %while3A_223, %get3A_321 : vector<16xf32>
        %mul3A_323 = vector.broadcast %squeeze3A : f32 to vector<16xf32>
        %mul3A_324 = arith.mulf %max3A_322, %mul3A_323 : vector<16xf32>
        %sub3A_325 = arith.constant 32 : i32
        %sub3A_326 = arith.subi %while3A_216, %sub3A_325 : i32
        %swap3A_327 = arith.index_cast %sub3A_326 : i32 to index
        %swap3A_328 = arith.constant 96 : index
        %swap3A_329 = tpu.vector_load %arg8[%swap3A_327, %swap3A_328] {strides = array<i32>} : memref<32x512xf32, #tpu.memory_space<vmem>>, vector<16xf32>,
        tpu.vector_store %arg8[%swap3A_327, %swap3A_328], %mul3A_324 {strides = array<i32>} : memref<32x512xf32, #tpu.memory_space<vmem>>, vector<16xf32>,
        %get3A_330 = arith.index_cast %while3A_216 : i32 to index
        %get3A_331 = arith.constant 112 : index
        %get3A_332 = tpu.vector_load %arg5[%get3A_330, %get3A_331] {strides = array<i32>} : memref<64x512xf32, #tpu.memory_space<vmem>>, vector<16xf32>,
        %max3A_333 = arith.maximumf %while3A_224, %get3A_332 : vector<16xf32>
        %mul3A_334 = vector.broadcast %squeeze3A : f32 to vector<16xf32>
        %mul3A_335 = arith.mulf %max3A_333, %mul3A_334 : vector<16xf32>
        %sub3A_336 = arith.constant 32 : i32
        %sub3A_337 = arith.subi %while3A_216, %sub3A_336 : i32
        %swap3A_338 = arith.index_cast %sub3A_337 : i32 to index
        %swap3A_339 = arith.constant 112 : index
        %swap3A_340 = tpu.vector_load %arg8[%swap3A_338, %swap3A_339] {strides = array<i32>} : memref<32x512xf32, #tpu.memory_space<vmem>>, vector<16xf32>,
        tpu.vector_store %arg8[%swap3A_338, %swap3A_339], %mul3A_335 {strides = array<i32>} : memref<32x512xf32, #tpu.memory_space<vmem>>, vector<16xf32>,
        %get3A_341 = arith.index_cast %while3A_216 : i32 to index
        %get3A_342 = arith.constant 128 : index
        %get3A_343 = tpu.vector_load %arg5[%get3A_341, %get3A_342] {strides = array<i32>} : memref<64x512xf32, #tpu.memory_space<vmem>>, vector<16xf32>,
        %max3A_344 = arith.maximumf %while3A_225, %get3A_343 : vector<16xf32>
        %mul3A_345 = vector.broadcast %squeeze3A : f32 to vector<16xf32>
        %mul3A_346 = arith.mulf %max3A_344, %mul3A_345 : vector<16xf32>
        %sub3A_347 = arith.constant 32 : i32
        %sub3A_348 = arith.subi %while3A_216, %sub3A_347 : i32
        %swap3A_349 = arith.index_cast %sub3A_348 : i32 to index
        %swap3A_350 = arith.constant 128 : index
        %swap3A_351 = tpu.vector_load %arg8[%swap3A_349, %swap3A_350] {strides = array<i32>} : memref<32x512xf32, #tpu.memory_space<vmem>>, vector<16xf32>,
        tpu.vector_store %arg8[%swap3A_349, %swap3A_350], %mul3A_346 {strides = array<i32>} : memref<32x512xf32, #tpu.memory_space<vmem>>, vector<16xf32>,
        %get3A_352 = arith.index_cast %while3A_216 : i32 to index
        %get3A_353 = arith.constant 144 : index
        %get3A_354 = tpu.vector_load %arg5[%get3A_352, %get3A_353] {strides = array<i32>} : memref<64x512xf32, #tpu.memory_space<vmem>>, vector<16xf32>,
        %max3A_355 = arith.maximumf %while3A_226, %get3A_354 : vector<16xf32>
        %mul3A_356 = vector.broadcast %squeeze3A : f32 to vector<16xf32>
        %mul3A_357 = arith.mulf %max3A_355, %mul3A_356 : vector<16xf32>
        %sub3A_358 = arith.constant 32 : i32
        %sub3A_359 = arith.subi %while3A_216, %sub3A_358 : i32
        %swap3A_360 = arith.index_cast %sub3A_359 : i32 to index
        %swap3A_361 = arith.constant 144 : index
        %swap3A_362 = tpu.vector_load %arg8[%swap3A_360, %swap3A_361] {strides = array<i32>} : memref<32x512xf32, #tpu.memory_space<vmem>>, vector<16xf32>,
        tpu.vector_store %arg8[%swap3A_360, %swap3A_361], %mul3A_357 {strides = array<i32>} : memref<32x512xf32, #tpu.memory_space<vmem>>, vector<16xf32>,
        %get3A_363 = arith.index_cast %while3A_216 : i32 to index
        %get3A_364 = arith.constant 160 : index
        %get3A_365 = tpu.vector_load %arg5[%get3A_363, %get3A_364] {strides = array<i32>} : memref<64x512xf32, #tpu.memory_space<vmem>>, vector<16xf32>,
        %max3A_366 = arith.maximumf %while3A_227, %get3A_365 : vector<16xf32>
        %mul3A_367 = vector.broadcast %squeeze3A : f32 to vector<16xf32>
        %mul3A_368 = arith.mulf %max3A_366, %mul3A_367 : vector<16xf32>
        %sub3A_369 = arith.constant 32 : i32
        %sub3A_370 = arith.subi %while3A_216, %sub3A_369 : i32
        %swap3A_371 = arith.index_cast %sub3A_370 : i32 to index
        %swap3A_372 = arith.constant 160 : index
        %swap3A_373 = tpu.vector_load %arg8[%swap3A_371, %swap3A_372] {strides = array<i32>} : memref<32x512xf32, #tpu.memory_space<vmem>>, vector<16xf32>,
        tpu.vector_store %arg8[%swap3A_371, %swap3A_372], %mul3A_368 {strides = array<i32>} : memref<32x512xf32, #tpu.memory_space<vmem>>, vector<16xf32>,
        %get3A_374 = arith.index_cast %while3A_216 : i32 to index
        %get3A_375 = arith.constant 176 : index
        %get3A_376 = tpu.vector_load %arg5[%get3A_374, %get3A_375] {strides = array<i32>} : memref<64x512xf32, #tpu.memory_space<vmem>>, vector<16xf32>,
        %max3A_377 = arith.maximumf %while3A_228, %get3A_376 : vector<16xf32>
        %mul3A_378 = vector.broadcast %squeeze3A : f32 to vector<16xf32>
        %mul3A_379 = arith.mulf %max3A_377, %mul3A_378 : vector<16xf32>
        %sub3A_380 = arith.constant 32 : i32
        %sub3A_381 = arith.subi %while3A_216, %sub3A_380 : i32
        %swap3A_382 = arith.index_cast %sub3A_381 : i32 to index
        %swap3A_383 = arith.constant 176 : index
        %swap3A_384 = tpu.vector_load %arg8[%swap3A_382, %swap3A_383] {strides = array<i32>} : memref<32x512xf32, #tpu.memory_space<vmem>>, vector<16xf32>,
        tpu.vector_store %arg8[%swap3A_382, %swap3A_383], %mul3A_379 {strides = array<i32>} : memref<32x512xf32, #tpu.memory_space<vmem>>, vector<16xf32>,
        %get3A_385 = arith.index_cast %while3A_216 : i32 to index
        %get3A_386 = arith.constant 192 : index
        %get3A_387 = tpu.vector_load %arg5[%get3A_385, %get3A_386] {strides = array<i32>} : memref<64x512xf32, #tpu.memory_space<vmem>>, vector<16xf32>,
        %max3A_388 = arith.maximumf %while3A_229, %get3A_387 : vector<16xf32>
        %mul3A_389 = vector.broadcast %squeeze3A : f32 to vector<16xf32>
        %mul3A_390 = arith.mulf %max3A_388, %mul3A_389 : vector<16xf32>
        %sub3A_391 = arith.constant 32 : i32
        %sub3A_392 = arith.subi %while3A_216, %sub3A_391 : i32
        %swap3A_393 = arith.index_cast %sub3A_392 : i32 to index
        %swap3A_394 = arith.constant 192 : index
        %swap3A_395 = tpu.vector_load %arg8[%swap3A_393, %swap3A_394] {strides = array<i32>} : memref<32x512xf32, #tpu.memory_space<vmem>>, vector<16xf32>,
        tpu.vector_store %arg8[%swap3A_393, %swap3A_394], %mul3A_390 {strides = array<i32>} : memref<32x512xf32, #tpu.memory_space<vmem>>, vector<16xf32>,
        %get3A_396 = arith.index_cast %while3A_216 : i32 to index
        %get3A_397 = arith.constant 208 : index
        %get3A_398 = tpu.vector_load %arg5[%get3A_396, %get3A_397] {strides = array<i32>} : memref<64x512xf32, #tpu.memory_space<vmem>>, vector<16xf32>,
        %max3A_399 = arith.maximumf %while3A_230, %get3A_398 : vector<16xf32>
        %mul3A_400 = vector.broadcast %squeeze3A : f32 to vector<16xf32>
        %mul3A_401 = arith.mulf %max3A_399, %mul3A_400 : vector<16xf32>
        %sub3A_402 = arith.constant 32 : i32
        %sub3A_403 = arith.subi %while3A_216, %sub3A_402 : i32
        %swap3A_404 = arith.index_cast %sub3A_403 : i32 to index
        %swap3A_405 = arith.constant 208 : index
        %swap3A_406 = tpu.vector_load %arg8[%swap3A_404, %swap3A_405] {strides = array<i32>} : memref<32x512xf32, #tpu.memory_space<vmem>>, vector<16xf32>,
        tpu.vector_store %arg8[%swap3A_404, %swap3A_405], %mul3A_401 {strides = array<i32>} : memref<32x512xf32, #tpu.memory_space<vmem>>, vector<16xf32>,
        %get3A_407 = arith.index_cast %while3A_216 : i32 to index
        %get3A_408 = arith.constant 224 : index
        %get3A_409 = tpu.vector_load %arg5[%get3A_407, %get3A_408] {strides = array<i32>} : memref<64x512xf32, #tpu.memory_space<vmem>>, vector<16xf32>,
        %max3A_410 = arith.maximumf %while3A_231, %get3A_409 : vector<16xf32>
        %mul3A_411 = vector.broadcast %squeeze3A : f32 to vector<16xf32>
        %mul3A_412 = arith.mulf %max3A_410, %mul3A_411 : vector<16xf32>
        %sub3A_413 = arith.constant 32 : i32
        %sub3A_414 = arith.subi %while3A_216, %sub3A_413 : i32
        %swap3A_415 = arith.index_cast %sub3A_414 : i32 to index
        %swap3A_416 = arith.constant 224 : index
        %swap3A_417 = tpu.vector_load %arg8[%swap3A_415, %swap3A_416] {strides = array<i32>} : memref<32x512xf32, #tpu.memory_space<vmem>>, vector<16xf32>,
        tpu.vector_store %arg8[%swap3A_415, %swap3A_416], %mul3A_412 {strides = array<i32>} : memref<32x512xf32, #tpu.memory_space<vmem>>, vector<16xf32>,
        %get3A_418 = arith.index_cast %while3A_216 : i32 to index
        %get3A_419 = arith.constant 240 : index
        %get3A_420 = tpu.vector_load %arg5[%get3A_418, %get3A_419] {strides = array<i32>} : memref<64x512xf32, #tpu.memory_space<vmem>>, vector<16xf32>,
        %max3A_421 = arith.maximumf %while3A_232, %get3A_420 : vector<16xf32>
        %mul3A_422 = vector.broadcast %squeeze3A : f32 to vector<16xf32>
        %mul3A_423 = arith.mulf %max3A_421, %mul3A_422 : vector<16xf32>
        %sub3A_424 = arith.constant 32 : i32
        %sub3A_425 = arith.subi %while3A_216, %sub3A_424 : i32
        %swap3A_426 = arith.index_cast %sub3A_425 : i32 to index
        %swap3A_427 = arith.constant 240 : index
        %swap3A_428 = tpu.vector_load %arg8[%swap3A_426, %swap3A_427] {strides = array<i32>} : memref<32x512xf32, #tpu.memory_space<vmem>>, vector<16xf32>,
        tpu.vector_store %arg8[%swap3A_426, %swap3A_427], %mul3A_423 {strides = array<i32>} : memref<32x512xf32, #tpu.memory_space<vmem>>, vector<16xf32>,
        %get3A_429 = arith.index_cast %while3A_216 : i32 to index
        %get3A_430 = arith.constant 256 : index
        %get3A_431 = tpu.vector_load %arg5[%get3A_429, %get3A_430] {strides = array<i32>} : memref<64x512xf32, #tpu.memory_space<vmem>>, vector<16xf32>,
        %max3A_432 = arith.maximumf %while3A_233, %get3A_431 : vector<16xf32>
        %mul3A_433 = vector.broadcast %squeeze3A : f32 to vector<16xf32>
        %mul3A_434 = arith.mulf %max3A_432, %mul3A_433 : vector<16xf32>
        %sub3A_435 = arith.constant 32 : i32
        %sub3A_436 = arith.subi %while3A_216, %sub3A_435 : i32
        %swap3A_437 = arith.index_cast %sub3A_436 : i32 to index
        %swap3A_438 = arith.constant 256 : index
        %swap3A_439 = tpu.vector_load %arg8[%swap3A_437, %swap3A_438] {strides = array<i32>} : memref<32x512xf32, #tpu.memory_space<vmem>>, vector<16xf32>,
        tpu.vector_store %arg8[%swap3A_437, %swap3A_438], %mul3A_434 {strides = array<i32>} : memref<32x512xf32, #tpu.memory_space<vmem>>, vector<16xf32>,
        %get3A_440 = arith.index_cast %while3A_216 : i32 to index
        %get3A_441 = arith.constant 272 : index
        %get3A_442 = tpu.vector_load %arg5[%get3A_440, %get3A_441] {strides = array<i32>} : memref<64x512xf32, #tpu.memory_space<vmem>>, vector<16xf32>,
        %max3A_443 = arith.maximumf %while3A_234, %get3A_442 : vector<16xf32>
        %mul3A_444 = vector.broadcast %squeeze3A : f32 to vector<16xf32>
        %mul3A_445 = arith.mulf %max3A_443, %mul3A_444 : vector<16xf32>
        %sub3A_446 = arith.constant 32 : i32
        %sub3A_447 = arith.subi %while3A_216, %sub3A_446 : i32
        %swap3A_448 = arith.index_cast %sub3A_447 : i32 to index
        %swap3A_449 = arith.constant 272 : index
        %swap3A_450 = tpu.vector_load %arg8[%swap3A_448, %swap3A_449] {strides = array<i32>} : memref<32x512xf32, #tpu.memory_space<vmem>>, vector<16xf32>,
        tpu.vector_store %arg8[%swap3A_448, %swap3A_449], %mul3A_445 {strides = array<i32>} : memref<32x512xf32, #tpu.memory_space<vmem>>, vector<16xf32>,
        %get3A_451 = arith.index_cast %while3A_216 : i32 to index
        %get3A_452 = arith.constant 288 : index
        %get3A_453 = tpu.vector_load %arg5[%get3A_451, %get3A_452] {strides = array<i32>} : memref<64x512xf32, #tpu.memory_space<vmem>>, vector<16xf32>,
        %max3A_454 = arith.maximumf %while3A_235, %get3A_453 : vector<16xf32>
        %mul3A_455 = vector.broadcast %squeeze3A : f32 to vector<16xf32>
        %mul3A_456 = arith.mulf %max3A_454, %mul3A_455 : vector<16xf32>
        %sub3A_457 = arith.constant 32 : i32
        %sub3A_458 = arith.subi %while3A_216, %sub3A_457 : i32
        %swap3A_459 = arith.index_cast %sub3A_458 : i32 to index
        %swap3A_460 = arith.constant 288 : index
        %swap3A_461 = tpu.vector_load %arg8[%swap3A_459, %swap3A_460] {strides = array<i32>} : memref<32x512xf32, #tpu.memory_space<vmem>>, vector<16xf32>,
        tpu.vector_store %arg8[%swap3A_459, %swap3A_460], %mul3A_456 {strides = array<i32>} : memref<32x512xf32, #tpu.memory_space<vmem>>, vector<16xf32>,
        %get3A_462 = arith.index_cast %while3A_216 : i32 to index
        %get3A_463 = arith.constant 304 : index
        %get3A_464 = tpu.vector_load %arg5[%get3A_462, %get3A_463] {strides = array<i32>} : memref<64x512xf32, #tpu.memory_space<vmem>>, vector<16xf32>,
        %max3A_465 = arith.maximumf %while3A_236, %get3A_464 : vector<16xf32>
        %mul3A_466 = vector.broadcast %squeeze3A : f32 to vector<16xf32>
        %mul3A_467 = arith.mulf %max3A_465, %mul3A_466 : vector<16xf32>
        %sub3A_468 = arith.constant 32 : i32
        %sub3A_469 = arith.subi %while3A_216, %sub3A_468 : i32
        %swap3A_470 = arith.index_cast %sub3A_469 : i32 to index
        %swap3A_471 = arith.constant 304 : index
        %swap3A_472 = tpu.vector_load %arg8[%swap3A_470, %swap3A_471] {strides = array<i32>} : memref<32x512xf32, #tpu.memory_space<vmem>>, vector<16xf32>,
        tpu.vector_store %arg8[%swap3A_470, %swap3A_471], %mul3A_467 {strides = array<i32>} : memref<32x512xf32, #tpu.memory_space<vmem>>, vector<16xf32>,
        %get3A_473 = arith.index_cast %while3A_216 : i32 to index
        %get3A_474 = arith.constant 320 : index
        %get3A_475 = tpu.vector_load %arg5[%get3A_473, %get3A_474] {strides = array<i32>} : memref<64x512xf32, #tpu.memory_space<vmem>>, vector<16xf32>,
        %max3A_476 = arith.maximumf %while3A_237, %get3A_475 : vector<16xf32>
        %mul3A_477 = vector.broadcast %squeeze3A : f32 to vector<16xf32>
        %mul3A_478 = arith.mulf %max3A_476, %mul3A_477 : vector<16xf32>
        %sub3A_479 = arith.constant 32 : i32
        %sub3A_480 = arith.subi %while3A_216, %sub3A_479 : i32
        %swap3A_481 = arith.index_cast %sub3A_480 : i32 to index
        %swap3A_482 = arith.constant 320 : index
        %swap3A_483 = tpu.vector_load %arg8[%swap3A_481, %swap3A_482] {strides = array<i32>} : memref<32x512xf32, #tpu.memory_space<vmem>>, vector<16xf32>,
        tpu.vector_store %arg8[%swap3A_481, %swap3A_482], %mul3A_478 {strides = array<i32>} : memref<32x512xf32, #tpu.memory_space<vmem>>, vector<16xf32>,
        %get3A_484 = arith.index_cast %while3A_216 : i32 to index
        %get3A_485 = arith.constant 336 : index
        %get3A_486 = tpu.vector_load %arg5[%get3A_484, %get3A_485] {strides = array<i32>} : memref<64x512xf32, #tpu.memory_space<vmem>>, vector<16xf32>,
        %max3A_487 = arith.maximumf %while3A_238, %get3A_486 : vector<16xf32>
        %mul3A_488 = vector.broadcast %squeeze3A : f32 to vector<16xf32>
        %mul3A_489 = arith.mulf %max3A_487, %mul3A_488 : vector<16xf32>
        %sub3A_490 = arith.constant 32 : i32
        %sub3A_491 = arith.subi %while3A_216, %sub3A_490 : i32
        %swap3A_492 = arith.index_cast %sub3A_491 : i32 to index
        %swap3A_493 = arith.constant 336 : index
        %swap3A_494 = tpu.vector_load %arg8[%swap3A_492, %swap3A_493] {strides = array<i32>} : memref<32x512xf32, #tpu.memory_space<vmem>>, vector<16xf32>,
        tpu.vector_store %arg8[%swap3A_492, %swap3A_493], %mul3A_489 {strides = array<i32>} : memref<32x512xf32, #tpu.memory_space<vmem>>, vector<16xf32>,
        %get3A_495 = arith.index_cast %while3A_216 : i32 to index
        %get3A_496 = arith.constant 352 : index
        %get3A_497 = tpu.vector_load %arg5[%get3A_495, %get3A_496] {strides = array<i32>} : memref<64x512xf32, #tpu.memory_space<vmem>>, vector<16xf32>,
        %max3A_498 = arith.maximumf %while3A_239, %get3A_497 : vector<16xf32>
        %mul3A_499 = vector.broadcast %squeeze3A : f32 to vector<16xf32>
        %mul3A_500 = arith.mulf %max3A_498, %mul3A_499 : vector<16xf32>
        %sub3A_501 = arith.constant 32 : i32
        %sub3A_502 = arith.subi %while3A_216, %sub3A_501 : i32
        %swap3A_503 = arith.index_cast %sub3A_502 : i32 to index
        %swap3A_504 = arith.constant 352 : index
        %swap3A_505 = tpu.vector_load %arg8[%swap3A_503, %swap3A_504] {strides = array<i32>} : memref<32x512xf32, #tpu.memory_space<vmem>>, vector<16xf32>,
        tpu.vector_store %arg8[%swap3A_503, %swap3A_504], %mul3A_500 {strides = array<i32>} : memref<32x512xf32, #tpu.memory_space<vmem>>, vector<16xf32>,
        %get3A_506 = arith.index_cast %while3A_216 : i32 to index
        %get3A_507 = arith.constant 368 : index
        %get3A_508 = tpu.vector_load %arg5[%get3A_506, %get3A_507] {strides = array<i32>} : memref<64x512xf32, #tpu.memory_space<vmem>>, vector<16xf32>,
        %max3A_509 = arith.maximumf %while3A_240, %get3A_508 : vector<16xf32>
        %mul3A_510 = vector.broadcast %squeeze3A : f32 to vector<16xf32>
        %mul3A_511 = arith.mulf %max3A_509, %mul3A_510 : vector<16xf32>
        %sub3A_512 = arith.constant 32 : i32
        %sub3A_513 = arith.subi %while3A_216, %sub3A_512 : i32
        %swap3A_514 = arith.index_cast %sub3A_513 : i32 to index
        %swap3A_515 = arith.constant 368 : index
        %swap3A_516 = tpu.vector_load %arg8[%swap3A_514, %swap3A_515] {strides = array<i32>} : memref<32x512xf32, #tpu.memory_space<vmem>>, vector<16xf32>,
        tpu.vector_store %arg8[%swap3A_514, %swap3A_515], %mul3A_511 {strides = array<i32>} : memref<32x512xf32, #tpu.memory_space<vmem>>, vector<16xf32>,
        %get3A_517 = arith.index_cast %while3A_216 : i32 to index
        %get3A_518 = arith.constant 384 : index
        %get3A_519 = tpu.vector_load %arg5[%get3A_517, %get3A_518] {strides = array<i32>} : memref<64x512xf32, #tpu.memory_space<vmem>>, vector<16xf32>,
        %max3A_520 = arith.maximumf %while3A_241, %get3A_519 : vector<16xf32>
        %mul3A_521 = vector.broadcast %squeeze3A : f32 to vector<16xf32>
        %mul3A_522 = arith.mulf %max3A_520, %mul3A_521 : vector<16xf32>
        %sub3A_523 = arith.constant 32 : i32
        %sub3A_524 = arith.subi %while3A_216, %sub3A_523 : i32
        %swap3A_525 = arith.index_cast %sub3A_524 : i32 to index
        %swap3A_526 = arith.constant 384 : index
        %swap3A_527 = tpu.vector_load %arg8[%swap3A_525, %swap3A_526] {strides = array<i32>} : memref<32x512xf32, #tpu.memory_space<vmem>>, vector<16xf32>,
        tpu.vector_store %arg8[%swap3A_525, %swap3A_526], %mul3A_522 {strides = array<i32>} : memref<32x512xf32, #tpu.memory_space<vmem>>, vector<16xf32>,
        %get3A_528 = arith.index_cast %while3A_216 : i32 to index
        %get3A_529 = arith.constant 400 : index
        %get3A_530 = tpu.vector_load %arg5[%get3A_528, %get3A_529] {strides = array<i32>} : memref<64x512xf32, #tpu.memory_space<vmem>>, vector<16xf32>,
        %max3A_531 = arith.maximumf %while3A_242, %get3A_530 : vector<16xf32>
        %mul3A_532 = vector.broadcast %squeeze3A : f32 to vector<16xf32>
        %mul3A_533 = arith.mulf %max3A_531, %mul3A_532 : vector<16xf32>
        %sub3A_534 = arith.constant 32 : i32
        %sub3A_535 = arith.subi %while3A_216, %sub3A_534 : i32
        %swap3A_536 = arith.index_cast %sub3A_535 : i32 to index
        %swap3A_537 = arith.constant 400 : index
        %swap3A_538 = tpu.vector_load %arg8[%swap3A_536, %swap3A_537] {strides = array<i32>} : memref<32x512xf32, #tpu.memory_space<vmem>>, vector<16xf32>,
        tpu.vector_store %arg8[%swap3A_536, %swap3A_537], %mul3A_533 {strides = array<i32>} : memref<32x512xf32, #tpu.memory_space<vmem>>, vector<16xf32>,
        %get3A_539 = arith.index_cast %while3A_216 : i32 to index
        %get3A_540 = arith.constant 416 : index
        %get3A_541 = tpu.vector_load %arg5[%get3A_539, %get3A_540] {strides = array<i32>} : memref<64x512xf32, #tpu.memory_space<vmem>>, vector<16xf32>,
        %max3A_542 = arith.maximumf %while3A_243, %get3A_541 : vector<16xf32>
        %mul3A_543 = vector.broadcast %squeeze3A : f32 to vector<16xf32>
        %mul3A_544 = arith.mulf %max3A_542, %mul3A_543 : vector<16xf32>
        %sub3A_545 = arith.constant 32 : i32
        %sub3A_546 = arith.subi %while3A_216, %sub3A_545 : i32
        %swap3A_547 = arith.index_cast %sub3A_546 : i32 to index
        %swap3A_548 = arith.constant 416 : index
        %swap3A_549 = tpu.vector_load %arg8[%swap3A_547, %swap3A_548] {strides = array<i32>} : memref<32x512xf32, #tpu.memory_space<vmem>>, vector<16xf32>,
        tpu.vector_store %arg8[%swap3A_547, %swap3A_548], %mul3A_544 {strides = array<i32>} : memref<32x512xf32, #tpu.memory_space<vmem>>, vector<16xf32>,
        %get3A_550 = arith.index_cast %while3A_216 : i32 to index
        %get3A_551 = arith.constant 432 : index
        %get3A_552 = tpu.vector_load %arg5[%get3A_550, %get3A_551] {strides = array<i32>} : memref<64x512xf32, #tpu.memory_space<vmem>>, vector<16xf32>,
        %max3A_553 = arith.maximumf %while3A_244, %get3A_552 : vector<16xf32>
        %mul3A_554 = vector.broadcast %squeeze3A : f32 to vector<16xf32>
        %mul3A_555 = arith.mulf %max3A_553, %mul3A_554 : vector<16xf32>
        %sub3A_556 = arith.constant 32 : i32
        %sub3A_557 = arith.subi %while3A_216, %sub3A_556 : i32
        %swap3A_558 = arith.index_cast %sub3A_557 : i32 to index
        %swap3A_559 = arith.constant 432 : index
        %swap3A_560 = tpu.vector_load %arg8[%swap3A_558, %swap3A_559] {strides = array<i32>} : memref<32x512xf32, #tpu.memory_space<vmem>>, vector<16xf32>,
        tpu.vector_store %arg8[%swap3A_558, %swap3A_559], %mul3A_555 {strides = array<i32>} : memref<32x512xf32, #tpu.memory_space<vmem>>, vector<16xf32>,
        %get3A_561 = arith.index_cast %while3A_216 : i32 to index
        %get3A_562 = arith.constant 448 : index
        %get3A_563 = tpu.vector_load %arg5[%get3A_561, %get3A_562] {strides = array<i32>} : memref<64x512xf32, #tpu.memory_space<vmem>>, vector<16xf32>,
        %max3A_564 = arith.maximumf %while3A_245, %get3A_563 : vector<16xf32>
        %mul3A_565 = vector.broadcast %squeeze3A : f32 to vector<16xf32>
        %mul3A_566 = arith.mulf %max3A_564, %mul3A_565 : vector<16xf32>
        %sub3A_567 = arith.constant 32 : i32
        %sub3A_568 = arith.subi %while3A_216, %sub3A_567 : i32
        %swap3A_569 = arith.index_cast %sub3A_568 : i32 to index
        %swap3A_570 = arith.constant 448 : index
        %swap3A_571 = tpu.vector_load %arg8[%swap3A_569, %swap3A_570] {strides = array<i32>} : memref<32x512xf32, #tpu.memory_space<vmem>>, vector<16xf32>,
        tpu.vector_store %arg8[%swap3A_569, %swap3A_570], %mul3A_566 {strides = array<i32>} : memref<32x512xf32, #tpu.memory_space<vmem>>, vector<16xf32>,
        %get3A_572 = arith.index_cast %while3A_216 : i32 to index
        %get3A_573 = arith.constant 464 : index
        %get3A_574 = tpu.vector_load %arg5[%get3A_572, %get3A_573] {strides = array<i32>} : memref<64x512xf32, #tpu.memory_space<vmem>>, vector<16xf32>,
        %max3A_575 = arith.maximumf %while3A_246, %get3A_574 : vector<16xf32>
        %mul3A_576 = vector.broadcast %squeeze3A : f32 to vector<16xf32>
        %mul3A_577 = arith.mulf %max3A_575, %mul3A_576 : vector<16xf32>
        %sub3A_578 = arith.constant 32 : i32
        %sub3A_579 = arith.subi %while3A_216, %sub3A_578 : i32
        %swap3A_580 = arith.index_cast %sub3A_579 : i32 to index
        %swap3A_581 = arith.constant 464 : index
        %swap3A_582 = tpu.vector_load %arg8[%swap3A_580, %swap3A_581] {strides = array<i32>} : memref<32x512xf32, #tpu.memory_space<vmem>>, vector<16xf32>,
        tpu.vector_store %arg8[%swap3A_580, %swap3A_581], %mul3A_577 {strides = array<i32>} : memref<32x512xf32, #tpu.memory_space<vmem>>, vector<16xf32>,
        %get3A_583 = arith.index_cast %while3A_216 : i32 to index
        %get3A_584 = arith.constant 480 : index
        %get3A_585 = tpu.vector_load %arg5[%get3A_583, %get3A_584] {strides = array<i32>} : memref<64x512xf32, #tpu.memory_space<vmem>>, vector<16xf32>,
        %max3A_586 = arith.maximumf %while3A_247, %get3A_585 : vector<16xf32>
        %mul3A_587 = vector.broadcast %squeeze3A : f32 to vector<16xf32>
        %mul3A_588 = arith.mulf %max3A_586, %mul3A_587 : vector<16xf32>
        %sub3A_589 = arith.constant 32 : i32
        %sub3A_590 = arith.subi %while3A_216, %sub3A_589 : i32
        %swap3A_591 = arith.index_cast %sub3A_590 : i32 to index
        %swap3A_592 = arith.constant 480 : index
        %swap3A_593 = tpu.vector_load %arg8[%swap3A_591, %swap3A_592] {strides = array<i32>} : memref<32x512xf32, #tpu.memory_space<vmem>>, vector<16xf32>,
        tpu.vector_store %arg8[%swap3A_591, %swap3A_592], %mul3A_588 {strides = array<i32>} : memref<32x512xf32, #tpu.memory_space<vmem>>, vector<16xf32>,
        %get3A_594 = arith.index_cast %while3A_216 : i32 to index
        %get3A_595 = arith.constant 496 : index
        %get3A_596 = tpu.vector_load %arg5[%get3A_594, %get3A_595] {strides = array<i32>} : memref<64x512xf32, #tpu.memory_space<vmem>>, vector<16xf32>,
        %max3A_597 = arith.maximumf %while3A_248, %get3A_596 : vector<16xf32>
        %mul3A_598 = vector.broadcast %squeeze3A : f32 to vector<16xf32>
        %mul3A_599 = arith.mulf %max3A_597, %mul3A_598 : vector<16xf32>
        %sub3A_600 = arith.constant 32 : i32
        %sub3A_601 = arith.subi %while3A_216, %sub3A_600 : i32
        %swap3A_602 = arith.index_cast %sub3A_601 : i32 to index
        %swap3A_603 = arith.constant 496 : index
        %swap3A_604 = tpu.vector_load %arg8[%swap3A_602, %swap3A_603] {strides = array<i32>} : memref<32x512xf32, #tpu.memory_space<vmem>>, vector<16xf32>,
        tpu.vector_store %arg8[%swap3A_602, %swap3A_603], %mul3A_599 {strides = array<i32>} : memref<32x512xf32, #tpu.memory_space<vmem>>, vector<16xf32>,
        scf.yield %max3A_257, %max3A_267, %max3A_278, %max3A_289, %max3A_300, %max3A_311, %max3A_322, %max3A_333, %max3A_344, %max3A_355, %max3A_366, %max3A_377, %max3A_388, %max3A_399, %max3A_410, %max3A_421, %max3A_432, %max3A_443, %max3A_454, %max3A_465, %max3A_476, %max3A_487, %max3A_498, %max3A_509, %max3A_520, %max3A_531, %max3A_542, %max3A_553, %max3A_564, %max3A_575, %max3A_586, %max3A_597 : vector<16xf32>, vector<16xf32>, vector<16xf32>, vector<16xf32>, vector<16xf32>, vector<16xf32>, vector<16xf32>, vector<16xf32>, vector<16xf32>, vector<16xf32>, vector<16xf32>, vector<16xf32>, vector<16xf32>, vector<16xf32>, vector<16xf32>, vector<16xf32>, vector<16xf32>, vector<16xf32>, vector<16xf32>, vector<16xf32>, vector<16xf32>, vector<16xf32>, vector<16xf32>, vector<16xf32>, vector<16xf32>, vector<16xf32>, vector<16xf32>, vector<16xf32>, vector<16xf32>, vector<16xf32>, vector<16xf32>, vector<16xf32>
      }
      %dma_start3A_205 = arith.constant 1 : i32
      %dma_start3A_206 = arith.constant 32 : i32
      %dma_start3A_207 = arith.constant 0 : i32
      %dma_start3A_208 = tpu.memref_slice %arg4[%select_n3A, %add3A_69, %dma_start3A_206, %dma_start3A_207] : memref<8x64x64x512xf32, #tpu.memory_space<hbm>> -> memref<1x1x32x512xf32, #tpu.memory_space<hbm>>
      %dma_start3A_209 = tpu.memref_squeeze %dma_start3A_208 : memref<1x1x32x512xf32, #tpu.memory_space<hbm>> -> memref<32x512xf32, #tpu.memory_space<hbm>>
      %dma_start3A_210 = tpu.memref_slice %arg9[%dma_start3A_205] : memref<2x!tpu.dma_semaphore, #tpu.memory_space<semaphore_mem>> -> memref<1x!tpu.dma_semaphore, #tpu.memory_space<semaphore_mem>>
      %dma_start3A_211 = tpu.memref_squeeze %dma_start3A_210 : memref<1x!tpu.dma_semaphore, #tpu.memory_space<semaphore_mem>> -> memref<!tpu.dma_semaphore, #tpu.memory_space<semaphore_mem>>
      %dma_start3A_212 = arith.constant 32 : i32
      %dma_start3A_213 = arith.constant 0 : i32
      %dma_start3A_214 = tpu.memref_slice %arg4[%select_n3A, %add3A_69, %dma_start3A_212, %dma_start3A_213] : memref<8x64x64x512xf32, #tpu.memory_space<hbm>> -> memref<1x1x32x512xf32, #tpu.memory_space<hbm>>
      %dma_start3A_215 = tpu.memref_squeeze %dma_start3A_214 : memref<1x1x32x512xf32, #tpu.memory_space<hbm>> -> memref<32x512xf32, #tpu.memory_space<hbm>>
      tpu.enqueue_dma source(%arg8 : memref<32x512xf32, #tpu.memory_space<vmem>>) target(%dma_start3A_215 : memref<32x512xf32, #tpu.memory_space<hbm>>) target_semaphore(%dma_start3A_211 : memref<!tpu.dma_semaphore, #tpu.memory_space<semaphore_mem>>)
    }
    %scan3A_42 = arith.constant 16 : i32
    %dma_wait3A = arith.constant 0 : i32
    %dma_wait3A_43 = arith.constant 0 : i32
    %dma_wait3A_44 = arith.constant 0 : i32
    %dma_wait3A_45 = tpu.memref_slice %arg4[%select_n3A, %select_n3A_30, %dma_wait3A_43, %dma_wait3A_44] : memref<8x64x64x512xf32, #tpu.memory_space<hbm>> -> memref<1x1x32x512xf32, #tpu.memory_space<hbm>>
    %dma_wait3A_46 = tpu.memref_squeeze %dma_wait3A_45 : memref<1x1x32x512xf32, #tpu.memory_space<hbm>> -> memref<32x512xf32, #tpu.memory_space<hbm>>
    %dma_wait3A_47 = tpu.memref_slice %arg9[%dma_wait3A] : memref<2x!tpu.dma_semaphore, #tpu.memory_space<semaphore_mem>> -> memref<1x!tpu.dma_semaphore, #tpu.memory_space<semaphore_mem>>
    %dma_wait3A_48 = tpu.memref_squeeze %dma_wait3A_47 : memref<1x!tpu.dma_semaphore, #tpu.memory_space<semaphore_mem>> -> memref<!tpu.dma_semaphore, #tpu.memory_space<semaphore_mem>>
    %dma_wait3A_49 = arith.constant 0 : i32
    %dma_wait3A_50 = arith.constant 0 : i32
    %dma_wait3A_51 = tpu.memref_slice %arg4[%select_n3A, %select_n3A_30, %dma_wait3A_49, %dma_wait3A_50] : memref<8x64x64x512xf32, #tpu.memory_space<hbm>> -> memref<1x1x32x512xf32, #tpu.memory_space<hbm>>
    %dma_wait3A_52 = tpu.memref_squeeze %dma_wait3A_51 : memref<1x1x32x512xf32, #tpu.memory_space<hbm>> -> memref<32x512xf32, #tpu.memory_space<hbm>>
    tpu.wait_dma2 semaphore(%dma_wait3A_48 : memref<!tpu.dma_semaphore, #tpu.memory_space<semaphore_mem>>) src(%arg7 : memref<32x512xf32, #tpu.memory_space<vmem>>) dst(%dma_wait3A_52 : memref<32x512xf32, #tpu.memory_space<hbm>>)
    %dma_wait3A_53 = arith.constant 1 : i32
    %dma_wait3A_54 = arith.constant 32 : i32
    %dma_wait3A_55 = arith.constant 0 : i32
    %dma_wait3A_56 = tpu.memref_slice %arg4[%select_n3A, %select_n3A_30, %dma_wait3A_54, %dma_wait3A_55] : memref<8x64x64x512xf32, #tpu.memory_space<hbm>> -> memref<1x1x32x512xf32, #tpu.memory_space<hbm>>
    %dma_wait3A_57 = tpu.memref_squeeze %dma_wait3A_56 : memref<1x1x32x512xf32, #tpu.memory_space<hbm>> -> memref<32x512xf32, #tpu.memory_space<hbm>>
    %dma_wait3A_58 = tpu.memref_slice %arg9[%dma_wait3A_53] : memref<2x!tpu.dma_semaphore, #tpu.memory_space<semaphore_mem>> -> memref<1x!tpu.dma_semaphore, #tpu.memory_space<semaphore_mem>>
    %dma_wait3A_59 = tpu.memref_squeeze %dma_wait3A_58 : memref<1x!tpu.dma_semaphore, #tpu.memory_space<semaphore_mem>> -> memref<!tpu.dma_semaphore, #tpu.memory_space<semaphore_mem>>
    %dma_wait3A_60 = arith.constant 32 : i32
    %dma_wait3A_61 = arith.constant 0 : i32
    %dma_wait3A_62 = tpu.memref_slice %arg4[%select_n3A, %select_n3A_30, %dma_wait3A_60, %dma_wait3A_61] : memref<8x64x64x512xf32, #tpu.memory_space<hbm>> -> memref<1x1x32x512xf32, #tpu.memory_space<hbm>>
    %dma_wait3A_63 = tpu.memref_squeeze %dma_wait3A_62 : memref<1x1x32x512xf32, #tpu.memory_space<hbm>> -> memref<32x512xf32, #tpu.memory_space<hbm>>
    tpu.wait_dma2 semaphore(%dma_wait3A_59 : memref<!tpu.dma_semaphore, #tpu.memory_space<semaphore_mem>>) src(%arg8 : memref<32x512xf32, #tpu.memory_space<vmem>>) dst(%dma_wait3A_63 : memref<32x512xf32, #tpu.memory_space<hbm>>)
    return
  }
}

module attributes {stable_mosaic.version = 14 : i64} {
  func.func @_tc_boundary_body(%arg0: i32, %arg1: i32, %arg2: memref<1x64x512xf32, #tpu.memory_space<vmem>>, %arg3: memref<1x16x512xf32, #tpu.memory_space<vmem>>, %arg4: memref<16x64xf32, #tpu.memory_space<vmem>>, %arg5: memref<1x16x64x512xf32, #tpu.memory_space<vmem>>) attributes {dimension_semantics = [#tpu.dimension_semantics<arbitrary>, #tpu.dimension_semantics<arbitrary>], iteration_bounds = array<i64: 8, 4>, scalar_prefetch = 0 : i64, scratch_operands = 0 : i64, tpu.core_type = #tpu.core_type<tc>, window_params = [{transform_indices = @transform_0, window_bounds = array<i64: 1, 64, 512>}, {transform_indices = @transform_1, window_bounds = array<i64: 1, 16, 512>}, {transform_indices = @transform_2, window_bounds = array<i64: 16, 64>}, {transform_indices = @transform_3, window_bounds = array<i64: 1, 16, 64, 512>}]} {
    %get3A = arith.constant 0 : index
    %get3A_0 = arith.constant 0 : index
    %get3A_1 = vector.load %arg4[%get3A, %get3A_0] : memref<16x64xf32, #tpu.memory_space<vmem>>, vector<16x64xf32>
    %broadcast_in_dim3A = vector.shape_cast %get3A_1 : vector<16x64xf32> to vector<16x64x1xf32>
    %get3A_2 = arith.constant 0 : index
    %get3A_3 = arith.constant 0 : index
    %get3A_4 = arith.constant 0 : index
    %get3A_5 = vector.load %arg3[%get3A_2, %get3A_3, %get3A_4] : memref<1x16x512xf32, #tpu.memory_space<vmem>>, vector<1x16x512xf32>
    %get3A_6 = vector.shape_cast %get3A_5 : vector<1x16x512xf32> to vector<16x512xf32>
    %broadcast_in_dim3A_7 = vector.shape_cast %get3A_6 : vector<16x512xf32> to vector<16x1x512xf32>
    %get3A_8 = arith.constant 0 : index
    %get3A_9 = arith.constant 0 : index
    %get3A_10 = arith.constant 0 : index
    %get3A_11 = vector.load %arg2[%get3A_8, %get3A_9, %get3A_10] : memref<1x64x512xf32, #tpu.memory_space<vmem>>, vector<1x64x512xf32>
    %get3A_12 = vector.shape_cast %get3A_11 : vector<1x64x512xf32> to vector<64x512xf32>
    %broadcast_in_dim3A_13 = vector.shape_cast %get3A_12 : vector<64x512xf32> to vector<1x64x512xf32>
    %add3A = vector.broadcast %broadcast_in_dim3A_7 : vector<16x1x512xf32> to vector<16x64x512xf32>
    %add3A_14 = vector.broadcast %broadcast_in_dim3A_13 : vector<1x64x512xf32> to vector<16x64x512xf32>
    %add3A_15 = arith.addf %add3A, %add3A_14 : vector<16x64x512xf32>
    %mul3A = vector.broadcast %broadcast_in_dim3A : vector<16x64x1xf32> to vector<16x64x512xf32>
    %mul3A_16 = arith.mulf %add3A_15, %mul3A : vector<16x64x512xf32>
    %swap3A = arith.constant 0 : index
    %swap3A_17 = arith.constant 0 : index
    %swap3A_18 = arith.constant 0 : index
    %swap3A_19 = arith.constant 0 : index
    %swap3A_20 = vector.load %arg5[%swap3A, %swap3A_17, %swap3A_18, %swap3A_19] : memref<1x16x64x512xf32, #tpu.memory_space<vmem>>, vector<1x16x64x512xf32>
    %swap3A_21 = vector.shape_cast %swap3A_20 : vector<1x16x64x512xf32> to vector<16x64x512xf32>
    %swap3A_22 = vector.shape_cast %mul3A_16 : vector<16x64x512xf32> to vector<1x16x64x512xf32>
    tpu.vector_store %arg5[%swap3A, %swap3A_17, %swap3A_18, %swap3A_19], %swap3A_22 {strides = array<i32>} : memref<1x16x64x512xf32, #tpu.memory_space<vmem>>, vector<1x16x64x512xf32>,
    return
  }
  func.func @transform_0(%arg0: i32, %arg1: i32) -> (i32, i32, i32) {
    %c0_i32 = arith.constant 0 : i32
    %c0_i32_0 = arith.constant 0 : i32
    %c0_i32_1 = arith.constant 0 : i32
    return %arg0, %c0_i32, %c0_i32_0 : i32, i32, i32
  }
  func.func @transform_1(%arg0: i32, %arg1: i32) -> (i32, i32, i32) {
    %c0_i32 = arith.constant 0 : i32
    %c0_i32_0 = arith.constant 0 : i32
    return %arg0, %arg1, %c0_i32 : i32, i32, i32
  }
  func.func @transform_2(%arg0: i32, %arg1: i32) -> (i32, i32) {
    %c0_i32 = arith.constant 0 : i32
    %c0_i32_0 = arith.constant 0 : i32
    return %arg1, %c0_i32 : i32, i32
  }
  func.func @transform_3(%arg0: i32, %arg1: i32) -> (i32, i32, i32, i32) {
    %c0_i32 = arith.constant 0 : i32
    %c0_i32_0 = arith.constant 0 : i32
    %c0_i32_1 = arith.constant 0 : i32
    return %arg0, %arg1, %c0_i32, %c0_i32_0 : i32, i32, i32, i32
  }
}

</mosaic_0001>

<sc_bundles>
// kernel: kernel.4.cloned.1.call-start
scs
__scs_entry_jumppad:
0x0: {  	(pc) =	sbr.rel $0x88, $3  }
0x1: {  	(tag) =	ssettag $0x0;
	lr =	simm.s32 $0x1  }
0x2: {  	[smem:$0x3FA0] =	sst lr;
	_ =	strace $0xD0000000  }
0x3: {  	_ = 	snop  }
0x4: {  	_ = 	snop  }
0x5: {  	_ = 	snop  }
0x6: {  	_ = 	snop  }
0x7: {  	_ = 	snop  }
__scs_overlays_trampoline_lowered:
0x8: {  	[smem:$0x3FAF] =	sst s0  }
0x9: {  	[smem:$0x3FB0] =	sst s1  }
0xa: {  	[smem:$0x3FB1] =	sst s2  }
0xb: {  	[smem:$0x3FB2] =	sst s3  }
0xc: {  	[smem:$0x3FB3] =	sst s4  }
0xd: {  	[smem:$0x3FB4] =	sst s5  }
0xe: {  	[smem:$0x3FB5] =	sst s6  }
0xf: {  	[smem:$0x3FB6] =	sst s7  }
0x10: {  	[smem:$0x3FB7] =	sst s8  }
0x11: {  	[smem:$0x3FB8] =	sst s9;
	s0 =	simm.s32 @!p0 $0x0  }
0x12: {  	s1 =	sld [smem:$0x3F9E];
	s0 =	simm.s32 @p0 $0x1  }
0x13: {  	[smem:$0x3FB9] =	sst s0;
	s0 =	simm.s32 @!p1 $0x0  }
0x14: {  	s2 =	sld [smem:$0x3F9D];
	s0 =	simm.s32 @p1 $0x1  }
0x15: {  	[smem:$0x3FBA] =	sst s0;
	s0 =	simm.s32 @!p2 $0x0  }
0x16: {  	s3 =	sld [smem:$0x3FDB];
	s0 =	simm.s32 @p2 $0x1  }
0x17: {  	s4 =	simm.s32 $0x1BF5;
	[smem:$0x3FBC] =	sst s0  }
0x18: {  	s0 =	sld [smem:$0x3F9F];
	_ =	swait.ge [sflag:s4], $0x0  }
0x19: {  	s7 =	sld [smem:$0x3FA0]  }
0x1a: {  	s8 =	sadd.s32 $0xFFFFE003, lr  }
0x1b: {  	s9 =	sadd.s32 $0xFFFFFEF7, lr;
	s5 =	simm.s32 $0xFFFFFFFF;
	p2 =	slt.u32 s8, $0xFFFFF086  }
0x1c: {  	p1 =	slt.u32 s9, $0xF7A;
	s5 =	simm.s32 @!p2 $0x0  }
0x1d: {  	s5 =	simm.s32 @p1 $0x1;
	p0 =	seq.s32 s7, s2  }
0x1e: {  	s7 =	smul.u32 @!p0 $0xF7A, s2;
	p2 =	seq.s32 @!p0 s5, $0x0  }
0x1f: {  	s9 =	smul.u32 $0xF7A, s1;
	s8 =	simm.s32 @!p0 $0x1BF5;
	p2 =	por !p2, p0  }
0x20: {  	[sflag:s8] =	ssyncset.s32 @!p0 $0xFFFFF086;
	s6 =	sadd.s32 @!p0 s3, s7;
	s7 =	simm.s32 @!p0 $0x108  }
0x21: {  	s3 =	sadd.s32 s3, s9;
	s6 =	sadd.s32 @!p0 $0x88, s6;
	s7 =	simm.s32 @p2 $0x1082  }
0x22: {  	[simem:s7], [sflag:s8] =	dma.local @!p0 [hbm:s6], $0xF7A  }
0x23: {  	s9 =	sor.u32 $0xD0000000, s2;
	s6 =	simm.s32 $0x108;
	_ =	swait.ge @!p0 [sflag:s8], $0x0  }
0x24: {  	s3 =	sadd.s32 $0x88, s3;
	s6 =	simm.s32 @!p1 $0x1082;
	[sflag:s4] =	ssyncset.s32 $0xFFFFF086  }
0x25: {  	[simem:s6], [sflag:s4] =	dma.local [hbm:s3], $0xF7A  }
0x26: {  	[smem:$0x3FA0] =	sst s1;
	(tag) =	ssettag s2;
	_ =	strace s9  }
0x27: {  	s1 =	sld [smem:$0x3FB0]  }
0x28: {  	s2 =	sld [smem:$0x3FB1]  }
0x29: {  	s4 =	sld [smem:$0x3FB3]  }
0x2a: {  	p0 =	seq.s32 s5, $0x0;
	s5 =	sld [smem:$0x3FB4]  }
0x2b: {  	s6 =	sld [smem:$0x3FB5]  }
0x2c: {  	s7 =	sld [smem:$0x3FB6]  }
0x2d: {  	s3 =	simm.s32 $0x108;
	s8 =	sld [smem:$0x3FB7]  }
0x2e: {  	s3 =	simm.s32 @!p0 $0x1082;
	s9 =	sld [smem:$0x3FB8]  }
0x2f: {  	lr =	sadd.s32 s0, s3;
	s0 =	sld [smem:$0x3FAF]  }
0x30: {  	s3 =	sld [smem:$0x3FB2]  }
0x31: {  	[smem:$0x3FBB] =	sst s10  }
0x32: {  	s10 =	sld [smem:$0x3FB9];
	_ =	sdelay $0x3  }
0x33: {  	p0 =	seq.s32 s10, $0x1;
	s10 =	sld [smem:$0x3FBB];
	_ =	sdelay $0x3  }
0x34: {  	[smem:$0x3FBB] =	sst s10  }
0x35: {  	s10 =	sld [smem:$0x3FBA];
	_ =	sdelay $0x3  }
0x36: {  	p1 =	seq.s32 s10, $0x1;
	s10 =	sld [smem:$0x3FBB];
	_ =	sdelay $0x3  }
0x37: {  	[smem:$0x3FBB] =	sst s10  }
0x38: {  	s10 =	sld [smem:$0x3FBC]  }
0x39: {  	_ = 	snop;
	(pc) =	sbr.ind lr, $3  }
0x3a: {  	_ = 	snop  }
0x3b: {  	_ = 	snop  }
0x3c: {  	p2 =	seq.s32 s10, $0x1;
	s10 =	sld [smem:$0x3FBB]  }
0x3d: {  	_ =	shalt  }
0x3e: {  	_ =	shalt  }
0x3f: {  	_ =	shalt  }
0x40: {  	_ =	shalt  }
0x41: {  	_ =	shalt  }
0x42: {  	_ =	shalt  }
0x43: {  	_ =	shalt  }
0x44: {  	_ =	shalt  }
0x45: {  	_ =	shalt  }
0x46: {  	_ =	shalt  }
0x47: {  	_ =	shalt  }
0x48: {  	_ =	shalt  }
0x49: {  	_ =	shalt  }
0x4a: {  	_ =	shalt  }
0x4b: {  	_ =	shalt  }
0x4c: {  	_ =	shalt  }
0x4d: {  	_ =	shalt  }
0x4e: {  	_ =	shalt  }
0x4f: {  	_ =	shalt  }
0x50: {  	_ =	shalt  }
0x51: {  	_ =	shalt  }
0x52: {  	_ =	shalt  }
0x53: {  	_ =	shalt  }
0x54: {  	_ =	shalt  }
0x55: {  	_ =	shalt  }
0x56: {  	_ =	shalt  }
0x57: {  	_ =	shalt  }
0x58: {  	_ =	shalt  }
0x59: {  	_ =	shalt  }
0x5a: {  	_ =	shalt  }
0x5b: {  	_ =	shalt  }
0x5c: {  	_ =	shalt  }
0x5d: {  	_ =	shalt  }
0x5e: {  	_ =	shalt  }
0x5f: {  	_ =	shalt  }
0x60: {  	_ =	shalt  }
0x61: {  	_ =	shalt  }
0x62: {  	_ =	shalt  }
0x63: {  	_ =	shalt  }
0x64: {  	_ =	shalt  }
0x65: {  	_ =	shalt  }
0x66: {  	_ =	shalt  }
0x67: {  	_ =	shalt  }
0x68: {  	_ =	shalt  }
0x69: {  	_ =	shalt  }
0x6a: {  	_ =	shalt  }
0x6b: {  	_ =	shalt  }
0x6c: {  	_ =	shalt  }
0x6d: {  	_ =	shalt  }
0x6e: {  	_ =	shalt  }
0x6f: {  	_ =	shalt  }
0x70: {  	_ =	shalt  }
0x71: {  	_ =	shalt  }
0x72: {  	_ =	shalt  }
0x73: {  	_ =	shalt  }
0x74: {  	_ =	shalt  }
0x75: {  	_ =	shalt  }
0x76: {  	_ =	shalt  }
0x77: {  	_ =	shalt  }
0x78: {  	_ =	shalt  }
0x79: {  	_ =	shalt  }
0x7a: {  	_ =	shalt  }
0x7b: {  	_ =	shalt  }
0x7c: {  	_ =	shalt  }
0x7d: {  	_ =	shalt  }
0x7e: {  	_ =	shalt  }
0x7f: {  	_ =	shalt  }
0x80: {  	_ =	shalt  }
0x81: {  	_ =	shalt  }
0x82: {  	_ =	shalt  }
0x83: {  	_ =	shalt  }
0x84: {  	_ =	shalt  }
0x85: {  	_ =	shalt  }
0x86: {  	_ =	shalt  }
0x87: {  	_ =	shalt  }
.Lfunc_end0:
.L_simem_size_0:
called_computation_lowered:
.L_overlay_start_0:
0x88: {  	s2 =	sld [smem:$0x3FD9]  }
0x89: {  	s3 =	sld [smem:$0x3FFE];
	_ =	sdelay $0x1  }
0x8a: {  	s1 =	srdreg.scid  }
0x8b: {  	s0 =	sand.u32 $0x1, s1  }
0x8c: {  	s15 =	sshll.u32 s0, $0xA;
	s2 =	sadd.s32 s3, s2  }
0x8d: {  	s2 =	sadd.s32 s2, s15  }
0x8e: {  	[smem:$0x3FC7] =	sst s2  }
0x8f: {  	_ = 	snop  }
0x90: {  	s2 =	sld [smem:$0x3FD0];
	_ =	sdelay $0x2  }
0x91: {  	s4 =	simm.s32 $0xA;
	s5 =	simm.s32 $0x10;
	s16 =	sld [smem:$0x3FC9]  }
0x92: {  	[smem:s5], [sflag:s4] =	dma.local [hbm:s2], $0x1  }
0x93: {  	_ =	swait.eq [sflag:s4], $0x1  }
0x94: {  	[sflag:s4] =	ssyncset.done $0x0  }
0x95: {  	s17 =	sld [smem:$0x11];
	[sflag:s4] =	ssyncadd.s32 $0xFFFFFFFF  }
0x96: {  	s18 =	sld [smem:$0x12];
	(tm) =	ssettm $0x1  }
0x97: {  	s19 =	sld [smem:$0x3FFB];
	_ =	sdelay $0x3  }
0x98: {  	_ =	strace s19  }
0x99: {  	s5 =	sld [smem:$0x3FFC];
	_ =	sdelay $0x3  }
0x9a: {  	_ =	strace s5  }
0x9b: {  	s5 =	sld [smem:$0x3FFD];
	_ =	sdelay $0x3  }
0x9c: {  	_ =	strace s5  }
0x9d: {  	_ =	strace $0x8FFFFFFF  }
0x9e: {  	s20 =	sld [smem:$0x3FDB];
	_ =	sdelay $0x1  }
0x9f: {  	s6 =	simm.s32 $_scs_section_size  }
0xa0: {  	s7 =	simm.s32 $_size__tile_overlayer_lowered;
	s8 =	simm.s32 $_tile_overlayer_lowered  }
0xa1: {  	s23 =	simm.s32 $0x1BFF;
	s22 =	sshll.u32 s8, $0x1;
	s5 =	sadd.s32 s6, s20  }
0xa2: {  	s9 =	simm.s32 $0x0;
	s21 =	sshll.u32 s7, $0x1;
	s7 =	sadd.s32 s22, s5  }
0xa3: {  	[timem:s9], [sflag:s23] =	dma.local [hbm:s7], s21  }
0xa4: {  	_ =	swait.ge [sflag:s23], s21  }
0xa5: {  	s6 =	ssub.s32 $0x0, s21;
	[sflag:s23] =	ssyncset.done $0x0  }
0xa6: {  	[sflag:s23] =	ssyncadd.s32 s6;
	_ =	sdelay $0x1  }
0xa7: {  	s24 =	simm.s32 $0x1B8B  }
0xa8: {  	_ =	swait.ge [sflag:s24], $0x1  }
0xa9: {  	[sflag:s24] =	ssyncset.done $0x0  }
0xaa: {  	s25 =	simm.s32 $0x1B8E;
	[sflag:s24] =	ssyncadd.s32 $0xFFFFFFFF  }
0xab: {  	s26 =	simm.s32 $execute0_lowered;
	[smem:$0x3FD2] =	sst s25  }
0xac: {  	s6 =	sshll.u32 s26, $0x1;
	_ =	strace $0x80000046;
	[dreg:$0x1] =	wrdreg $0xFFFFFFFF  }
0xad: {  	s28 =	simm.s32 $_size_execute0_lowered;
	s5 =	sadd.s32 s5, s6;
	[dreg:$0x0] =	wrdreg $0x0  }
0xae: {  	s6 =	sshll.u32 s28, $0x1;
	[dreg:$0x2] =	wrdreg s5  }
0xaf: {  	[dreg:$0x3] =	wrdreg s6  }
0xb0: {  	[dreg:$0x4] =	wrdreg $0xC0  }
0xb1: {  	_ =	task [dreg:s9], $0x5FFFF  }
0xb2: {  	[dreg:$0x1] =	wrdreg $0xFFFFFFFF  }
0xb3: {  	[dreg:$0x0] =	wrdreg $0x60  }
0xb4: {  	[dreg:$0x2] =	wrdreg s16  }
0xb5: {  	[dreg:$0x3] =	wrdreg s18  }
0xb6: {  	[dreg:$0x4] =	wrdreg s17  }
0xb7: {  	[dreg:$0x5] =	wrdreg $0x9  }
0xb8: {  	_ =	task.clear_ibuf [dreg:s9], $0x6FFFF;
	_ =	strace $0x90000046  }
0xb9: {  	s29 =	simm.s32 $0x9;
	_ =	strace $0x80000048  }
0xba: {  	_ =	swait.ge [sflag:s29], $0x1  }
0xbb: {  	[sflag:s29] =	ssyncadd.s32 $0xFFFFFFFF  }
0xbc: {  	_ =	strace $0x90000048  }
0xbd: {  	_ =	sfence  }
0xbe: {  	s30 =	sld [smem:$0x0];
	_ =	sdelay $0x2  }
0xbf: {  	s31 =	sshll.u32 s1, $0xD;
	s1 =	sshrl.u32 s1, $0x2  }
0xc0: {  	s3 =	sand.u32 $0x4000, s31;
	s1 =	sadd.s32 s1, s30  }
0xc1: {  	s0 =	sor.u32 s3, s0;
	s1 =	sshll.u32 s1, $0x11  }
0xc2: {  	s0 =	sor.u32 s1, s0  }
0xc3: {  	s0 =	sadd.s32 $0x8F2B, s0  }
0xc4: {  	[sflag:s0] =	ssyncadd.remote.s32 $0x1  }
0xc5: {  	_ =	sfence.sel $0xFFFF  }
0xc6: {  	[dreg:$0x0] =	wrdreg $0xFFFFFFFF;
	(pc) =	sbr.abs _section_cstart, $3  }
0xc7: {  	[dreg:$0x1] =	wrdreg $0xFFFFFFFF  }
0xc8: {  	_ =	task.clear_ibuf [dreg:s9], $0x2FFFF;
	_ =	strace $0x9FFFFFFF  }
0xc9: {  	(tm) =	ssettm $0x7FFFFFFF  }
tec
execute0_lowered:
.L_overlay_start_1:
0x0: {  	(tag) =	ssettag $0x1  }
0x1: {  	s0 =	rddreg [dreg:$0x0]  }
0x2: {  	s2 =	rddreg [dreg:$0x2];
	s4 =	simm.s32 $0x0;
	s1 =	srdreg.scid  }
0x3: {  	s6 =	stileid.u32;
	s15 =	simm.s32 $0x3;
	s17 =	simm.s32 $0x9080  }
0x4: {  	s18 =	simm.s32 $0xD080;
	s19 =	simm.s32 $0x1;
	s20 =	simm.s32 $0x2  }
0x5: {  	s21 =	simm.s32 $0x0;
	[smem:$0x7FF] =	sst s4;
	s1 =	sand.u32 $0x1, s1  }
0x6: {  	s5 =	sshll.u32 s6, $0x1;
	s7 =	sshrl.u32 s6, $0x1;
	_ =	strace $0x80000047  }
0x7: {  	s3 =	ssub.s32 $0x2, s1;
	s8 =	sshll.u32 s7, $0xC;
	s1 =	sor.u32 s5, s1  }
0x8: {  	s7 =	sshll.u32 s7, $0x15;
	s28 =	sshrl.u32 s3, $0x1;
	s0 =	sadd.s32 s0, s8  }
.Ltmp0:
0x9: {  	s6 =	sor.u32 $0x3C, s1;
	s8 =	sadd.s32 $0x800, s2;
	(pc) =	sbr.rel .LBB2_1-.Ltmp0, $4  }
0xa: {  	s3 =	ssub.s32 s3, s28;
	[dreg:$0x4] =	wrdreg s0;
	s29 =	smul.u32 $0x104, s6  }
0xb: {  	s10 =	ssub.s32 $0x20, s6;
	s11 =	sshll.u32 s6, $0x7;
	s12 =	sshll.u32 s6, $0x9  }
0xc: {  	s31 =	sshll.u32 s6, $0x6;
	s30 =	smax.u32 s3, $0x1;
	s0 =	sshrl.u32 s29, $0x2  }
0xd: {  	v0 =	vimm.f32 $0.0e+00;
	s14 =	sor.u32 $0x8000, s31;
	[dreg:$0x5] =	wrdreg s30;
	s16 =	sor.u32 $0x8000, s0  }
.LBB2_14:
0xe: {  	_ =	swait.ge [sflag:s19], $0x4000  }
0xf: {  	[sflag:s19] =	ssyncset.done $0x0  }
0x10: {  	[sflag:s19] =	ssyncadd.s32 $0xFFFFC000  }
0x11: {  	_ =	swait.ge [sflag:s20], $0x4000  }
0x12: {  	s21 =	sadd.s32 $0x1, s21;
	s0 =	rddreg [dreg:$0x5]  }
0x13: {  	p0 =	sne.s32 s21, s0  }
.Ltmp1:
0x14: {  	_ = 	snop;
	(pc) =	sbr.rel @!p0 .LBB2_15-.Ltmp1, $3  }
0x15: {  	_ =	sdelay $0x1  }
0x16: {  	[sflag:s20] =	ssyncset.done $0x0  }
0x17: {  	[sflag:s20] =	ssyncadd.s32 $0xFFFFC000  }
.LBB2_1:
0x18: {  	s0 =	rddreg [dreg:$0x4]  }
0x19: {  	[tilespmem:s4], [sflag:$0x3] =	stream.linear.gather [hbm4b:s0+s4], $0x8000, $0x38;
	[tilespmem:$0x11080] =	vst v63  }
0x1a: {  	_ =	swait.ge [sflag:s15], $0x8000  }
0x1b: {  	[sflag:s15] =	ssyncset.done $0x0  }
0x1c: {  	[sflag:s15] =	ssyncadd.s32 $0xFFFF8000  }
0x1d: {  	s1 =	simm.s32 $0x8000;
	s29 =	rddreg [dreg:$0x1]  }
0x1e: {  	[tilespmem:s1], [sflag:$0x3] =	stream.linear.gather [hbm4b:s29+s4], $0x1080, $0x38;
	[tilespmem:$0x11080] =	vst v63  }
0x1f: {  	_ =	swait.ge [sflag:s15], $0x1080  }
0x20: {  	s30 =	sand.u32 $0x3000, s4;
	s31 =	sand.u32 $0x380, s4;
	[sflag:s15] =	ssyncset.done $0x0  }
0x21: {  	s0 =	sor.u32 s31, s30;
	[sflag:s15] =	ssyncadd.s32 $0xFFFFEF80  }
0x22: {  	[tilespmem:s0+$0xDCF0] =	vst v0  }
0x23: {  	[tilespmem:s0+$0x9080] =	vst v0  }
0x24: {  	[tilespmem:s0+$0x9090] =	vst v0  }
0x25: {  	[tilespmem:s0+$0x90A0] =	vst v0  }
0x26: {  	[tilespmem:s0+$0x90B0] =	vst v0  }
0x27: {  	[tilespmem:s0+$0x90C0] =	vst v0  }
0x28: {  	[tilespmem:s0+$0x90D0] =	vst v0  }
0x29: {  	[tilespmem:s0+$0x90E0] =	vst v0  }
0x2a: {  	[tilespmem:s0+$0x90F0] =	vst v0  }
0x2b: {  	[tilespmem:s0+$0x9480] =	vst v0  }
0x2c: {  	[tilespmem:s0+$0x9490] =	vst v0  }
0x2d: {  	[tilespmem:s0+$0x94A0] =	vst v0  }
0x2e: {  	[tilespmem:s0+$0x94B0] =	vst v0  }
0x2f: {  	[tilespmem:s0+$0x94C0] =	vst v0  }
0x30: {  	[tilespmem:s0+$0x94D0] =	vst v0  }
0x31: {  	[tilespmem:s0+$0x94E0] =	vst v0  }
0x32: {  	[tilespmem:s0+$0x94F0] =	vst v0  }
0x33: {  	[tilespmem:s0+$0x9880] =	vst v0  }
0x34: {  	[tilespmem:s0+$0x9890] =	vst v0  }
0x35: {  	[tilespmem:s0+$0x98A0] =	vst v0  }
0x36: {  	[tilespmem:s0+$0x98B0] =	vst v0  }
0x37: {  	[tilespmem:s0+$0x98C0] =	vst v0  }
0x38: {  	[tilespmem:s0+$0x98D0] =	vst v0  }
0x39: {  	[tilespmem:s0+$0x98E0] =	vst v0  }
0x3a: {  	[tilespmem:s0+$0x98F0] =	vst v0  }
0x3b: {  	[tilespmem:s0+$0x9C80] =	vst v0  }
0x3c: {  	[tilespmem:s0+$0x9C90] =	vst v0  }
0x3d: {  	[tilespmem:s0+$0x9CA0] =	vst v0  }
0x3e: {  	[tilespmem:s0+$0x9CB0] =	vst v0  }
0x3f: {  	[tilespmem:s0+$0x9CC0] =	vst v0  }
0x40: {  	[tilespmem:s0+$0x9CD0] =	vst v0  }
0x41: {  	[tilespmem:s0+$0x9CE0] =	vst v0  }
0x42: {  	[tilespmem:s0+$0x9CF0] =	vst v0  }
0x43: {  	[tilespmem:s0+$0xD080] =	vst v0  }
0x44: {  	[tilespmem:s0+$0xD090] =	vst v0  }
0x45: {  	[tilespmem:s0+$0xD0A0] =	vst v0  }
0x46: {  	[tilespmem:s0+$0xD0B0] =	vst v0  }
0x47: {  	[tilespmem:s0+$0xD0C0] =	vst v0  }
0x48: {  	[tilespmem:s0+$0xD0D0] =	vst v0  }
0x49: {  	[tilespmem:s0+$0xD0E0] =	vst v0  }
0x4a: {  	[tilespmem:s0+$0xD0F0] =	vst v0  }
0x4b: {  	[tilespmem:s0+$0xD480] =	vst v0  }
0x4c: {  	[tilespmem:s0+$0xD490] =	vst v0  }
0x4d: {  	[tilespmem:s0+$0xD4A0] =	vst v0  }
0x4e: {  	[tilespmem:s0+$0xD4B0] =	vst v0  }
0x4f: {  	[tilespmem:s0+$0xD4C0] =	vst v0  }
0x50: {  	[tilespmem:s0+$0xD4D0] =	vst v0  }
0x51: {  	[tilespmem:s0+$0xD4E0] =	vst v0  }
0x52: {  	[tilespmem:s0+$0xD4F0] =	vst v0  }
0x53: {  	[tilespmem:s0+$0xD880] =	vst v0  }
0x54: {  	[tilespmem:s0+$0xD890] =	vst v0  }
0x55: {  	[tilespmem:s0+$0xD8A0] =	vst v0  }
0x56: {  	[tilespmem:s0+$0xD8B0] =	vst v0  }
0x57: {  	[tilespmem:s0+$0xD8C0] =	vst v0  }
0x58: {  	[tilespmem:s0+$0xD8D0] =	vst v0  }
0x59: {  	[tilespmem:s0+$0xD8E0] =	vst v0  }
0x5a: {  	[tilespmem:s0+$0xD8F0] =	vst v0  }
0x5b: {  	[tilespmem:s0+$0xDC80] =	vst v0  }
0x5c: {  	[tilespmem:s0+$0xDC90] =	vst v0  }
0x5d: {  	[tilespmem:s0+$0xDCA0] =	vst v0  }
0x5e: {  	[tilespmem:s0+$0xDCB0] =	vst v0  }
0x5f: {  	s3 =	simm.s32 $0x200;
	s1 =	simm.s32 $0x80;
	[tilespmem:s0+$0xDCC0] =	vst v0  }
0x60: {  	s5 =	sand.u32 $0x3000, s3;
	s3 =	simm.s32 $0x400;
	s13 =	sand.u32 $0x380, s1;
	[tilespmem:s0+$0xDCD0] =	vst v0  }
.LBB2_2:
0x61: {  	p0 =	sne.s32 s3, $0x3E00;
	[tilespmem:s0+$0xDCE0] =	vst v0;
	s0 =	sor.u32 s13, s5  }
0x62: {  	[tilespmem:s0+$0xDCF0] =	vst v0  }
0x63: {  	[tilespmem:s0+$0x9080] =	vst v0  }
0x64: {  	[tilespmem:s0+$0x9090] =	vst v0  }
0x65: {  	[tilespmem:s0+$0x90A0] =	vst v0  }
0x66: {  	[tilespmem:s0+$0x90B0] =	vst v0  }
0x67: {  	[tilespmem:s0+$0x90C0] =	vst v0  }
0x68: {  	[tilespmem:s0+$0x90D0] =	vst v0  }
0x69: {  	[tilespmem:s0+$0x90E0] =	vst v0  }
0x6a: {  	[tilespmem:s0+$0x90F0] =	vst v0  }
0x6b: {  	[tilespmem:s0+$0x9480] =	vst v0  }
0x6c: {  	[tilespmem:s0+$0x9490] =	vst v0  }
0x6d: {  	[tilespmem:s0+$0x94A0] =	vst v0  }
0x6e: {  	[tilespmem:s0+$0x94B0] =	vst v0  }
0x6f: {  	[tilespmem:s0+$0x94C0] =	vst v0  }
0x70: {  	[tilespmem:s0+$0x94D0] =	vst v0  }
0x71: {  	[tilespmem:s0+$0x94E0] =	vst v0  }
0x72: {  	[tilespmem:s0+$0x94F0] =	vst v0  }
0x73: {  	[tilespmem:s0+$0x9880] =	vst v0  }
0x74: {  	[tilespmem:s0+$0x9890] =	vst v0  }
0x75: {  	[tilespmem:s0+$0x98A0] =	vst v0  }
0x76: {  	[tilespmem:s0+$0x98B0] =	vst v0  }
0x77: {  	[tilespmem:s0+$0x98C0] =	vst v0  }
0x78: {  	[tilespmem:s0+$0x98D0] =	vst v0  }
0x79: {  	[tilespmem:s0+$0x98E0] =	vst v0  }
0x7a: {  	[tilespmem:s0+$0x98F0] =	vst v0  }
0x7b: {  	[tilespmem:s0+$0x9C80] =	vst v0  }
0x7c: {  	[tilespmem:s0+$0x9C90] =	vst v0  }
0x7d: {  	[tilespmem:s0+$0x9CA0] =	vst v0  }
0x7e: {  	[tilespmem:s0+$0x9CB0] =	vst v0  }
0x7f: {  	[tilespmem:s0+$0x9CC0] =	vst v0  }
0x80: {  	[tilespmem:s0+$0x9CD0] =	vst v0  }
0x81: {  	[tilespmem:s0+$0x9CE0] =	vst v0  }
0x82: {  	[tilespmem:s0+$0x9CF0] =	vst v0  }
0x83: {  	[tilespmem:s0+$0xD080] =	vst v0  }
0x84: {  	[tilespmem:s0+$0xD090] =	vst v0  }
0x85: {  	[tilespmem:s0+$0xD0A0] =	vst v0  }
0x86: {  	[tilespmem:s0+$0xD0B0] =	vst v0  }
0x87: {  	[tilespmem:s0+$0xD0C0] =	vst v0  }
0x88: {  	[tilespmem:s0+$0xD0D0] =	vst v0  }
0x89: {  	[tilespmem:s0+$0xD0E0] =	vst v0  }
0x8a: {  	[tilespmem:s0+$0xD0F0] =	vst v0  }
0x8b: {  	[tilespmem:s0+$0xD480] =	vst v0  }
0x8c: {  	[tilespmem:s0+$0xD490] =	vst v0  }
0x8d: {  	[tilespmem:s0+$0xD4A0] =	vst v0  }
0x8e: {  	[tilespmem:s0+$0xD4B0] =	vst v0  }
0x8f: {  	[tilespmem:s0+$0xD4C0] =	vst v0  }
0x90: {  	[tilespmem:s0+$0xD4D0] =	vst v0  }
0x91: {  	[tilespmem:s0+$0xD4E0] =	vst v0  }
0x92: {  	[tilespmem:s0+$0xD4F0] =	vst v0  }
0x93: {  	[tilespmem:s0+$0xD880] =	vst v0  }
0x94: {  	[tilespmem:s0+$0xD890] =	vst v0  }
0x95: {  	[tilespmem:s0+$0xD8A0] =	vst v0  }
0x96: {  	[tilespmem:s0+$0xD8B0] =	vst v0  }
0x97: {  	[tilespmem:s0+$0xD8C0] =	vst v0  }
0x98: {  	[tilespmem:s0+$0xD8D0] =	vst v0  }
0x99: {  	[tilespmem:s0+$0xD8E0] =	vst v0  }
0x9a: {  	[tilespmem:s0+$0xD8F0] =	vst v0  }
0x9b: {  	[tilespmem:s0+$0xDC80] =	vst v0  }
.Ltmp2:
0x9c: {  	[tilespmem:s0+$0xDC90] =	vst v0;
	(pc) =	sbr.rel @p0 .LBB2_2-.Ltmp2, $4  }
0x9d: {  	[tilespmem:s0+$0xDCA0] =	vst v0  }
0x9e: {  	[tilespmem:s0+$0xDCB0] =	vst v0  }
0x9f: {  	s1 =	sadd.s32 $0x80, s1;
	[tilespmem:s0+$0xDCC0] =	vst v0  }
0xa0: {  	s5 =	sand.u32 $0x3000, s3;
	s3 =	sadd.s32 $0x200, s3;
	s13 =	sand.u32 $0x380, s1;
	[tilespmem:s0+$0xDCD0] =	vst v0  }
0xa1: {  	s1 =	sor.u32 s13, s5;
	[tilespmem:s0+$0xDCE0] =	vst v0  }
0xa2: {  	[tilespmem:s1+$0xDCF0] =	vst v0  }
0xa3: {  	[tilespmem:s1+$0x9080] =	vst v0  }
0xa4: {  	[tilespmem:s1+$0x9090] =	vst v0  }
0xa5: {  	[tilespmem:s1+$0x90A0] =	vst v0  }
0xa6: {  	[tilespmem:s1+$0x90B0] =	vst v0  }
0xa7: {  	[tilespmem:s1+$0x90C0] =	vst v0  }
0xa8: {  	[tilespmem:s1+$0x90D0] =	vst v0  }
0xa9: {  	[tilespmem:s1+$0x90E0] =	vst v0  }
0xaa: {  	[tilespmem:s1+$0x90F0] =	vst v0  }
0xab: {  	[tilespmem:s1+$0x9480] =	vst v0  }
0xac: {  	[tilespmem:s1+$0x9490] =	vst v0  }
0xad: {  	[tilespmem:s1+$0x94A0] =	vst v0  }
0xae: {  	[tilespmem:s1+$0x94B0] =	vst v0  }
0xaf: {  	[tilespmem:s1+$0x94C0] =	vst v0  }
0xb0: {  	[tilespmem:s1+$0x94D0] =	vst v0  }
0xb1: {  	[tilespmem:s1+$0x94E0] =	vst v0  }
0xb2: {  	[tilespmem:s1+$0x94F0] =	vst v0  }
0xb3: {  	[tilespmem:s1+$0x9880] =	vst v0  }
0xb4: {  	[tilespmem:s1+$0x9890] =	vst v0  }
0xb5: {  	[tilespmem:s1+$0x98A0] =	vst v0  }
0xb6: {  	[tilespmem:s1+$0x98B0] =	vst v0  }
0xb7: {  	[tilespmem:s1+$0x98C0] =	vst v0  }
0xb8: {  	[tilespmem:s1+$0x98D0] =	vst v0  }
0xb9: {  	[tilespmem:s1+$0x98E0] =	vst v0  }
0xba: {  	[tilespmem:s1+$0x98F0] =	vst v0  }
0xbb: {  	[tilespmem:s1+$0x9C80] =	vst v0  }
0xbc: {  	[tilespmem:s1+$0x9C90] =	vst v0  }
0xbd: {  	[tilespmem:s1+$0x9CA0] =	vst v0  }
0xbe: {  	[tilespmem:s1+$0x9CB0] =	vst v0  }
0xbf: {  	[tilespmem:s1+$0x9CC0] =	vst v0  }
0xc0: {  	[tilespmem:s1+$0x9CD0] =	vst v0  }
0xc1: {  	[tilespmem:s1+$0x9CE0] =	vst v0  }
0xc2: {  	[tilespmem:s1+$0x9CF0] =	vst v0  }
0xc3: {  	[tilespmem:s1+$0xD080] =	vst v0  }
0xc4: {  	[tilespmem:s1+$0xD090] =	vst v0  }
0xc5: {  	[tilespmem:s1+$0xD0A0] =	vst v0  }
0xc6: {  	[tilespmem:s1+$0xD0B0] =	vst v0  }
0xc7: {  	[tilespmem:s1+$0xD0C0] =	vst v0  }
0xc8: {  	[tilespmem:s1+$0xD0D0] =	vst v0  }
0xc9: {  	[tilespmem:s1+$0xD0E0] =	vst v0  }
0xca: {  	[tilespmem:s1+$0xD0F0] =	vst v0  }
0xcb: {  	[tilespmem:s1+$0xD480] =	vst v0  }
0xcc: {  	[tilespmem:s1+$0xD490] =	vst v0  }
0xcd: {  	[tilespmem:s1+$0xD4A0] =	vst v0  }
0xce: {  	[tilespmem:s1+$0xD4B0] =	vst v0  }
0xcf: {  	[tilespmem:s1+$0xD4C0] =	vst v0  }
0xd0: {  	[tilespmem:s1+$0xD4D0] =	vst v0  }
0xd1: {  	[tilespmem:s1+$0xD4E0] =	vst v0  }
0xd2: {  	[tilespmem:s1+$0xD4F0] =	vst v0  }
0xd3: {  	[tilespmem:s1+$0xD880] =	vst v0  }
0xd4: {  	[tilespmem:s1+$0xD890] =	vst v0  }
0xd5: {  	[tilespmem:s1+$0xD8A0] =	vst v0  }
0xd6: {  	[tilespmem:s1+$0xD8B0] =	vst v0  }
0xd7: {  	[tilespmem:s1+$0xD8C0] =	vst v0  }
0xd8: {  	[tilespmem:s1+$0xD8D0] =	vst v0  }
0xd9: {  	[tilespmem:s1+$0xD8E0] =	vst v0  }
0xda: {  	[tilespmem:s1+$0xD8F0] =	vst v0  }
0xdb: {  	[tilespmem:s1+$0xDC80] =	vst v0  }
0xdc: {  	[tilespmem:s1+$0xDC90] =	vst v0  }
0xdd: {  	[tilespmem:s1+$0xDCA0] =	vst v0  }
0xde: {  	[tilespmem:s1+$0xDCB0] =	vst v0  }
0xdf: {  	s22 =	simm.s32 $0x0;
	[tilespmem:s1+$0xDCC0] =	vst v0  }
0xe0: {  	s23 =	smov.u32 s14;
	s24 =	smov.u32 s6;
	s13 =	smov.u32 s16;
	[tilespmem:s1+$0xDCD0] =	vst v0  }
0xe1: {  	s26 =	smov.u32 s12;
	s28 =	smov.u32 s11;
	s29 =	smov.u32 s10;
	[tilespmem:s1+$0xDCE0] =	vst v0  }
.LBB2_4:
0xe2: {  	s0 =	sshll.u32 s22, $0x2;
	p0 =	seq.s32 s22, $0x0  }
0xe3: {  	s30 =	ssub.s32 s6, s0;
	s0 =	simm.s32 @!p0 $0x1  }
0xe4: {  	_ =	swait.ge @!p0 [sflag:s0], $0x4000;
	s1 =	sshll.u32 s30, $0x9;
	s3 =	sshll.u32 s30, $0x7  }
0xe5: {  	[sflag:s0] =	ssyncset.done @!p0 $0x0;
	s1 =	sand.u32 $0xFFFFF000, s1;
	s3 =	sand.u32 $0x380, s3  }
0xe6: {  	[sflag:s0] =	ssyncadd.s32 @!p0 $0xFFFFC000;
	s31 =	sor.u32 s3, s1  }
0xe7: {  	v32 =	vld [tilespmem:s31+$0x0]  }
0xe8: {  	v31 =	vld [tilespmem:s31+$0x10]  }
0xe9: {  	v30 =	vld [tilespmem:s31+$0x20]  }
0xea: {  	v28 =	vld [tilespmem:s31+$0x30]  }
0xeb: {  	v29 =	vld [tilespmem:s31+$0x40]  }
0xec: {  	v25 =	vld [tilespmem:s31+$0x50]  }
0xed: {  	v26 =	vld [tilespmem:s31+$0x60]  }
0xee: {  	v27 =	vld [tilespmem:s31+$0x70]  }
0xef: {  	v23 =	vld [tilespmem:s31+$0x400]  }
0xf0: {  	v24 =	vld [tilespmem:s31+$0x410]  }
0xf1: {  	v20 =	vld [tilespmem:s31+$0x420]  }
0xf2: {  	v21 =	vld [tilespmem:s31+$0x430]  }
0xf3: {  	v22 =	vld [tilespmem:s31+$0x440]  }
0xf4: {  	v18 =	vld [tilespmem:s31+$0x450]  }
0xf5: {  	v19 =	vld [tilespmem:s31+$0x460]  }
0xf6: {  	v15 =	vld [tilespmem:s31+$0x470]  }
0xf7: {  	v16 =	vld [tilespmem:s31+$0x800]  }
0xf8: {  	v17 =	vld [tilespmem:s31+$0x810]  }
0xf9: {  	v14 =	vld [tilespmem:s31+$0x820]  }
0xfa: {  	v13 =	vld [tilespmem:s31+$0x830]  }
0xfb: {  	v12 =	vld [tilespmem:s31+$0x840]  }
0xfc: {  	v11 =	vld [tilespmem:s31+$0x850]  }
0xfd: {  	v10 =	vld [tilespmem:s31+$0x860]  }
0xfe: {  	v9 =	vld [tilespmem:s31+$0x870]  }
0xff: {  	v8 =	vld [tilespmem:s31+$0xC00]  }
0x100: {  	v7 =	vld [tilespmem:s31+$0xC10]  }
0x101: {  	p1 =	sgt.u32 s30, $0x1F;
	v6 =	vld [tilespmem:s31+$0xC20]  }
.Ltmp3:
0x102: {  	v5 =	vld [tilespmem:s31+$0xC30];
	(pc) =	sbr.rel @p1 .LBB2_11-.Ltmp3, $4  }
0x103: {  	v4 =	vld [tilespmem:s31+$0xC40]  }
0x104: {  	v3 =	vld [tilespmem:s31+$0xC50]  }
0x105: {  	v2 =	vld [tilespmem:s31+$0xC60]  }
0x106: {  	v1 =	vld [tilespmem:s31+$0xC70]  }
0x107: {  	s0 =	sand.u32 $0xFFFFF000, s26;
	s1 =	sand.u32 $0x380, s28  }
0x108: {  	s31 =	sor.u32 s1, s0  }
0x109: {  	v48 =	vld [tilespmem:s31+$0x0]  }
0x10a: {  	v47 =	vld [tilespmem:s31+$0x10]  }
0x10b: {  	v46 =	vld [tilespmem:s31+$0x20]  }
0x10c: {  	v45 =	vld [tilespmem:s31+$0x30]  }
0x10d: {  	v44 =	vld [tilespmem:s31+$0x40]  }
0x10e: {  	v41 =	vld [tilespmem:s31+$0x50]  }
0x10f: {  	v38 =	vld [tilespmem:s31+$0x60]  }
0x110: {  	v34 =	vld [tilespmem:s31+$0x70]  }
0x111: {  	v33 =	vld [tilespmem:s31+$0x400]  }
0x112: {  	v35 =	vld [tilespmem:s31+$0x410]  }
0x113: {  	p2 =	sne.s32 s29, $0x1;
	v39 =	vld [tilespmem:s31+$0x420]  }
.Ltmp4:
0x114: {  	v36 =	vld [tilespmem:s31+$0x430];
	(pc) =	sbr.rel @!p2 .LBB2_6-.Ltmp4, $4  }
0x115: {  	v40 =	vld [tilespmem:s31+$0x440]  }
0x116: {  	v42 =	vld [tilespmem:s31+$0x450]  }
0x117: {  	v43 =	vld [tilespmem:s31+$0x460]  }
0x118: {  	s5 =	sadd.s32 $0xFFFFFFFF, s29;
	p1 =	por $0x0, $0x0;
	v37 =	vld [tilespmem:s31+$0x470]  }
0x119: {  	v49 =	vld.msk [tilespmem:s13+$0x0 ss:$0x0], $0xffff  }
0x11a: {  	v62 =	vld [tilespmem:s31+$0x870];
	_ =	sdelay $0x2  }
0x11b: {  	v32 =	vmax.f32 v32, v48  }
0x11c: {  	v31 =	vmax.f32 v31, v47;
	v48 =	vmul.f32 v32, v49  }
0x11d: {  	v30 =	vmax.f32 v30, v46;
	[tilespmem:$0x1FFE0] =	vst v62;
	v63 =	vmul.f32 v31, v49  }
0x11e: {  	v50 =	vld [tilespmem:s31+$0x800];
	v28 =	vmax.f32 v28, v45;
	v46 =	vmul.f32 v30, v49;
	[tilespmem:s31+$0x9080] =	vst v48  }
0x11f: {  	v51 =	vld [tilespmem:s31+$0x810];
	v29 =	vmax.f32 v29, v44;
	v45 =	vmul.f32 v28, v49;
	[tilespmem:s31+$0x9090] =	vst v63  }
0x120: {  	v52 =	vld [tilespmem:s31+$0x820];
	v25 =	vmax.f32 v25, v41;
	v44 =	vmul.f32 v29, v49;
	[tilespmem:s31+$0x90A0] =	vst v46  }
0x121: {  	v53 =	vld [tilespmem:s31+$0x830];
	v26 =	vmax.f32 v26, v38;
	v41 =	vmul.f32 v25, v49;
	[tilespmem:s31+$0x90B0] =	vst v45  }
0x122: {  	v54 =	vld [tilespmem:s31+$0x840];
	v27 =	vmax.f32 v27, v34;
	v38 =	vmul.f32 v26, v49;
	[tilespmem:s31+$0x90C0] =	vst v44  }
0x123: {  	v55 =	vld [tilespmem:s31+$0x850];
	v22 =	vmax.f32 v22, v40;
	v34 =	vmul.f32 v27, v49;
	[tilespmem:s31+$0x90D0] =	vst v41  }
0x124: {  	v56 =	vld [tilespmem:s31+$0x860];
	v19 =	vmax.f32 v19, v43;
	v47 =	vmul.f32 v22, v49;
	[tilespmem:s31+$0x90E0] =	vst v38  }
0x125: {  	v58 =	vld [tilespmem:s31+$0xC00];
	v23 =	vmax.f32 v23, v33;
	v21 =	vmax.f32 v21, v36;
	v36 =	vmul.f32 v19, v49;
	[tilespmem:s31+$0x90F0] =	vst v34  }
0x126: {  	v59 =	vld [tilespmem:s31+$0xC10];
	v24 =	vmax.f32 v24, v35;
	v41 =	vmul.f32 v23, v49;
	[tilespmem:s31+$0x94C0] =	vst v47  }
0x127: {  	v60 =	vld [tilespmem:s31+$0xC20];
	v20 =	vmax.f32 v20, v39;
	v44 =	vmul.f32 v24, v49;
	[tilespmem:s31+$0x94E0] =	vst v36  }
0x128: {  	v61 =	vld [tilespmem:s31+$0xC30];
	v45 =	vmul.f32 v20, v49;
	[tilespmem:s31+$0x9480] =	vst v41  }
0x129: {  	v18 =	vmax.f32 v18, v42;
	v38 =	vld [tilespmem:s31+$0xC60];
	v46 =	vmul.f32 v21, v49;
	[tilespmem:s31+$0x9490] =	vst v44  }
0x12a: {  	v57 =	vld [tilespmem:s31+$0xC70];
	s0 =	sadd.s32 $0x80, s28;
	s3 =	sadd.s32 $0x200, s26;
	v15 =	vmax.f32 v15, v37;
	v48 =	vmul.f32 v18, v49;
	[tilespmem:s31+$0x94A0] =	vst v45  }
0x12b: {  	s1 =	sand.u32 $0xFFFFF000, s3;
	s25 =	sand.u32 $0x380, s0;
	v62 =	vld [tilespmem:s31+$0xC40];
	v37 =	vmul.f32 v15, v49;
	[tilespmem:s31+$0x94B0] =	vst v46  }
0x12c: {  	s1 =	sor.u32 s25, s1;
	v13 =	vmax.f32 v13, v53;
	v53 =	vld [tilespmem:$0x1FFE0];
	[tilespmem:s31+$0x94D0] =	vst v48  }
0x12d: {  	v16 =	vmax.f32 v16, v50;
	v48 =	vld [tilespmem:s1+$0x0];
	[tilespmem:s31+$0x94F0] =	vst v37  }
0x12e: {  	v17 =	vmax.f32 v17, v51;
	v63 =	vld [tilespmem:s31+$0xC50];
	[tilespmem:$0x1FFF0] =	vst v38;
	v38 =	vmul.f32 v16, v49  }
0x12f: {  	v14 =	vmax.f32 v14, v52;
	v39 =	vmul.f32 v17, v49;
	v47 =	vld [tilespmem:s1+$0x10]  }
0x130: {  	v40 =	vmul.f32 v14, v49;
	v4 =	vmax.f32 v4, v62;
	v62 =	vld [tilespmem:$0x1FFF0];
	[tilespmem:s31+$0x9880] =	vst v38  }
0x131: {  	v12 =	vmax.f32 v12, v54;
	v41 =	vmul.f32 v13, v49;
	v46 =	vld [tilespmem:s1+$0x20];
	[tilespmem:s31+$0x9890] =	vst v39  }
0x132: {  	v11 =	vmax.f32 v11, v55;
	v50 =	vmul.f32 v12, v49;
	v45 =	vld [tilespmem:s1+$0x30];
	[tilespmem:s31+$0x98A0] =	vst v40  }
0x133: {  	v10 =	vmax.f32 v10, v56;
	v51 =	vmul.f32 v11, v49;
	v44 =	vld [tilespmem:s1+$0x40];
	[tilespmem:s31+$0x98B0] =	vst v41  }
0x134: {  	v52 =	vmul.f32 v10, v49;
	v9 =	vmax.f32 v9, v53;
	v41 =	vld [tilespmem:s1+$0x50];
	[tilespmem:s31+$0x98C0] =	vst v50  }
0x135: {  	v8 =	vmax.f32 v8, v58;
	v54 =	vmul.f32 v9, v49;
	v38 =	vld [tilespmem:s1+$0x60];
	[tilespmem:s31+$0x98D0] =	vst v51  }
0x136: {  	v7 =	vmax.f32 v7, v59;
	v55 =	vmul.f32 v8, v49;
	v34 =	vld [tilespmem:s1+$0x70];
	[tilespmem:s31+$0x98E0] =	vst v52  }
0x137: {  	v6 =	vmax.f32 v6, v60;
	v56 =	vmul.f32 v7, v49;
	v33 =	vld [tilespmem:s1+$0x400];
	[tilespmem:s31+$0x98F0] =	vst v54  }
0x138: {  	v5 =	vmax.f32 v5, v61;
	v58 =	vmul.f32 v6, v49;
	v35 =	vld [tilespmem:s1+$0x410];
	[tilespmem:s31+$0x9C80] =	vst v55  }
0x139: {  	p2 =	sne.s32 s5, $0x1;
	v59 =	vmul.f32 v5, v49;
	v39 =	vld [tilespmem:s1+$0x420];
	[tilespmem:s31+$0x9C90] =	vst v56  }
.Ltmp5:
0x13a: {  	v60 =	vmul.f32 v4, v49;
	v3 =	vmax.f32 v3, v63;
	v36 =	vld [tilespmem:s1+$0x430];
	[tilespmem:s31+$0x9CA0] =	vst v58;
	(pc) =	sbr.rel @!p2 .LBB2_8-.Ltmp5, $4  }
0x13b: {  	v61 =	vmul.f32 v3, v49;
	v2 =	vmax.f32 v2, v62;
	v40 =	vld [tilespmem:s1+$0x440];
	[tilespmem:s31+$0x9CB0] =	vst v59  }
0x13c: {  	v1 =	vmax.f32 v1, v57;
	v63 =	vmul.f32 v2, v49;
	v42 =	vld [tilespmem:s1+$0x450];
	[tilespmem:s31+$0x9CC0] =	vst v60  }
0x13d: {  	v49 =	vmul.f32 v1, v49;
	v43 =	vld [tilespmem:s1+$0x460];
	[tilespmem:s31+$0x9CD0] =	vst v61  }
0x13e: {  	s5 =	sadd.s32 $0xFFFFFFFF, s5;
	p1 =	por $0x1, $0x1;
	s25 =	smov.u32 s13;
	v37 =	vld [tilespmem:s1+$0x470];
	[tilespmem:s31+$0x9CE0] =	vst v63  }
.LBB2_9:
0x13f: {  	p2 =	sne.s32 s5, $0x1;
	v50 =	vld [tilespmem:s1+$0x800];
	[tilespmem:s31+$0x9CF0] =	vst v49;
	s25 =	sadd.s32 $0x1, s25;
	s31 =	smov.u32 s1  }
0x140: {  	v32 =	vmax.f32 v32, v48;
	v31 =	vmax.f32 v31, v47;
	v48 =	vld.msk [tilespmem:s25+$0x0 ss:$0x0], $0xffff  }
0x141: {  	v30 =	vmax.f32 v30, v46;
	v28 =	vmax.f32 v28, v45;
	v29 =	vmax.f32 v29, v44;
	v44 =	vld [tilespmem:s31+$0x810]  }
0x142: {  	v25 =	vmax.f32 v25, v41;
	v26 =	vmax.f32 v26, v38;
	v27 =	vmax.f32 v27, v34;
	v34 =	vld [tilespmem:s31+$0x820]  }
0x143: {  	v23 =	vmax.f32 v23, v33;
	v24 =	vmax.f32 v24, v35;
	v20 =	vmax.f32 v20, v39;
	v33 =	vld [tilespmem:s31+$0x830]  }
0x144: {  	v21 =	vmax.f32 v21, v36;
	v22 =	vmax.f32 v22, v40;
	v18 =	vmax.f32 v18, v42;
	v35 =	vld [tilespmem:s31+$0x840]  }
0x145: {  	v19 =	vmax.f32 v19, v43;
	v15 =	vmax.f32 v15, v37;
	v16 =	vmax.f32 v16, v50;
	v36 =	vld [tilespmem:s31+$0x850]  }
0x146: {  	v37 =	vmul.f32 v32, v48;
	v38 =	vmul.f32 v31, v48;
	v17 =	vmax.f32 v17, v44;
	v39 =	vld [tilespmem:s31+$0x860]  }
0x147: {  	v40 =	vmul.f32 v30, v48;
	v41 =	vmul.f32 v28, v48;
	v14 =	vmax.f32 v14, v34;
	v34 =	vld [tilespmem:s31+$0x870]  }
0x148: {  	v42 =	vmul.f32 v25, v48;
	[tilespmem:s31+$0x9080] =	vst v37;
	v37 =	vmul.f32 v29, v48;
	v13 =	vmax.f32 v13, v33;
	v33 =	vld [tilespmem:s31+$0xC00]  }
0x149: {  	v43 =	vmul.f32 v27, v48;
	[tilespmem:s31+$0x9090] =	vst v38;
	v38 =	vmul.f32 v26, v48;
	v12 =	vmax.f32 v12, v35;
	v35 =	vld [tilespmem:s31+$0xC10]  }
0x14a: {  	v44 =	vmul.f32 v24, v48;
	[tilespmem:s31+$0x90A0] =	vst v40;
	v40 =	vmul.f32 v23, v48;
	v11 =	vmax.f32 v11, v36;
	v36 =	vld [tilespmem:s31+$0xC20]  }
0x14b: {  	v45 =	vmul.f32 v21, v48;
	[tilespmem:s31+$0x90B0] =	vst v41;
	v41 =	vmul.f32 v20, v48;
	v10 =	vmax.f32 v10, v39;
	v39 =	vld [tilespmem:s31+$0xC30]  }
0x14c: {  	v46 =	vmul.f32 v18, v48;
	[tilespmem:s31+$0x90C0] =	vst v37;
	v37 =	vmul.f32 v22, v48;
	v9 =	vmax.f32 v9, v34;
	v34 =	vld [tilespmem:s31+$0xC40]  }
0x14d: {  	v47 =	vmul.f32 v15, v48;
	[tilespmem:s31+$0x90D0] =	vst v42;
	v42 =	vmul.f32 v19, v48;
	v8 =	vmax.f32 v8, v33;
	v33 =	vld [tilespmem:s31+$0xC50]  }
0x14e: {  	v50 =	vmul.f32 v17, v48;
	[tilespmem:s31+$0x90E0] =	vst v38;
	v38 =	vmul.f32 v16, v48;
	v7 =	vmax.f32 v7, v35;
	v35 =	vld [tilespmem:s31+$0xC60]  }
0x14f: {  	v51 =	vmul.f32 v13, v48;
	[tilespmem:s31+$0x90F0] =	vst v43;
	v43 =	vmul.f32 v14, v48;
	v6 =	vmax.f32 v6, v36;
	v36 =	vld [tilespmem:s31+$0xC70]  }
0x150: {  	v52 =	vmul.f32 v11, v48;
	[tilespmem:s31+$0x9480] =	vst v40;
	v40 =	vmul.f32 v12, v48;
	v5 =	vmax.f32 v5, v39  }
0x151: {  	v53 =	vmul.f32 v9, v48;
	v39 =	vmul.f32 v10, v48;
	[tilespmem:s31+$0x9490] =	vst v44;
	v4 =	vmax.f32 v4, v34  }
0x152: {  	v54 =	vmul.f32 v8, v48;
	v55 =	vmul.f32 v7, v48;
	[tilespmem:s31+$0x94A0] =	vst v41;
	v3 =	vmax.f32 v3, v33  }
0x153: {  	v56 =	vmul.f32 v6, v48;
	v57 =	vmul.f32 v5, v48;
	[tilespmem:s31+$0x94B0] =	vst v45;
	v2 =	vmax.f32 v2, v35  }
0x154: {  	s0 =	sadd.s32 $0x80, s0;
	s3 =	sadd.s32 $0x200, s3;
	v58 =	vmul.f32 v3, v48;
	[tilespmem:s31+$0x94C0] =	vst v37;
	v37 =	vmul.f32 v4, v48;
	v1 =	vmax.f32 v1, v36  }
0x155: {  	s1 =	sand.u32 $0xFFFFF000, s3;
	s9 =	sand.u32 $0x380, s0;
	v59 =	vmul.f32 v2, v48;
	[tilespmem:s31+$0x94D0] =	vst v46;
	v49 =	vmul.f32 v1, v48  }
0x156: {  	s1 =	sor.u32 s9, s1;
	[tilespmem:s31+$0x94E0] =	vst v42  }
0x157: {  	v48 =	vld [tilespmem:s1+$0x0];
	[tilespmem:s31+$0x94F0] =	vst v47  }
0x158: {  	v47 =	vld [tilespmem:s1+$0x10];
	[tilespmem:s31+$0x9880] =	vst v38  }
0x159: {  	v46 =	vld [tilespmem:s1+$0x20];
	[tilespmem:s31+$0x9890] =	vst v50  }
0x15a: {  	v45 =	vld [tilespmem:s1+$0x30];
	[tilespmem:s31+$0x98A0] =	vst v43  }
0x15b: {  	v44 =	vld [tilespmem:s1+$0x40];
	[tilespmem:s31+$0x98B0] =	vst v51  }
0x15c: {  	v41 =	vld [tilespmem:s1+$0x50];
	[tilespmem:s31+$0x98C0] =	vst v40  }
0x15d: {  	v38 =	vld [tilespmem:s1+$0x60];
	[tilespmem:s31+$0x98D0] =	vst v52  }
0x15e: {  	v34 =	vld [tilespmem:s1+$0x70];
	[tilespmem:s31+$0x98E0] =	vst v39  }
0x15f: {  	v33 =	vld [tilespmem:s1+$0x400];
	[tilespmem:s31+$0x98F0] =	vst v53  }
0x160: {  	v35 =	vld [tilespmem:s1+$0x410];
	[tilespmem:s31+$0x9C80] =	vst v54  }
0x161: {  	v39 =	vld [tilespmem:s1+$0x420];
	[tilespmem:s31+$0x9C90] =	vst v55  }
.Ltmp6:
0x162: {  	v36 =	vld [tilespmem:s1+$0x430];
	[tilespmem:s31+$0x9CA0] =	vst v56;
	(pc) =	sbr.rel @p2 .LBB2_9-.Ltmp6, $4  }
0x163: {  	v40 =	vld [tilespmem:s1+$0x440];
	[tilespmem:s31+$0x9CB0] =	vst v57  }
0x164: {  	v42 =	vld [tilespmem:s1+$0x450];
	[tilespmem:s31+$0x9CC0] =	vst v37  }
0x165: {  	v43 =	vld [tilespmem:s1+$0x460];
	[tilespmem:s31+$0x9CD0] =	vst v58  }
0x166: {  	s5 =	sadd.s32 $0xFFFFFFFF, s5;
	v37 =	vld [tilespmem:s1+$0x470];
	[tilespmem:s31+$0x9CE0] =	vst v59  }
.LBB2_10:
0x167: {  	s0 =	sadd.s32 @p1 $0x1, s25;
	s3 =	smov.u32 s13  }
0x168: {  	v50 =	vld [tilespmem:s1+$0x800];
	[tilespmem:s31+$0x9CF0] =	vst @p1 v49;
	s3 =	smov.u32 @p1 s0  }
0x169: {  	v49 =	vld.msk [tilespmem:s3+$0x0 ss:$0x0], $0xffff;
	_ =	sdelay $0x3  }
0x16a: {  	v32 =	vmax.f32 v32, v48  }
0x16b: {  	v31 =	vmax.f32 v31, v47;
	v55 =	vmul.f32 v32, v49  }
0x16c: {  	v30 =	vmax.f32 v30, v46;
	v58 =	vmul.f32 v31, v49  }
0x16d: {  	v28 =	vmax.f32 v28, v45;
	v59 =	vmul.f32 v30, v49;
	[tilespmem:s1+$0x9080] =	vst v55  }
0x16e: {  	v29 =	vmax.f32 v29, v44;
	v60 =	vmul.f32 v28, v49;
	[tilespmem:s1+$0x9090] =	vst v58  }
0x16f: {  	v25 =	vmax.f32 v25, v41;
	v61 =	vmul.f32 v29, v49;
	[tilespmem:s1+$0x90A0] =	vst v59  }
0x170: {  	v26 =	vmax.f32 v26, v38;
	v51 =	vld [tilespmem:s1+$0x810];
	v62 =	vmul.f32 v25, v49;
	[tilespmem:s1+$0x90B0] =	vst v60  }
0x171: {  	v27 =	vmax.f32 v27, v34;
	v52 =	vld [tilespmem:s1+$0x820];
	v63 =	vmul.f32 v26, v49;
	[tilespmem:s1+$0x90C0] =	vst v61  }
0x172: {  	v21 =	vmax.f32 v21, v36;
	v53 =	vld [tilespmem:s1+$0x830];
	v57 =	vmul.f32 v27, v49;
	[tilespmem:s1+$0x90D0] =	vst v62  }
0x173: {  	v54 =	vld [tilespmem:s1+$0x840];
	v15 =	vmax.f32 v15, v37;
	v36 =	vmul.f32 v21, v49;
	[tilespmem:s1+$0x90E0] =	vst v63  }
0x174: {  	v48 =	vld [tilespmem:s1+$0x850];
	v16 =	vmax.f32 v16, v50;
	v37 =	vmul.f32 v15, v49;
	[tilespmem:s1+$0x90F0] =	vst v57  }
0x175: {  	v56 =	vld [tilespmem:s1+$0x860];
	v22 =	vmax.f32 v22, v40;
	v17 =	vmax.f32 v17, v51;
	v40 =	vmul.f32 v16, v49;
	[tilespmem:s1+$0x94B0] =	vst v36  }
0x176: {  	v47 =	vld [tilespmem:s1+$0x870];
	v18 =	vmax.f32 v18, v42;
	v14 =	vmax.f32 v14, v52;
	v42 =	vmul.f32 v17, v49;
	[tilespmem:s1+$0x94F0] =	vst v37  }
0x177: {  	v46 =	vld [tilespmem:s1+$0xC00];
	v19 =	vmax.f32 v19, v43;
	v13 =	vmax.f32 v13, v53;
	v43 =	vmul.f32 v14, v49;
	[tilespmem:s1+$0x9880] =	vst v40  }
0x178: {  	v12 =	vmax.f32 v12, v54;
	v50 =	vmul.f32 v13, v49;
	[tilespmem:s1+$0x9890] =	vst v42  }
0x179: {  	v11 =	vmax.f32 v11, v48;
	v51 =	vmul.f32 v12, v49;
	[tilespmem:s1+$0x98A0] =	vst v43  }
0x17a: {  	v10 =	vmax.f32 v10, v56;
	v52 =	vmul.f32 v11, v49;
	[tilespmem:s1+$0x98B0] =	vst v50  }
0x17b: {  	v9 =	vmax.f32 v9, v47;
	v53 =	vmul.f32 v10, v49;
	[tilespmem:s1+$0x98C0] =	vst v51  }
0x17c: {  	v8 =	vmax.f32 v8, v46;
	v54 =	vmul.f32 v9, v49;
	[tilespmem:s1+$0x98D0] =	vst v52  }
0x17d: {  	v23 =	vmax.f32 v23, v33;
	v56 =	vmul.f32 v8, v49;
	[tilespmem:s1+$0x98E0] =	vst v53  }
0x17e: {  	v24 =	vmax.f32 v24, v35;
	v45 =	vld [tilespmem:s1+$0xC10];
	v58 =	vmul.f32 v23, v49;
	[tilespmem:s1+$0x98F0] =	vst v54  }
0x17f: {  	v20 =	vmax.f32 v20, v39;
	v44 =	vld [tilespmem:s1+$0xC20];
	v59 =	vmul.f32 v24, v49;
	[tilespmem:s1+$0x9C80] =	vst v56  }
0x180: {  	v41 =	vld [tilespmem:s1+$0xC30];
	v60 =	vmul.f32 v20, v49;
	[tilespmem:s1+$0x9480] =	vst v58  }
0x181: {  	v38 =	vld [tilespmem:s1+$0xC40];
	v61 =	vmul.f32 v22, v49;
	[tilespmem:s1+$0x9490] =	vst v59  }
0x182: {  	v34 =	vld [tilespmem:s1+$0xC50];
	v62 =	vmul.f32 v18, v49;
	[tilespmem:s1+$0x94A0] =	vst v60  }
0x183: {  	v33 =	vld [tilespmem:s1+$0xC60];
	v7 =	vmax.f32 v7, v45;
	v63 =	vmul.f32 v19, v49;
	[tilespmem:s1+$0x94C0] =	vst v61  }
0x184: {  	v6 =	vmax.f32 v6, v44;
	v55 =	vld [tilespmem:s1+$0xC70];
	v57 =	vmul.f32 v7, v49;
	[tilespmem:s1+$0x94D0] =	vst v62  }
0x185: {  	v5 =	vmax.f32 v5, v41;
	[tilespmem:s1+$0x94E0] =	vst v63;
	v58 =	vmul.f32 v6, v49  }
0x186: {  	v4 =	vmax.f32 v4, v38;
	v59 =	vmul.f32 v5, v49;
	[tilespmem:s1+$0x9C90] =	vst v57  }
0x187: {  	v3 =	vmax.f32 v3, v34;
	v60 =	vmul.f32 v4, v49;
	[tilespmem:s1+$0x9CA0] =	vst v58  }
0x188: {  	v2 =	vmax.f32 v2, v33;
	v61 =	vmul.f32 v3, v49;
	[tilespmem:s1+$0x9CB0] =	vst v59  }
0x189: {  	v62 =	vmul.f32 v2, v49;
	[tilespmem:s1+$0x9CC0] =	vst v60;
	v1 =	vmax.f32 v1, v55  }
0x18a: {  	[tilespmem:s1+$0x9CD0] =	vst v61;
	v63 =	vmul.f32 v1, v49  }
0x18b: {  	[tilespmem:s1+$0x9CE0] =	vst v62  }
0x18c: {  	[tilespmem:s1+$0x9CF0] =	vst v63  }
.LBB2_11:
0x18d: {  	s0 =	sshll.u32 s30, $0xF  }
0x18e: {  	s0 =	sadd.s32 s7, s0  }
0x18f: {  	s30 =	sshrl.u32 s0, $0x3  }
0x190: {  	p1 =	sgt.s32 s24, $0x20;
	s1 =	smov.u32 s24;
	s0 =	sadd.s32 s2, s30  }
0x191: {  	[hbm4b:s0+s4] =	stream.linear.scatter [tilespmem:s17], [sflag:$0x1], $0x4000, $0x38;
	[tilespmem:$0x11080] =	vst v63  }
0x192: {  	s1 =	simm.s32 @!p1 $0x20;
	s0 =	simm.s32 @!p0 $0x2  }
0x193: {  	s3 =	sshll.u32 s1, $0x7;
	s5 =	sshll.u32 s1, $0x9;
	_ =	swait.ge @!p0 [sflag:s0], $0x4000  }
0x194: {  	s9 =	sand.u32 $0x7000, s5;
	s25 =	sand.u32 $0x380, s3;
	[sflag:s0] =	ssyncset.done @!p0 $0x0  }
0x195: {  	s31 =	sor.u32 s25, s9;
	[sflag:s0] =	ssyncadd.s32 @!p0 $0xFFFFC000  }
0x196: {  	v34 =	vld [tilespmem:s31+$0x0]  }
0x197: {  	v35 =	vld [tilespmem:s31+$0x10]  }
0x198: {  	v36 =	vld [tilespmem:s31+$0x20]  }
0x199: {  	v37 =	vld [tilespmem:s31+$0x30]  }
0x19a: {  	v38 =	vld [tilespmem:s31+$0x40]  }
0x19b: {  	v39 =	vld [tilespmem:s31+$0x50]  }
0x19c: {  	v40 =	vld [tilespmem:s31+$0x60]  }
0x19d: {  	v41 =	vld [tilespmem:s31+$0x70]  }
0x19e: {  	v42 =	vld [tilespmem:s31+$0x400]  }
0x19f: {  	v43 =	vld [tilespmem:s31+$0x410]  }
0x1a0: {  	v44 =	vld [tilespmem:s31+$0x420]  }
0x1a1: {  	v45 =	vld [tilespmem:s31+$0x430]  }
0x1a2: {  	v46 =	vld [tilespmem:s31+$0x440]  }
0x1a3: {  	v47 =	vld [tilespmem:s31+$0x450]  }
0x1a4: {  	s25 =	sshll.u32 s1, $0x2;
	v48 =	vld [tilespmem:s31+$0x460]  }
0x1a5: {  	s0 =	sshra.s32 s25, $0x2;
	v49 =	vld [tilespmem:s31+$0x470]  }
0x1a6: {  	s0 =	sadd.s32 s0, s23;
	v50 =	vld [tilespmem:s31+$0x800]  }
0x1a7: {  	v33 =	vld.msk [tilespmem:s0+$0x0 ss:$0x0], $0xffff;
	v32 =	vmax.f32 v32, v34;
	v31 =	vmax.f32 v31, v35;
	v30 =	vmax.f32 v30, v36  }
0x1a8: {  	v51 =	vld [tilespmem:s31+$0x810];
	v28 =	vmax.f32 v28, v37;
	v29 =	vmax.f32 v29, v38;
	v25 =	vmax.f32 v25, v39  }
0x1a9: {  	v52 =	vld [tilespmem:s31+$0x820];
	v26 =	vmax.f32 v26, v40;
	v27 =	vmax.f32 v27, v41;
	v23 =	vmax.f32 v23, v42  }
0x1aa: {  	v53 =	vld [tilespmem:s31+$0x830];
	v24 =	vmax.f32 v24, v43;
	v20 =	vmax.f32 v20, v44;
	v21 =	vmax.f32 v21, v45  }
0x1ab: {  	v54 =	vld [tilespmem:s31+$0x840];
	v22 =	vmax.f32 v22, v46;
	v18 =	vmax.f32 v18, v47;
	v19 =	vmax.f32 v19, v48  }
0x1ac: {  	v61 =	vld [tilespmem:s31+$0x850];
	v15 =	vmax.f32 v15, v49;
	v55 =	vmul.f32 v32, v33;
	v62 =	vmul.f32 v31, v33  }
0x1ad: {  	v57 =	vld [tilespmem:s31+$0xC00];
	v16 =	vmax.f32 v16, v50;
	v36 =	vmul.f32 v30, v33;
	v37 =	vmul.f32 v28, v33  }
0x1ae: {  	v63 =	vld [tilespmem:s31+$0xC20];
	v14 =	vmax.f32 v14, v52;
	v48 =	vmul.f32 v29, v33;
	v52 =	vmul.f32 v25, v33  }
0x1af: {  	v60 =	vld [tilespmem:s31+$0xC50];
	v13 =	vmax.f32 v13, v53;
	v53 =	vmul.f32 v26, v33;
	v42 =	vmul.f32 v23, v33;
	[tilespmem:s31+$0x9080] =	vst v55  }
0x1b0: {  	v56 =	vld [tilespmem:s31+$0x860];
	v17 =	vmax.f32 v17, v51;
	v44 =	vmul.f32 v24, v33;
	v58 =	vmul.f32 v20, v33;
	[tilespmem:s31+$0x9090] =	vst v62  }
0x1b1: {  	v35 =	vld [tilespmem:s31+$0x870];
	v11 =	vmax.f32 v11, v61;
	v59 =	vmul.f32 v21, v33;
	v61 =	vmul.f32 v22, v33;
	[tilespmem:s31+$0x90A0] =	vst v36  }
0x1b2: {  	v39 =	vld [tilespmem:s31+$0xC10];
	v8 =	vmax.f32 v8, v57;
	v34 =	vmul.f32 v18, v33;
	v38 =	vmul.f32 v16, v33;
	[tilespmem:s31+$0x90B0] =	vst v37  }
0x1b3: {  	v43 =	vld [tilespmem:s31+$0xC30];
	v6 =	vmax.f32 v6, v63;
	v40 =	vmul.f32 v14, v33;
	v41 =	vmul.f32 v11, v33;
	[tilespmem:s31+$0x90C0] =	vst v48  }
0x1b4: {  	s1 =	sadd.s32 $0xFFFFFFFF, s1;
	v45 =	vld [tilespmem:s31+$0xC40];
	v3 =	vmax.f32 v3, v60;
	v47 =	vmul.f32 v8, v33;
	v49 =	vmul.f32 v6, v33;
	[tilespmem:s31+$0x90D0] =	vst v52  }
0x1b5: {  	s1 =	sadd.s32 $0x1, s1;
	v12 =	vmax.f32 v12, v54;
	v63 =	vld [tilespmem:s31+$0xC70];
	v46 =	vmul.f32 v3, v33;
	v55 =	vmul.f32 v27, v33;
	[tilespmem:s31+$0x90E0] =	vst v53  }
0x1b6: {  	p0 =	slt.u32 s1, $0x3F;
	v10 =	vmax.f32 v10, v56;
	v36 =	vmul.f32 v19, v33;
	v62 =	vld [tilespmem:s31+$0xC60];
	v37 =	vmul.f32 v17, v33;
	[tilespmem:s31+$0x9480] =	vst v42  }
.Ltmp7:
0x1b7: {  	v42 =	vmul.f32 v12, v33;
	[tilespmem:s31+$0x9490] =	vst v44;
	v44 =	vmul.f32 v10, v33;
	(pc) =	sbr.rel @!p0 .LBB2_13-.Ltmp7, $4  }
0x1b8: {  	[tilespmem:s31+$0x94A0] =	vst v58;
	v9 =	vmax.f32 v9, v35;
	v35 =	vmul.f32 v15, v33;
	v7 =	vmax.f32 v7, v39  }
0x1b9: {  	[tilespmem:s31+$0x94B0] =	vst v59;
	v39 =	vmul.f32 v13, v33;
	v5 =	vmax.f32 v5, v43;
	v4 =	vmax.f32 v4, v45  }
0x1ba: {  	[tilespmem:s31+$0x94C0] =	vst v61;
	v1 =	vmax.f32 v1, v63;
	v43 =	vmul.f32 v9, v33;
	v45 =	vmul.f32 v7, v33  }
0x1bb: {  	s3 =	sadd.s32 $0x80, s3;
	s5 =	sadd.s32 $0x200, s5;
	[tilespmem:s31+$0x90F0] =	vst v55;
	v48 =	vmul.f32 v5, v33;
	v50 =	vmul.f32 v4, v33;
	v2 =	vmax.f32 v2, v62  }
.LBB2_12:
0x1bc: {  	s9 =	sand.u32 $0x7000, s5;
	s25 =	sand.u32 $0x380, s3;
	[tilespmem:s31+$0x94D0] =	vst v34;
	v34 =	vmul.f32 v2, v33;
	v33 =	vmul.f32 v1, v33  }
0x1bd: {  	s9 =	sor.u32 s25, s9;
	[tilespmem:s31+$0x94E0] =	vst v36  }
0x1be: {  	v36 =	vld [tilespmem:s9+$0x0];
	[tilespmem:s31+$0x94F0] =	vst v35  }
0x1bf: {  	v35 =	vld [tilespmem:s9+$0x10];
	[tilespmem:s31+$0x9880] =	vst v38  }
0x1c0: {  	v38 =	vld [tilespmem:s9+$0x20];
	[tilespmem:s31+$0x9890] =	vst v37  }
0x1c1: {  	v37 =	vld [tilespmem:s9+$0x30];
	[tilespmem:s31+$0x98A0] =	vst v40  }
0x1c2: {  	v40 =	vld [tilespmem:s9+$0x40];
	[tilespmem:s31+$0x98B0] =	vst v39  }
0x1c3: {  	v39 =	vld [tilespmem:s9+$0x50];
	[tilespmem:s31+$0x98C0] =	vst v42  }
0x1c4: {  	v42 =	vld [tilespmem:s9+$0x60];
	[tilespmem:s31+$0x98D0] =	vst v41  }
0x1c5: {  	v41 =	vld [tilespmem:s9+$0x70];
	[tilespmem:s31+$0x98E0] =	vst v44  }
0x1c6: {  	v44 =	vld [tilespmem:s9+$0x400];
	[tilespmem:s31+$0x98F0] =	vst v43  }
0x1c7: {  	v43 =	vld [tilespmem:s9+$0x410];
	[tilespmem:s31+$0x9C80] =	vst v47  }
0x1c8: {  	v47 =	vld [tilespmem:s9+$0x420];
	[tilespmem:s31+$0x9C90] =	vst v45  }
0x1c9: {  	v45 =	vld [tilespmem:s9+$0x430];
	[tilespmem:s31+$0x9CA0] =	vst v49  }
0x1ca: {  	v49 =	vld [tilespmem:s9+$0x440];
	[tilespmem:s31+$0x9CB0] =	vst v48  }
0x1cb: {  	v48 =	vld [tilespmem:s9+$0x450];
	[tilespmem:s31+$0x9CC0] =	vst v50  }
0x1cc: {  	v50 =	vld [tilespmem:s9+$0x460];
	[tilespmem:s31+$0x9CD0] =	vst v46  }
0x1cd: {  	s1 =	sadd.s32 $0x1, s1;
	v46 =	vld [tilespmem:s9+$0x470];
	[tilespmem:s31+$0x9CE0] =	vst v34  }
0x1ce: {  	s0 =	sadd.s32 $0x1, s0;
	p0 =	slt.u32 s1, $0x3F;
	v34 =	vld [tilespmem:s9+$0x800];
	[tilespmem:s31+$0x9CF0] =	vst v33;
	s31 =	smov.u32 s9  }
0x1cf: {  	v32 =	vmax.f32 v32, v36;
	v31 =	vmax.f32 v31, v35;
	v33 =	vld.msk [tilespmem:s0+$0x0 ss:$0x0], $0xffff  }
0x1d0: {  	v30 =	vmax.f32 v30, v38;
	v28 =	vmax.f32 v28, v37;
	v29 =	vmax.f32 v29, v40;
	v35 =	vld [tilespmem:s31+$0x810]  }
0x1d1: {  	v25 =	vmax.f32 v25, v39;
	v26 =	vmax.f32 v26, v42;
	v27 =	vmax.f32 v27, v41;
	v36 =	vld [tilespmem:s31+$0x820]  }
0x1d2: {  	v23 =	vmax.f32 v23, v44;
	v24 =	vmax.f32 v24, v43;
	v20 =	vmax.f32 v20, v47;
	v37 =	vld [tilespmem:s31+$0x830]  }
0x1d3: {  	v21 =	vmax.f32 v21, v45;
	v22 =	vmax.f32 v22, v49;
	v18 =	vmax.f32 v18, v48;
	v38 =	vld [tilespmem:s31+$0x840]  }
0x1d4: {  	v19 =	vmax.f32 v19, v50;
	v15 =	vmax.f32 v15, v46;
	v16 =	vmax.f32 v16, v34;
	v34 =	vld [tilespmem:s31+$0x850]  }
0x1d5: {  	v39 =	vmul.f32 v32, v33;
	v40 =	vmul.f32 v31, v33;
	v17 =	vmax.f32 v17, v35;
	v35 =	vld [tilespmem:s31+$0x860]  }
0x1d6: {  	v41 =	vmul.f32 v30, v33;
	v42 =	vmul.f32 v28, v33;
	v14 =	vmax.f32 v14, v36;
	v36 =	vld [tilespmem:s31+$0x870]  }
0x1d7: {  	v43 =	vmul.f32 v25, v33;
	[tilespmem:s31+$0x9080] =	vst v39;
	v39 =	vmul.f32 v29, v33;
	v13 =	vmax.f32 v13, v37;
	v37 =	vld [tilespmem:s31+$0xC00]  }
0x1d8: {  	v44 =	vmul.f32 v27, v33;
	[tilespmem:s31+$0x9090] =	vst v40;
	v40 =	vmul.f32 v26, v33;
	v12 =	vmax.f32 v12, v38;
	v45 =	vld [tilespmem:s31+$0xC10]  }
0x1d9: {  	v46 =	vmul.f32 v24, v33;
	[tilespmem:s31+$0x90A0] =	vst v41;
	v41 =	vmul.f32 v23, v33;
	v11 =	vmax.f32 v11, v34;
	v47 =	vld [tilespmem:s31+$0xC20]  }
0x1da: {  	v48 =	vmul.f32 v20, v33;
	v49 =	vmul.f32 v21, v33;
	[tilespmem:s31+$0x90B0] =	vst v42;
	v10 =	vmax.f32 v10, v35;
	v50 =	vld [tilespmem:s31+$0xC30]  }
0x1db: {  	v51 =	vmul.f32 v22, v33;
	v34 =	vmul.f32 v18, v33;
	[tilespmem:s31+$0x90C0] =	vst v39;
	v9 =	vmax.f32 v9, v36;
	v52 =	vld [tilespmem:s31+$0xC40]  }
0x1dc: {  	v35 =	vmul.f32 v15, v33;
	v36 =	vmul.f32 v19, v33;
	[tilespmem:s31+$0x90D0] =	vst v43;
	v8 =	vmax.f32 v8, v37;
	v53 =	vld [tilespmem:s31+$0xC50]  }
0x1dd: {  	v38 =	vmul.f32 v16, v33;
	v37 =	vmul.f32 v17, v33;
	[tilespmem:s31+$0x90E0] =	vst v40;
	v7 =	vmax.f32 v7, v45;
	v54 =	vld [tilespmem:s31+$0xC60]  }
0x1de: {  	v39 =	vmul.f32 v13, v33;
	v40 =	vmul.f32 v14, v33;
	[tilespmem:s31+$0x90F0] =	vst v44;
	v6 =	vmax.f32 v6, v47;
	v55 =	vld [tilespmem:s31+$0xC70]  }
.Ltmp8:
0x1df: {  	v42 =	vmul.f32 v12, v33;
	[tilespmem:s31+$0x9480] =	vst v41;
	v41 =	vmul.f32 v11, v33;
	v5 =	vmax.f32 v5, v50;
	(pc) =	sbr.rel @p0 .LBB2_12-.Ltmp8, $4  }
0x1e0: {  	v43 =	vmul.f32 v9, v33;
	v44 =	vmul.f32 v10, v33;
	[tilespmem:s31+$0x9490] =	vst v46;
	v4 =	vmax.f32 v4, v52  }
0x1e1: {  	v47 =	vmul.f32 v8, v33;
	v45 =	vmul.f32 v7, v33;
	[tilespmem:s31+$0x94A0] =	vst v48;
	v3 =	vmax.f32 v3, v53  }
0x1e2: {  	v48 =	vmul.f32 v5, v33;
	[tilespmem:s31+$0x94B0] =	vst v49;
	v49 =	vmul.f32 v6, v33;
	v2 =	vmax.f32 v2, v54  }
0x1e3: {  	s3 =	sadd.s32 $0x80, s3;
	s5 =	sadd.s32 $0x200, s5;
	v50 =	vmul.f32 v4, v33;
	v46 =	vmul.f32 v3, v33;
	[tilespmem:s31+$0x94C0] =	vst v51;
	v1 =	vmax.f32 v1, v55  }
.LBB2_13:
0x1e4: {  	[tilespmem:s31+$0x94D0] =	vst v34  }
0x1e5: {  	[tilespmem:s31+$0x94E0] =	vst v36  }
0x1e6: {  	[tilespmem:s31+$0x94F0] =	vst v35  }
0x1e7: {  	[tilespmem:s31+$0x9880] =	vst v38  }
0x1e8: {  	[tilespmem:s31+$0x9890] =	vst v37  }
0x1e9: {  	[tilespmem:s31+$0x98A0] =	vst v40  }
0x1ea: {  	[tilespmem:s31+$0x98B0] =	vst v39  }
0x1eb: {  	[tilespmem:s31+$0x98C0] =	vst v42  }
0x1ec: {  	[tilespmem:s31+$0x98D0] =	vst v41  }
0x1ed: {  	[tilespmem:s31+$0x98E0] =	vst v44  }
0x1ee: {  	[tilespmem:s31+$0x98F0] =	vst v43  }
0x1ef: {  	[tilespmem:s31+$0x9C80] =	vst v47  }
0x1f0: {  	[tilespmem:s31+$0x9C90] =	vst v45  }
0x1f1: {  	[tilespmem:s31+$0x9CA0] =	vst v49;
	s22 =	sadd.s32 $0x1, s22  }
0x1f2: {  	[tilespmem:s31+$0x9CB0] =	vst v48;
	p0 =	sne.s32 s22, $0x10  }
.Ltmp9:
0x1f3: {  	v2 =	vmul.f32 v2, v33;
	[tilespmem:s31+$0x9CC0] =	vst v50;
	(pc) =	sbr.rel @p0 .LBB2_4-.Ltmp9, $4  }
.Ltmp10:
0x1f4: {  	v1 =	vmul.f32 v1, v33;
	s0 =	sadd.s32 s30, s8;
	[tilespmem:s31+$0x9CD0] =	vst v46;
	(pc) =	sbr.rel @!p0 .LBB2_14-.Ltmp10, $4  }
0x1f5: {  	s29 =	sadd.s32 $0x4, s29;
	s28 =	sadd.s32 $0xFFFFFE00, s28;
	s26 =	sadd.s32 $0xFFFFF800, s26;
	[tilespmem:s31+$0x9CE0] =	vst v2  }
0x1f6: {  	s13 =	sadd.s32 $0xFFFFFEFC, s13;
	s24 =	sadd.s32 $0xFFFFFFFC, s24;
	s23 =	sadd.s32 $0xFFFFFF00, s23;
	[tilespmem:s31+$0x9CF0] =	vst v1  }
0x1f7: {  	[hbm4b:s0+s4] =	stream.linear.scatter [tilespmem:s18], [sflag:$0x2], $0x4000, $0x38;
	[tilespmem:$0x11080] =	vst v63  }
0x1f8: {  	_ = 	snop  }
.LBB2_6:
.Ltmp11:
0x1f9: {  	(pc) =	sbr.rel .LBB2_10-.Ltmp11, $2  }
0x1fa: {  	_ =	sdelay $0x2  }
0x1fb: {  	s1 =	smov.u32 s31;
	s25 =	smov.u32 s13  }
.LBB2_8:
.Ltmp12:
0x1fc: {  	(pc) =	sbr.rel .LBB2_10-.Ltmp12, $2  }
0x1fd: {  	_ =	sdelay $0x2  }
0x1fe: {  	s25 =	smov.u32 s13  }
.LBB2_15:
0x1ff: {  	_ =	sfence.sel $0x180000  }
0x200: {  	[bflag:$0x0] =	sbarrier.arrive $0xFFFF  }
0x201: {  	_ =	strace $0x90000047  }
0x202: {  	s0 =	stileid.u32;
	[bflag:$0x2] =	sbarrier.arrive $0xFFFF  }
0x203: {  	p0 =	sne.s32 s0, $0x0;
	s0 =	rddreg [dreg:$0x3]  }
0x204: {  	s0 =	sadd.s32 @!p0 $0x100000, s0  }
0x205: {  	[sflag:s0] =	ssyncadd.tile.s32 @!p0 $0x1;
	_ =	shalt  }
.Lfunc_end2:
_tile_overlayer_lowered:
.L_overlay_start_2:
0x206: {  	(tag) =	ssettag $0x2  }
0x207: {  	s0 =	rddreg [dreg:$0x0];
	s2 =	stileid.u32  }
0x208: {  	s1 =	rddreg [dreg:$0x1];
	p0 =	sne.s32 s2, $0x0  }
0x209: {  	s3 =	rddreg [dreg:$0x2];
	[bflag:$0x3] =	sbarrier.arrive $0xFFFF;
	s2 =	simm.s32 @!p0 $0x1C03  }
0x20a: {  	[timem:s3], [sflag:s2] =	dma.local @!p0 [hbm:s0], s1  }
0x20b: {  	s0 =	simm.s32 @!p0 $0x3  }
0x20c: {  	_ =	swait.ge @!p0 [sflag:s0], s1  }
0x20d: {  	s1 =	ssub.s32 @!p0 $0x0, s1;
	[sflag:s0] =	ssyncset.done @!p0 $0x0  }
0x20e: {  	[sflag:s0] =	ssyncadd.s32 @!p0 s1  }
0x20f: {  	[bflag:$0x3] =	sbarrier.arrive $0xFFFF  }
0x210: {  	_ =	shalt  }

</sc_bundles>
